<compile_context>
chip_gen: v7x
topology: tpu7x:2x2x1
jax: 0.10.2.dev20260603
libtpu: 0.0.44.dev20260713+nightly
codegen_flags: <defaults>
</compile_context>

<pallas_src>
import functools

import jax
import jax.numpy as jnp
from jax import lax
from jax.experimental import pallas as pl
from jax.experimental.pallas import tpu as pltpu
from jax.experimental.pallas import tpu_sc as plsc

MAXR = 1000
B = 16384
NC = 2
NS = 16
NW = NC * NS
BPW = B // NW
CH = 128
NCH = BPW // CH
L = 16
MAGIC = 2.0 ** 23

_mesh = plsc.VectorSubcoreMesh(core_axis_name="c", subcore_axis_name="s")


@functools.partial(
    pl.kernel,
    mesh=_mesh,
    out_type=jax.ShapeDtypeStruct((NW, NCH, CH), jnp.float32),
    scratch_types=[
        pltpu.VMEM((BPW,), jnp.float32),
        pltpu.VMEM((NCH, CH), jnp.float32),
        pltpu.SemaphoreType.DMA,
        pltpu.SemaphoreType.DMA,
        pltpu.SemaphoreType.DMA,
        pltpu.SemaphoreType.DMA,
        pltpu.SemaphoreType.DMA,
    ],
)
def _gather_kernel(x_hbm, p_hbm, out_hbm, x_v, g_v, sg0, sg1, sg2, sg3, so):
    wid = lax.axis_index("s") * NC + lax.axis_index("c")
    base = wid * BPW
    sg = (sg0, sg1, sg2, sg3)
    pltpu.sync_copy(x_hbm.at[pl.ds(base, BPW)], x_v)
    lane = lax.iota(jnp.int32, L)
    gathers = [[] for _ in range(NCH)]
    for j in range(NCH):
        for t in range(CH // L):
            off = j * CH + t * L
            v = x_v[pl.ds(off, L)] * float(MAXR - 1)
            r = (v + MAGIC) - MAGIC
            c = r.astype(jnp.int32)
            bconst = (((base + off) >> 7) << 10) + ((base + off) & 127)
            poff = (((c >> 3) << 17) | ((c & 7) << 7)) + (lane + bconst)
            gathers[j].append(
                pltpu.async_copy(
                    p_hbm.at[poff], g_v.at[j].at[pl.ds(t * L, L)], sg[j]
                )
            )
    outs = []
    for j in range(NCH):
        for g in gathers[j]:
            g.wait()
        outs.append(pltpu.async_copy(g_v.at[j], out_hbm.at[wid].at[j], so))
    for o in outs:
        o.wait()


def kernel(x, param):
    p_perm = (
        param.reshape(B, MAXR)
        .transpose(1, 0)
        .reshape(MAXR // 8, 8, B // 128, 128)
        .transpose(0, 2, 1, 3)
        .reshape(B * MAXR)
    )
    out = _gather_kernel(x, p_perm)
    return out.reshape(B, 1, 1)

# --- scband reference (transcript-rebuilt; emitter-appended) ---
"""Pipeline reference for scband-eval-convex-18631568130505 (READ-ONLY COPY).

The authoritative reference and input builder live on the scoring server;
editing this copy changes nothing except your own understanding.
"""

import jax, jax.numpy as jnp
import numpy as np

MAX_RANGE = 1000
BATCH = 16384

def setup_inputs(seed: int = 0) -> dict:
    key = jax.random.key(seed)
    k1, k2 = jax.random.split(key)
    x = jax.random.uniform(k1, (BATCH,), dtype=jnp.float32)
    param = jax.random.normal(k2, (BATCH, 1, MAX_RANGE), dtype=jnp.float32)
    return {"x": x, "param": param}

def reference(x, param):
    # x = x * (max_range - 1); round to int; view(-1,1,1); gather along dim 2
    xs = x * (MAX_RANGE - 1)
    idx = jnp.round(xs).astype(jnp.int32).reshape(-1, 1, 1)
    out = jnp.take_along_axis(param, idx, axis=2)
    return out

if __name__ == "__main__":
    import jax
    _d = setup_inputs()
    print(jax.jit(kernel)(*tuple(_d.values())))

</pallas_src>

<mosaic_0001>
#map = affine_map<(d0, d1) -> (0)>
#map1 = affine_map<(d0, d1) -> (0, 0, 0)>
module attributes {stable_mosaic.version = 14 : i64} {
  func.func @_gather_kernel(%arg0: i32, %arg1: i32, %arg2: memref<16384xf32, #tpu.memory_space<hbm>>, %arg3: memref<16384000xf32, #tpu.memory_space<hbm>>, %arg4: memref<32x4x128xf32, #tpu.memory_space<hbm>>, %arg5: memref<512xf32, #tpu.memory_space<vmem>>, %arg6: memref<4x128xf32, #tpu.memory_space<vmem>>, %arg7: memref<!tpu.dma_semaphore, #tpu.memory_space<semaphore_mem>>, %arg8: memref<!tpu.dma_semaphore, #tpu.memory_space<semaphore_mem>>, %arg9: memref<!tpu.dma_semaphore, #tpu.memory_space<semaphore_mem>>, %arg10: memref<!tpu.dma_semaphore, #tpu.memory_space<semaphore_mem>>, %arg11: memref<!tpu.dma_semaphore, #tpu.memory_space<semaphore_mem>>) attributes {dimension_semantics = [#tpu.dimension_semantics<core_parallel>, #tpu.dimension_semantics<subcore_parallel>], iteration_bounds = array<i64: 2, 16>, scalar_prefetch = 0 : i64, scratch_operands = 7 : i64, tpu.core_type = #tpu.core_type<sc_vector_subcore>, window_params = [{transform_indices = #map}, {transform_indices = #map}, {transform_indices = #map1}]} {
    %mul3A = arith.constant 2 : i32
    %mul3A_0 = arith.muli %arg1, %mul3A : i32
    %add3A = arith.addi %mul3A_0, %arg0 : i32
    %mul3A_1 = arith.constant 512 : i32
    %mul3A_2 = arith.muli %add3A, %mul3A_1 : i32
    "tpu.region"() ({
      %run_scoped3A = tpu.sem_alloc : memref<!tpu.dma_semaphore, #tpu.memory_space<semaphore_mem>>
      %dma_start3A_1962 = tpu.memref_slice %arg2[%mul3A_2] : memref<16384xf32, #tpu.memory_space<hbm>> -> memref<512xf32, #tpu.memory_space<hbm>>
      %dma_start3A_1963 = tpu.memref_slice %arg2[%mul3A_2] : memref<16384xf32, #tpu.memory_space<hbm>> -> memref<512xf32, #tpu.memory_space<hbm>>
      tpu.enqueue_dma source(%dma_start3A_1963 : memref<512xf32, #tpu.memory_space<hbm>>) target(%arg5 : memref<512xf32, #tpu.memory_space<vmem>>) target_semaphore(%run_scoped3A : memref<!tpu.dma_semaphore, #tpu.memory_space<semaphore_mem>>)
      %dma_wait3A_1964 = tpu.memref_slice %arg2[%mul3A_2] : memref<16384xf32, #tpu.memory_space<hbm>> -> memref<512xf32, #tpu.memory_space<hbm>>
      %dma_wait3A_1965 = tpu.memref_slice %arg2[%mul3A_2] : memref<16384xf32, #tpu.memory_space<hbm>> -> memref<512xf32, #tpu.memory_space<hbm>>
      tpu.wait_dma2 semaphore(%run_scoped3A : memref<!tpu.dma_semaphore, #tpu.memory_space<semaphore_mem>>) src(%dma_wait3A_1965 : memref<512xf32, #tpu.memory_space<hbm>>) dst(%arg5 : memref<512xf32, #tpu.memory_space<vmem>>)
      tpu.yield
    }) : () -> ()
    %iota3A = tpu.iota {dimensions = array<i32: 0>} : vector<16xi32>
    %get3A = arith.constant 0 : index
    %get3A_3 = tpu.vector_load %arg5[%get3A] {strides = array<i32>} : memref<512xf32, #tpu.memory_space<vmem>>, vector<16xf32>,
    %get3A_4 = vector.shape_cast %get3A_3 : vector<16xf32> to vector<16xf32>
    %mul3A_5 = arith.constant 9.990000e+02 : f32
    %mul3A_6 = vector.broadcast %mul3A_5 : f32 to vector<16xf32>
    %mul3A_7 = arith.mulf %get3A_4, %mul3A_6 : vector<16xf32>
    %add3A_8 = arith.constant 0x4B000000 : f32
    %add3A_9 = vector.broadcast %add3A_8 : f32 to vector<16xf32>
    %add3A_10 = arith.addf %mul3A_7, %add3A_9 : vector<16xf32>
    %sub3A = arith.constant 0x4B000000 : f32
    %sub3A_11 = vector.broadcast %sub3A : f32 to vector<16xf32>
    %sub3A_12 = arith.subf %add3A_10, %sub3A_11 : vector<16xf32>
    %convert_element_type3A = arith.fptosi %sub3A_12 : vector<16xf32> to vector<16xi32>
    %add3A_13 = arith.constant 0 : i32
    %add3A_14 = arith.addi %mul3A_2, %add3A_13 : i32
    %shift_right_arithmetic3A = arith.constant 7 : i32
    %shift_right_arithmetic3A_15 = arith.shrsi %add3A_14, %shift_right_arithmetic3A : i32
    %shift_left3A = arith.constant 10 : i32
    %shift_left3A_16 = arith.shli %shift_right_arithmetic3A_15, %shift_left3A : i32
    %add3A_17 = arith.constant 0 : i32
    %add3A_18 = arith.addi %mul3A_2, %add3A_17 : i32
    %and3A = arith.constant 127 : i32
    %and3A_19 = arith.andi %add3A_18, %and3A : i32
    %add3A_20 = arith.addi %shift_left3A_16, %and3A_19 : i32
    %shift_right_arithmetic3A_21 = arith.constant 3 : i32
    %shift_right_arithmetic3A_22 = vector.broadcast %shift_right_arithmetic3A_21 : i32 to vector<16xi32>
    %shift_right_arithmetic3A_23 = arith.shrsi %convert_element_type3A, %shift_right_arithmetic3A_22 : vector<16xi32>
    %shift_left3A_24 = arith.constant 17 : i32
    %shift_left3A_25 = vector.broadcast %shift_left3A_24 : i32 to vector<16xi32>
    %shift_left3A_26 = arith.shli %shift_right_arithmetic3A_23, %shift_left3A_25 : vector<16xi32>
    %and3A_27 = arith.constant 7 : i32
    %and3A_28 = vector.broadcast %and3A_27 : i32 to vector<16xi32>
    %and3A_29 = arith.andi %convert_element_type3A, %and3A_28 : vector<16xi32>
    %shift_left3A_30 = arith.constant 7 : i32
    %shift_left3A_31 = vector.broadcast %shift_left3A_30 : i32 to vector<16xi32>
    %shift_left3A_32 = arith.shli %and3A_29, %shift_left3A_31 : vector<16xi32>
    %or3A = arith.ori %shift_left3A_26, %shift_left3A_32 : vector<16xi32>
    %add3A_33 = vector.broadcast %add3A_20 : i32 to vector<16xi32>
    %add3A_34 = arith.addi %iota3A, %add3A_33 : vector<16xi32>
    %add3A_35 = arith.addi %or3A, %add3A_34 : vector<16xi32>
    %dma_start3A = arith.constant 0 : i32
    %dma_start3A_36 = arith.constant 0 : i32
    %dma_start3A_37 = tpu.memref_slice %arg6[%dma_start3A, %dma_start3A_36] : memref<4x128xf32, #tpu.memory_space<vmem>> -> memref<1x128xf32, #tpu.memory_space<vmem>>
    %dma_start3A_38 = tpu.memref_squeeze %dma_start3A_37 : memref<1x128xf32, #tpu.memory_space<vmem>> -> memref<128xf32, #tpu.memory_space<vmem>>
    %dma_start3A_39 = arith.constant 0 : i32
    %dma_start3A_40 = tpu.memref_slice %dma_start3A_38[%dma_start3A_39] : memref<128xf32, #tpu.memory_space<vmem>> -> memref<16xf32, #tpu.memory_space<vmem>>
    %dma_start3A_41 = arith.constant 0 : i32
    %dma_start3A_42 = tpu.memref_slice %arg3[%dma_start3A_41] : memref<16384000xf32, #tpu.memory_space<hbm>> -> memref<16384000xf32, #tpu.memory_space<hbm>>
    tpu.enqueue_indirect_dma source(%dma_start3A_42 : memref<16384000xf32, #tpu.memory_space<hbm>>) target(%dma_start3A_40 : memref<16xf32, #tpu.memory_space<vmem>>) offsets(%add3A_35 : vector<16xi32>) semaphore(%arg7 : memref<!tpu.dma_semaphore, #tpu.memory_space<semaphore_mem>>)
    %get3A_43 = arith.constant 16 : index
    %get3A_44 = tpu.vector_load %arg5[%get3A_43] {strides = array<i32>} : memref<512xf32, #tpu.memory_space<vmem>>, vector<16xf32>,
    %get3A_45 = vector.shape_cast %get3A_44 : vector<16xf32> to vector<16xf32>
    %mul3A_46 = arith.constant 9.990000e+02 : f32
    %mul3A_47 = vector.broadcast %mul3A_46 : f32 to vector<16xf32>
    %mul3A_48 = arith.mulf %get3A_45, %mul3A_47 : vector<16xf32>
    %add3A_49 = arith.constant 0x4B000000 : f32
    %add3A_50 = vector.broadcast %add3A_49 : f32 to vector<16xf32>
    %add3A_51 = arith.addf %mul3A_48, %add3A_50 : vector<16xf32>
    %sub3A_52 = arith.constant 0x4B000000 : f32
    %sub3A_53 = vector.broadcast %sub3A_52 : f32 to vector<16xf32>
    %sub3A_54 = arith.subf %add3A_51, %sub3A_53 : vector<16xf32>
    %convert_element_type3A_55 = arith.fptosi %sub3A_54 : vector<16xf32> to vector<16xi32>
    %add3A_56 = arith.constant 16 : i32
    %add3A_57 = arith.addi %mul3A_2, %add3A_56 : i32
    %shift_right_arithmetic3A_58 = arith.constant 7 : i32
    %shift_right_arithmetic3A_59 = arith.shrsi %add3A_57, %shift_right_arithmetic3A_58 : i32
    %shift_left3A_60 = arith.constant 10 : i32
    %shift_left3A_61 = arith.shli %shift_right_arithmetic3A_59, %shift_left3A_60 : i32
    %add3A_62 = arith.constant 16 : i32
    %add3A_63 = arith.addi %mul3A_2, %add3A_62 : i32
    %and3A_64 = arith.constant 127 : i32
    %and3A_65 = arith.andi %add3A_63, %and3A_64 : i32
    %add3A_66 = arith.addi %shift_left3A_61, %and3A_65 : i32
    %shift_right_arithmetic3A_67 = arith.constant 3 : i32
    %shift_right_arithmetic3A_68 = vector.broadcast %shift_right_arithmetic3A_67 : i32 to vector<16xi32>
    %shift_right_arithmetic3A_69 = arith.shrsi %convert_element_type3A_55, %shift_right_arithmetic3A_68 : vector<16xi32>
    %shift_left3A_70 = arith.constant 17 : i32
    %shift_left3A_71 = vector.broadcast %shift_left3A_70 : i32 to vector<16xi32>
    %shift_left3A_72 = arith.shli %shift_right_arithmetic3A_69, %shift_left3A_71 : vector<16xi32>
    %and3A_73 = arith.constant 7 : i32
    %and3A_74 = vector.broadcast %and3A_73 : i32 to vector<16xi32>
    %and3A_75 = arith.andi %convert_element_type3A_55, %and3A_74 : vector<16xi32>
    %shift_left3A_76 = arith.constant 7 : i32
    %shift_left3A_77 = vector.broadcast %shift_left3A_76 : i32 to vector<16xi32>
    %shift_left3A_78 = arith.shli %and3A_75, %shift_left3A_77 : vector<16xi32>
    %or3A_79 = arith.ori %shift_left3A_72, %shift_left3A_78 : vector<16xi32>
    %add3A_80 = vector.broadcast %add3A_66 : i32 to vector<16xi32>
    %add3A_81 = arith.addi %iota3A, %add3A_80 : vector<16xi32>
    %add3A_82 = arith.addi %or3A_79, %add3A_81 : vector<16xi32>
    %dma_start3A_83 = arith.constant 0 : i32
    %dma_start3A_84 = arith.constant 0 : i32
    %dma_start3A_85 = tpu.memref_slice %arg6[%dma_start3A_83, %dma_start3A_84] : memref<4x128xf32, #tpu.memory_space<vmem>> -> memref<1x128xf32, #tpu.memory_space<vmem>>
    %dma_start3A_86 = tpu.memref_squeeze %dma_start3A_85 : memref<1x128xf32, #tpu.memory_space<vmem>> -> memref<128xf32, #tpu.memory_space<vmem>>
    %dma_start3A_87 = arith.constant 16 : i32
    %dma_start3A_88 = tpu.memref_slice %dma_start3A_86[%dma_start3A_87] : memref<128xf32, #tpu.memory_space<vmem>> -> memref<16xf32, #tpu.memory_space<vmem>>
    %dma_start3A_89 = arith.constant 0 : i32
    %dma_start3A_90 = tpu.memref_slice %arg3[%dma_start3A_89] : memref<16384000xf32, #tpu.memory_space<hbm>> -> memref<16384000xf32, #tpu.memory_space<hbm>>
    tpu.enqueue_indirect_dma source(%dma_start3A_90 : memref<16384000xf32, #tpu.memory_space<hbm>>) target(%dma_start3A_88 : memref<16xf32, #tpu.memory_space<vmem>>) offsets(%add3A_82 : vector<16xi32>) semaphore(%arg7 : memref<!tpu.dma_semaphore, #tpu.memory_space<semaphore_mem>>)
    %get3A_91 = arith.constant 32 : index
    %get3A_92 = tpu.vector_load %arg5[%get3A_91] {strides = array<i32>} : memref<512xf32, #tpu.memory_space<vmem>>, vector<16xf32>,
    %get3A_93 = vector.shape_cast %get3A_92 : vector<16xf32> to vector<16xf32>
    %mul3A_94 = arith.constant 9.990000e+02 : f32
    %mul3A_95 = vector.broadcast %mul3A_94 : f32 to vector<16xf32>
    %mul3A_96 = arith.mulf %get3A_93, %mul3A_95 : vector<16xf32>
    %add3A_97 = arith.constant 0x4B000000 : f32
    %add3A_98 = vector.broadcast %add3A_97 : f32 to vector<16xf32>
    %add3A_99 = arith.addf %mul3A_96, %add3A_98 : vector<16xf32>
    %sub3A_100 = arith.constant 0x4B000000 : f32
    %sub3A_101 = vector.broadcast %sub3A_100 : f32 to vector<16xf32>
    %sub3A_102 = arith.subf %add3A_99, %sub3A_101 : vector<16xf32>
    %convert_element_type3A_103 = arith.fptosi %sub3A_102 : vector<16xf32> to vector<16xi32>
    %add3A_104 = arith.constant 32 : i32
    %add3A_105 = arith.addi %mul3A_2, %add3A_104 : i32
    %shift_right_arithmetic3A_106 = arith.constant 7 : i32
    %shift_right_arithmetic3A_107 = arith.shrsi %add3A_105, %shift_right_arithmetic3A_106 : i32
    %shift_left3A_108 = arith.constant 10 : i32
    %shift_left3A_109 = arith.shli %shift_right_arithmetic3A_107, %shift_left3A_108 : i32
    %add3A_110 = arith.constant 32 : i32
    %add3A_111 = arith.addi %mul3A_2, %add3A_110 : i32
    %and3A_112 = arith.constant 127 : i32
    %and3A_113 = arith.andi %add3A_111, %and3A_112 : i32
    %add3A_114 = arith.addi %shift_left3A_109, %and3A_113 : i32
    %shift_right_arithmetic3A_115 = arith.constant 3 : i32
    %shift_right_arithmetic3A_116 = vector.broadcast %shift_right_arithmetic3A_115 : i32 to vector<16xi32>
    %shift_right_arithmetic3A_117 = arith.shrsi %convert_element_type3A_103, %shift_right_arithmetic3A_116 : vector<16xi32>
    %shift_left3A_118 = arith.constant 17 : i32
    %shift_left3A_119 = vector.broadcast %shift_left3A_118 : i32 to vector<16xi32>
    %shift_left3A_120 = arith.shli %shift_right_arithmetic3A_117, %shift_left3A_119 : vector<16xi32>
    %and3A_121 = arith.constant 7 : i32
    %and3A_122 = vector.broadcast %and3A_121 : i32 to vector<16xi32>
    %and3A_123 = arith.andi %convert_element_type3A_103, %and3A_122 : vector<16xi32>
    %shift_left3A_124 = arith.constant 7 : i32
    %shift_left3A_125 = vector.broadcast %shift_left3A_124 : i32 to vector<16xi32>
    %shift_left3A_126 = arith.shli %and3A_123, %shift_left3A_125 : vector<16xi32>
    %or3A_127 = arith.ori %shift_left3A_120, %shift_left3A_126 : vector<16xi32>
    %add3A_128 = vector.broadcast %add3A_114 : i32 to vector<16xi32>
    %add3A_129 = arith.addi %iota3A, %add3A_128 : vector<16xi32>
    %add3A_130 = arith.addi %or3A_127, %add3A_129 : vector<16xi32>
    %dma_start3A_131 = arith.constant 0 : i32
    %dma_start3A_132 = arith.constant 0 : i32
    %dma_start3A_133 = tpu.memref_slice %arg6[%dma_start3A_131, %dma_start3A_132] : memref<4x128xf32, #tpu.memory_space<vmem>> -> memref<1x128xf32, #tpu.memory_space<vmem>>
    %dma_start3A_134 = tpu.memref_squeeze %dma_start3A_133 : memref<1x128xf32, #tpu.memory_space<vmem>> -> memref<128xf32, #tpu.memory_space<vmem>>
    %dma_start3A_135 = arith.constant 32 : i32
    %dma_start3A_136 = tpu.memref_slice %dma_start3A_134[%dma_start3A_135] : memref<128xf32, #tpu.memory_space<vmem>> -> memref<16xf32, #tpu.memory_space<vmem>>
    %dma_start3A_137 = arith.constant 0 : i32
    %dma_start3A_138 = tpu.memref_slice %arg3[%dma_start3A_137] : memref<16384000xf32, #tpu.memory_space<hbm>> -> memref<16384000xf32, #tpu.memory_space<hbm>>
    tpu.enqueue_indirect_dma source(%dma_start3A_138 : memref<16384000xf32, #tpu.memory_space<hbm>>) target(%dma_start3A_136 : memref<16xf32, #tpu.memory_space<vmem>>) offsets(%add3A_130 : vector<16xi32>) semaphore(%arg7 : memref<!tpu.dma_semaphore, #tpu.memory_space<semaphore_mem>>)
    %get3A_139 = arith.constant 48 : index
    %get3A_140 = tpu.vector_load %arg5[%get3A_139] {strides = array<i32>} : memref<512xf32, #tpu.memory_space<vmem>>, vector<16xf32>,
    %get3A_141 = vector.shape_cast %get3A_140 : vector<16xf32> to vector<16xf32>
    %mul3A_142 = arith.constant 9.990000e+02 : f32
    %mul3A_143 = vector.broadcast %mul3A_142 : f32 to vector<16xf32>
    %mul3A_144 = arith.mulf %get3A_141, %mul3A_143 : vector<16xf32>
    %add3A_145 = arith.constant 0x4B000000 : f32
    %add3A_146 = vector.broadcast %add3A_145 : f32 to vector<16xf32>
    %add3A_147 = arith.addf %mul3A_144, %add3A_146 : vector<16xf32>
    %sub3A_148 = arith.constant 0x4B000000 : f32
    %sub3A_149 = vector.broadcast %sub3A_148 : f32 to vector<16xf32>
    %sub3A_150 = arith.subf %add3A_147, %sub3A_149 : vector<16xf32>
    %convert_element_type3A_151 = arith.fptosi %sub3A_150 : vector<16xf32> to vector<16xi32>
    %add3A_152 = arith.constant 48 : i32
    %add3A_153 = arith.addi %mul3A_2, %add3A_152 : i32
    %shift_right_arithmetic3A_154 = arith.constant 7 : i32
    %shift_right_arithmetic3A_155 = arith.shrsi %add3A_153, %shift_right_arithmetic3A_154 : i32
    %shift_left3A_156 = arith.constant 10 : i32
    %shift_left3A_157 = arith.shli %shift_right_arithmetic3A_155, %shift_left3A_156 : i32
    %add3A_158 = arith.constant 48 : i32
    %add3A_159 = arith.addi %mul3A_2, %add3A_158 : i32
    %and3A_160 = arith.constant 127 : i32
    %and3A_161 = arith.andi %add3A_159, %and3A_160 : i32
    %add3A_162 = arith.addi %shift_left3A_157, %and3A_161 : i32
    %shift_right_arithmetic3A_163 = arith.constant 3 : i32
    %shift_right_arithmetic3A_164 = vector.broadcast %shift_right_arithmetic3A_163 : i32 to vector<16xi32>
    %shift_right_arithmetic3A_165 = arith.shrsi %convert_element_type3A_151, %shift_right_arithmetic3A_164 : vector<16xi32>
    %shift_left3A_166 = arith.constant 17 : i32
    %shift_left3A_167 = vector.broadcast %shift_left3A_166 : i32 to vector<16xi32>
    %shift_left3A_168 = arith.shli %shift_right_arithmetic3A_165, %shift_left3A_167 : vector<16xi32>
    %and3A_169 = arith.constant 7 : i32
    %and3A_170 = vector.broadcast %and3A_169 : i32 to vector<16xi32>
    %and3A_171 = arith.andi %convert_element_type3A_151, %and3A_170 : vector<16xi32>
    %shift_left3A_172 = arith.constant 7 : i32
    %shift_left3A_173 = vector.broadcast %shift_left3A_172 : i32 to vector<16xi32>
    %shift_left3A_174 = arith.shli %and3A_171, %shift_left3A_173 : vector<16xi32>
    %or3A_175 = arith.ori %shift_left3A_168, %shift_left3A_174 : vector<16xi32>
    %add3A_176 = vector.broadcast %add3A_162 : i32 to vector<16xi32>
    %add3A_177 = arith.addi %iota3A, %add3A_176 : vector<16xi32>
    %add3A_178 = arith.addi %or3A_175, %add3A_177 : vector<16xi32>
    %dma_start3A_179 = arith.constant 0 : i32
    %dma_start3A_180 = arith.constant 0 : i32
    %dma_start3A_181 = tpu.memref_slice %arg6[%dma_start3A_179, %dma_start3A_180] : memref<4x128xf32, #tpu.memory_space<vmem>> -> memref<1x128xf32, #tpu.memory_space<vmem>>
    %dma_start3A_182 = tpu.memref_squeeze %dma_start3A_181 : memref<1x128xf32, #tpu.memory_space<vmem>> -> memref<128xf32, #tpu.memory_space<vmem>>
    %dma_start3A_183 = arith.constant 48 : i32
    %dma_start3A_184 = tpu.memref_slice %dma_start3A_182[%dma_start3A_183] : memref<128xf32, #tpu.memory_space<vmem>> -> memref<16xf32, #tpu.memory_space<vmem>>
    %dma_start3A_185 = arith.constant 0 : i32
    %dma_start3A_186 = tpu.memref_slice %arg3[%dma_start3A_185] : memref<16384000xf32, #tpu.memory_space<hbm>> -> memref<16384000xf32, #tpu.memory_space<hbm>>
    tpu.enqueue_indirect_dma source(%dma_start3A_186 : memref<16384000xf32, #tpu.memory_space<hbm>>) target(%dma_start3A_184 : memref<16xf32, #tpu.memory_space<vmem>>) offsets(%add3A_178 : vector<16xi32>) semaphore(%arg7 : memref<!tpu.dma_semaphore, #tpu.memory_space<semaphore_mem>>)
    %get3A_187 = arith.constant 64 : index
    %get3A_188 = tpu.vector_load %arg5[%get3A_187] {strides = array<i32>} : memref<512xf32, #tpu.memory_space<vmem>>, vector<16xf32>,
    %get3A_189 = vector.shape_cast %get3A_188 : vector<16xf32> to vector<16xf32>
    %mul3A_190 = arith.constant 9.990000e+02 : f32
    %mul3A_191 = vector.broadcast %mul3A_190 : f32 to vector<16xf32>
    %mul3A_192 = arith.mulf %get3A_189, %mul3A_191 : vector<16xf32>
    %add3A_193 = arith.constant 0x4B000000 : f32
    %add3A_194 = vector.broadcast %add3A_193 : f32 to vector<16xf32>
    %add3A_195 = arith.addf %mul3A_192, %add3A_194 : vector<16xf32>
    %sub3A_196 = arith.constant 0x4B000000 : f32
    %sub3A_197 = vector.broadcast %sub3A_196 : f32 to vector<16xf32>
    %sub3A_198 = arith.subf %add3A_195, %sub3A_197 : vector<16xf32>
    %convert_element_type3A_199 = arith.fptosi %sub3A_198 : vector<16xf32> to vector<16xi32>
    %add3A_200 = arith.constant 64 : i32
    %add3A_201 = arith.addi %mul3A_2, %add3A_200 : i32
    %shift_right_arithmetic3A_202 = arith.constant 7 : i32
    %shift_right_arithmetic3A_203 = arith.shrsi %add3A_201, %shift_right_arithmetic3A_202 : i32
    %shift_left3A_204 = arith.constant 10 : i32
    %shift_left3A_205 = arith.shli %shift_right_arithmetic3A_203, %shift_left3A_204 : i32
    %add3A_206 = arith.constant 64 : i32
    %add3A_207 = arith.addi %mul3A_2, %add3A_206 : i32
    %and3A_208 = arith.constant 127 : i32
    %and3A_209 = arith.andi %add3A_207, %and3A_208 : i32
    %add3A_210 = arith.addi %shift_left3A_205, %and3A_209 : i32
    %shift_right_arithmetic3A_211 = arith.constant 3 : i32
    %shift_right_arithmetic3A_212 = vector.broadcast %shift_right_arithmetic3A_211 : i32 to vector<16xi32>
    %shift_right_arithmetic3A_213 = arith.shrsi %convert_element_type3A_199, %shift_right_arithmetic3A_212 : vector<16xi32>
    %shift_left3A_214 = arith.constant 17 : i32
    %shift_left3A_215 = vector.broadcast %shift_left3A_214 : i32 to vector<16xi32>
    %shift_left3A_216 = arith.shli %shift_right_arithmetic3A_213, %shift_left3A_215 : vector<16xi32>
    %and3A_217 = arith.constant 7 : i32
    %and3A_218 = vector.broadcast %and3A_217 : i32 to vector<16xi32>
    %and3A_219 = arith.andi %convert_element_type3A_199, %and3A_218 : vector<16xi32>
    %shift_left3A_220 = arith.constant 7 : i32
    %shift_left3A_221 = vector.broadcast %shift_left3A_220 : i32 to vector<16xi32>
    %shift_left3A_222 = arith.shli %and3A_219, %shift_left3A_221 : vector<16xi32>
    %or3A_223 = arith.ori %shift_left3A_216, %shift_left3A_222 : vector<16xi32>
    %add3A_224 = vector.broadcast %add3A_210 : i32 to vector<16xi32>
    %add3A_225 = arith.addi %iota3A, %add3A_224 : vector<16xi32>
    %add3A_226 = arith.addi %or3A_223, %add3A_225 : vector<16xi32>
    %dma_start3A_227 = arith.constant 0 : i32
    %dma_start3A_228 = arith.constant 0 : i32
    %dma_start3A_229 = tpu.memref_slice %arg6[%dma_start3A_227, %dma_start3A_228] : memref<4x128xf32, #tpu.memory_space<vmem>> -> memref<1x128xf32, #tpu.memory_space<vmem>>
    %dma_start3A_230 = tpu.memref_squeeze %dma_start3A_229 : memref<1x128xf32, #tpu.memory_space<vmem>> -> memref<128xf32, #tpu.memory_space<vmem>>
    %dma_start3A_231 = arith.constant 64 : i32
    %dma_start3A_232 = tpu.memref_slice %dma_start3A_230[%dma_start3A_231] : memref<128xf32, #tpu.memory_space<vmem>> -> memref<16xf32, #tpu.memory_space<vmem>>
    %dma_start3A_233 = arith.constant 0 : i32
    %dma_start3A_234 = tpu.memref_slice %arg3[%dma_start3A_233] : memref<16384000xf32, #tpu.memory_space<hbm>> -> memref<16384000xf32, #tpu.memory_space<hbm>>
    tpu.enqueue_indirect_dma source(%dma_start3A_234 : memref<16384000xf32, #tpu.memory_space<hbm>>) target(%dma_start3A_232 : memref<16xf32, #tpu.memory_space<vmem>>) offsets(%add3A_226 : vector<16xi32>) semaphore(%arg7 : memref<!tpu.dma_semaphore, #tpu.memory_space<semaphore_mem>>)
    %get3A_235 = arith.constant 80 : index
    %get3A_236 = tpu.vector_load %arg5[%get3A_235] {strides = array<i32>} : memref<512xf32, #tpu.memory_space<vmem>>, vector<16xf32>,
    %get3A_237 = vector.shape_cast %get3A_236 : vector<16xf32> to vector<16xf32>
    %mul3A_238 = arith.constant 9.990000e+02 : f32
    %mul3A_239 = vector.broadcast %mul3A_238 : f32 to vector<16xf32>
    %mul3A_240 = arith.mulf %get3A_237, %mul3A_239 : vector<16xf32>
    %add3A_241 = arith.constant 0x4B000000 : f32
    %add3A_242 = vector.broadcast %add3A_241 : f32 to vector<16xf32>
    %add3A_243 = arith.addf %mul3A_240, %add3A_242 : vector<16xf32>
    %sub3A_244 = arith.constant 0x4B000000 : f32
    %sub3A_245 = vector.broadcast %sub3A_244 : f32 to vector<16xf32>
    %sub3A_246 = arith.subf %add3A_243, %sub3A_245 : vector<16xf32>
    %convert_element_type3A_247 = arith.fptosi %sub3A_246 : vector<16xf32> to vector<16xi32>
    %add3A_248 = arith.constant 80 : i32
    %add3A_249 = arith.addi %mul3A_2, %add3A_248 : i32
    %shift_right_arithmetic3A_250 = arith.constant 7 : i32
    %shift_right_arithmetic3A_251 = arith.shrsi %add3A_249, %shift_right_arithmetic3A_250 : i32
    %shift_left3A_252 = arith.constant 10 : i32
    %shift_left3A_253 = arith.shli %shift_right_arithmetic3A_251, %shift_left3A_252 : i32
    %add3A_254 = arith.constant 80 : i32
    %add3A_255 = arith.addi %mul3A_2, %add3A_254 : i32
    %and3A_256 = arith.constant 127 : i32
    %and3A_257 = arith.andi %add3A_255, %and3A_256 : i32
    %add3A_258 = arith.addi %shift_left3A_253, %and3A_257 : i32
    %shift_right_arithmetic3A_259 = arith.constant 3 : i32
    %shift_right_arithmetic3A_260 = vector.broadcast %shift_right_arithmetic3A_259 : i32 to vector<16xi32>
    %shift_right_arithmetic3A_261 = arith.shrsi %convert_element_type3A_247, %shift_right_arithmetic3A_260 : vector<16xi32>
    %shift_left3A_262 = arith.constant 17 : i32
    %shift_left3A_263 = vector.broadcast %shift_left3A_262 : i32 to vector<16xi32>
    %shift_left3A_264 = arith.shli %shift_right_arithmetic3A_261, %shift_left3A_263 : vector<16xi32>
    %and3A_265 = arith.constant 7 : i32
    %and3A_266 = vector.broadcast %and3A_265 : i32 to vector<16xi32>
    %and3A_267 = arith.andi %convert_element_type3A_247, %and3A_266 : vector<16xi32>
    %shift_left3A_268 = arith.constant 7 : i32
    %shift_left3A_269 = vector.broadcast %shift_left3A_268 : i32 to vector<16xi32>
    %shift_left3A_270 = arith.shli %and3A_267, %shift_left3A_269 : vector<16xi32>
    %or3A_271 = arith.ori %shift_left3A_264, %shift_left3A_270 : vector<16xi32>
    %add3A_272 = vector.broadcast %add3A_258 : i32 to vector<16xi32>
    %add3A_273 = arith.addi %iota3A, %add3A_272 : vector<16xi32>
    %add3A_274 = arith.addi %or3A_271, %add3A_273 : vector<16xi32>
    %dma_start3A_275 = arith.constant 0 : i32
    %dma_start3A_276 = arith.constant 0 : i32
    %dma_start3A_277 = tpu.memref_slice %arg6[%dma_start3A_275, %dma_start3A_276] : memref<4x128xf32, #tpu.memory_space<vmem>> -> memref<1x128xf32, #tpu.memory_space<vmem>>
    %dma_start3A_278 = tpu.memref_squeeze %dma_start3A_277 : memref<1x128xf32, #tpu.memory_space<vmem>> -> memref<128xf32, #tpu.memory_space<vmem>>
    %dma_start3A_279 = arith.constant 80 : i32
    %dma_start3A_280 = tpu.memref_slice %dma_start3A_278[%dma_start3A_279] : memref<128xf32, #tpu.memory_space<vmem>> -> memref<16xf32, #tpu.memory_space<vmem>>
    %dma_start3A_281 = arith.constant 0 : i32
    %dma_start3A_282 = tpu.memref_slice %arg3[%dma_start3A_281] : memref<16384000xf32, #tpu.memory_space<hbm>> -> memref<16384000xf32, #tpu.memory_space<hbm>>
    tpu.enqueue_indirect_dma source(%dma_start3A_282 : memref<16384000xf32, #tpu.memory_space<hbm>>) target(%dma_start3A_280 : memref<16xf32, #tpu.memory_space<vmem>>) offsets(%add3A_274 : vector<16xi32>) semaphore(%arg7 : memref<!tpu.dma_semaphore, #tpu.memory_space<semaphore_mem>>)
    %get3A_283 = arith.constant 96 : index
    %get3A_284 = tpu.vector_load %arg5[%get3A_283] {strides = array<i32>} : memref<512xf32, #tpu.memory_space<vmem>>, vector<16xf32>,
    %get3A_285 = vector.shape_cast %get3A_284 : vector<16xf32> to vector<16xf32>
    %mul3A_286 = arith.constant 9.990000e+02 : f32
    %mul3A_287 = vector.broadcast %mul3A_286 : f32 to vector<16xf32>
    %mul3A_288 = arith.mulf %get3A_285, %mul3A_287 : vector<16xf32>
    %add3A_289 = arith.constant 0x4B000000 : f32
    %add3A_290 = vector.broadcast %add3A_289 : f32 to vector<16xf32>
    %add3A_291 = arith.addf %mul3A_288, %add3A_290 : vector<16xf32>
    %sub3A_292 = arith.constant 0x4B000000 : f32
    %sub3A_293 = vector.broadcast %sub3A_292 : f32 to vector<16xf32>
    %sub3A_294 = arith.subf %add3A_291, %sub3A_293 : vector<16xf32>
    %convert_element_type3A_295 = arith.fptosi %sub3A_294 : vector<16xf32> to vector<16xi32>
    %add3A_296 = arith.constant 96 : i32
    %add3A_297 = arith.addi %mul3A_2, %add3A_296 : i32
    %shift_right_arithmetic3A_298 = arith.constant 7 : i32
    %shift_right_arithmetic3A_299 = arith.shrsi %add3A_297, %shift_right_arithmetic3A_298 : i32
    %shift_left3A_300 = arith.constant 10 : i32
    %shift_left3A_301 = arith.shli %shift_right_arithmetic3A_299, %shift_left3A_300 : i32
    %add3A_302 = arith.constant 96 : i32
    %add3A_303 = arith.addi %mul3A_2, %add3A_302 : i32
    %and3A_304 = arith.constant 127 : i32
    %and3A_305 = arith.andi %add3A_303, %and3A_304 : i32
    %add3A_306 = arith.addi %shift_left3A_301, %and3A_305 : i32
    %shift_right_arithmetic3A_307 = arith.constant 3 : i32
    %shift_right_arithmetic3A_308 = vector.broadcast %shift_right_arithmetic3A_307 : i32 to vector<16xi32>
    %shift_right_arithmetic3A_309 = arith.shrsi %convert_element_type3A_295, %shift_right_arithmetic3A_308 : vector<16xi32>
    %shift_left3A_310 = arith.constant 17 : i32
    %shift_left3A_311 = vector.broadcast %shift_left3A_310 : i32 to vector<16xi32>
    %shift_left3A_312 = arith.shli %shift_right_arithmetic3A_309, %shift_left3A_311 : vector<16xi32>
    %and3A_313 = arith.constant 7 : i32
    %and3A_314 = vector.broadcast %and3A_313 : i32 to vector<16xi32>
    %and3A_315 = arith.andi %convert_element_type3A_295, %and3A_314 : vector<16xi32>
    %shift_left3A_316 = arith.constant 7 : i32
    %shift_left3A_317 = vector.broadcast %shift_left3A_316 : i32 to vector<16xi32>
    %shift_left3A_318 = arith.shli %and3A_315, %shift_left3A_317 : vector<16xi32>
    %or3A_319 = arith.ori %shift_left3A_312, %shift_left3A_318 : vector<16xi32>
    %add3A_320 = vector.broadcast %add3A_306 : i32 to vector<16xi32>
    %add3A_321 = arith.addi %iota3A, %add3A_320 : vector<16xi32>
    %add3A_322 = arith.addi %or3A_319, %add3A_321 : vector<16xi32>
    %dma_start3A_323 = arith.constant 0 : i32
    %dma_start3A_324 = arith.constant 0 : i32
    %dma_start3A_325 = tpu.memref_slice %arg6[%dma_start3A_323, %dma_start3A_324] : memref<4x128xf32, #tpu.memory_space<vmem>> -> memref<1x128xf32, #tpu.memory_space<vmem>>
    %dma_start3A_326 = tpu.memref_squeeze %dma_start3A_325 : memref<1x128xf32, #tpu.memory_space<vmem>> -> memref<128xf32, #tpu.memory_space<vmem>>
    %dma_start3A_327 = arith.constant 96 : i32
    %dma_start3A_328 = tpu.memref_slice %dma_start3A_326[%dma_start3A_327] : memref<128xf32, #tpu.memory_space<vmem>> -> memref<16xf32, #tpu.memory_space<vmem>>
    %dma_start3A_329 = arith.constant 0 : i32
    %dma_start3A_330 = tpu.memref_slice %arg3[%dma_start3A_329] : memref<16384000xf32, #tpu.memory_space<hbm>> -> memref<16384000xf32, #tpu.memory_space<hbm>>
    tpu.enqueue_indirect_dma source(%dma_start3A_330 : memref<16384000xf32, #tpu.memory_space<hbm>>) target(%dma_start3A_328 : memref<16xf32, #tpu.memory_space<vmem>>) offsets(%add3A_322 : vector<16xi32>) semaphore(%arg7 : memref<!tpu.dma_semaphore, #tpu.memory_space<semaphore_mem>>)
    %get3A_331 = arith.constant 112 : index
    %get3A_332 = tpu.vector_load %arg5[%get3A_331] {strides = array<i32>} : memref<512xf32, #tpu.memory_space<vmem>>, vector<16xf32>,
    %get3A_333 = vector.shape_cast %get3A_332 : vector<16xf32> to vector<16xf32>
    %mul3A_334 = arith.constant 9.990000e+02 : f32
    %mul3A_335 = vector.broadcast %mul3A_334 : f32 to vector<16xf32>
    %mul3A_336 = arith.mulf %get3A_333, %mul3A_335 : vector<16xf32>
    %add3A_337 = arith.constant 0x4B000000 : f32
    %add3A_338 = vector.broadcast %add3A_337 : f32 to vector<16xf32>
    %add3A_339 = arith.addf %mul3A_336, %add3A_338 : vector<16xf32>
    %sub3A_340 = arith.constant 0x4B000000 : f32
    %sub3A_341 = vector.broadcast %sub3A_340 : f32 to vector<16xf32>
    %sub3A_342 = arith.subf %add3A_339, %sub3A_341 : vector<16xf32>
    %convert_element_type3A_343 = arith.fptosi %sub3A_342 : vector<16xf32> to vector<16xi32>
    %add3A_344 = arith.constant 112 : i32
    %add3A_345 = arith.addi %mul3A_2, %add3A_344 : i32
    %shift_right_arithmetic3A_346 = arith.constant 7 : i32
    %shift_right_arithmetic3A_347 = arith.shrsi %add3A_345, %shift_right_arithmetic3A_346 : i32
    %shift_left3A_348 = arith.constant 10 : i32
    %shift_left3A_349 = arith.shli %shift_right_arithmetic3A_347, %shift_left3A_348 : i32
    %add3A_350 = arith.constant 112 : i32
    %add3A_351 = arith.addi %mul3A_2, %add3A_350 : i32
    %and3A_352 = arith.constant 127 : i32
    %and3A_353 = arith.andi %add3A_351, %and3A_352 : i32
    %add3A_354 = arith.addi %shift_left3A_349, %and3A_353 : i32
    %shift_right_arithmetic3A_355 = arith.constant 3 : i32
    %shift_right_arithmetic3A_356 = vector.broadcast %shift_right_arithmetic3A_355 : i32 to vector<16xi32>
    %shift_right_arithmetic3A_357 = arith.shrsi %convert_element_type3A_343, %shift_right_arithmetic3A_356 : vector<16xi32>
    %shift_left3A_358 = arith.constant 17 : i32
    %shift_left3A_359 = vector.broadcast %shift_left3A_358 : i32 to vector<16xi32>
    %shift_left3A_360 = arith.shli %shift_right_arithmetic3A_357, %shift_left3A_359 : vector<16xi32>
    %and3A_361 = arith.constant 7 : i32
    %and3A_362 = vector.broadcast %and3A_361 : i32 to vector<16xi32>
    %and3A_363 = arith.andi %convert_element_type3A_343, %and3A_362 : vector<16xi32>
    %shift_left3A_364 = arith.constant 7 : i32
    %shift_left3A_365 = vector.broadcast %shift_left3A_364 : i32 to vector<16xi32>
    %shift_left3A_366 = arith.shli %and3A_363, %shift_left3A_365 : vector<16xi32>
    %or3A_367 = arith.ori %shift_left3A_360, %shift_left3A_366 : vector<16xi32>
    %add3A_368 = vector.broadcast %add3A_354 : i32 to vector<16xi32>
    %add3A_369 = arith.addi %iota3A, %add3A_368 : vector<16xi32>
    %add3A_370 = arith.addi %or3A_367, %add3A_369 : vector<16xi32>
    %dma_start3A_371 = arith.constant 0 : i32
    %dma_start3A_372 = arith.constant 0 : i32
    %dma_start3A_373 = tpu.memref_slice %arg6[%dma_start3A_371, %dma_start3A_372] : memref<4x128xf32, #tpu.memory_space<vmem>> -> memref<1x128xf32, #tpu.memory_space<vmem>>
    %dma_start3A_374 = tpu.memref_squeeze %dma_start3A_373 : memref<1x128xf32, #tpu.memory_space<vmem>> -> memref<128xf32, #tpu.memory_space<vmem>>
    %dma_start3A_375 = arith.constant 112 : i32
    %dma_start3A_376 = tpu.memref_slice %dma_start3A_374[%dma_start3A_375] : memref<128xf32, #tpu.memory_space<vmem>> -> memref<16xf32, #tpu.memory_space<vmem>>
    %dma_start3A_377 = arith.constant 0 : i32
    %dma_start3A_378 = tpu.memref_slice %arg3[%dma_start3A_377] : memref<16384000xf32, #tpu.memory_space<hbm>> -> memref<16384000xf32, #tpu.memory_space<hbm>>
    tpu.enqueue_indirect_dma source(%dma_start3A_378 : memref<16384000xf32, #tpu.memory_space<hbm>>) target(%dma_start3A_376 : memref<16xf32, #tpu.memory_space<vmem>>) offsets(%add3A_370 : vector<16xi32>) semaphore(%arg7 : memref<!tpu.dma_semaphore, #tpu.memory_space<semaphore_mem>>)
    %get3A_379 = arith.constant 128 : index
    %get3A_380 = tpu.vector_load %arg5[%get3A_379] {strides = array<i32>} : memref<512xf32, #tpu.memory_space<vmem>>, vector<16xf32>,
    %get3A_381 = vector.shape_cast %get3A_380 : vector<16xf32> to vector<16xf32>
    %mul3A_382 = arith.constant 9.990000e+02 : f32
    %mul3A_383 = vector.broadcast %mul3A_382 : f32 to vector<16xf32>
    %mul3A_384 = arith.mulf %get3A_381, %mul3A_383 : vector<16xf32>
    %add3A_385 = arith.constant 0x4B000000 : f32
    %add3A_386 = vector.broadcast %add3A_385 : f32 to vector<16xf32>
    %add3A_387 = arith.addf %mul3A_384, %add3A_386 : vector<16xf32>
    %sub3A_388 = arith.constant 0x4B000000 : f32
    %sub3A_389 = vector.broadcast %sub3A_388 : f32 to vector<16xf32>
    %sub3A_390 = arith.subf %add3A_387, %sub3A_389 : vector<16xf32>
    %convert_element_type3A_391 = arith.fptosi %sub3A_390 : vector<16xf32> to vector<16xi32>
    %add3A_392 = arith.constant 128 : i32
    %add3A_393 = arith.addi %mul3A_2, %add3A_392 : i32
    %shift_right_arithmetic3A_394 = arith.constant 7 : i32
    %shift_right_arithmetic3A_395 = arith.shrsi %add3A_393, %shift_right_arithmetic3A_394 : i32
    %shift_left3A_396 = arith.constant 10 : i32
    %shift_left3A_397 = arith.shli %shift_right_arithmetic3A_395, %shift_left3A_396 : i32
    %add3A_398 = arith.constant 128 : i32
    %add3A_399 = arith.addi %mul3A_2, %add3A_398 : i32
    %and3A_400 = arith.constant 127 : i32
    %and3A_401 = arith.andi %add3A_399, %and3A_400 : i32
    %add3A_402 = arith.addi %shift_left3A_397, %and3A_401 : i32
    %shift_right_arithmetic3A_403 = arith.constant 3 : i32
    %shift_right_arithmetic3A_404 = vector.broadcast %shift_right_arithmetic3A_403 : i32 to vector<16xi32>
    %shift_right_arithmetic3A_405 = arith.shrsi %convert_element_type3A_391, %shift_right_arithmetic3A_404 : vector<16xi32>
    %shift_left3A_406 = arith.constant 17 : i32
    %shift_left3A_407 = vector.broadcast %shift_left3A_406 : i32 to vector<16xi32>
    %shift_left3A_408 = arith.shli %shift_right_arithmetic3A_405, %shift_left3A_407 : vector<16xi32>
    %and3A_409 = arith.constant 7 : i32
    %and3A_410 = vector.broadcast %and3A_409 : i32 to vector<16xi32>
    %and3A_411 = arith.andi %convert_element_type3A_391, %and3A_410 : vector<16xi32>
    %shift_left3A_412 = arith.constant 7 : i32
    %shift_left3A_413 = vector.broadcast %shift_left3A_412 : i32 to vector<16xi32>
    %shift_left3A_414 = arith.shli %and3A_411, %shift_left3A_413 : vector<16xi32>
    %or3A_415 = arith.ori %shift_left3A_408, %shift_left3A_414 : vector<16xi32>
    %add3A_416 = vector.broadcast %add3A_402 : i32 to vector<16xi32>
    %add3A_417 = arith.addi %iota3A, %add3A_416 : vector<16xi32>
    %add3A_418 = arith.addi %or3A_415, %add3A_417 : vector<16xi32>
    %dma_start3A_419 = arith.constant 1 : i32
    %dma_start3A_420 = arith.constant 0 : i32
    %dma_start3A_421 = tpu.memref_slice %arg6[%dma_start3A_419, %dma_start3A_420] : memref<4x128xf32, #tpu.memory_space<vmem>> -> memref<1x128xf32, #tpu.memory_space<vmem>>
    %dma_start3A_422 = tpu.memref_squeeze %dma_start3A_421 : memref<1x128xf32, #tpu.memory_space<vmem>> -> memref<128xf32, #tpu.memory_space<vmem>>
    %dma_start3A_423 = arith.constant 0 : i32
    %dma_start3A_424 = tpu.memref_slice %dma_start3A_422[%dma_start3A_423] : memref<128xf32, #tpu.memory_space<vmem>> -> memref<16xf32, #tpu.memory_space<vmem>>
    %dma_start3A_425 = arith.constant 0 : i32
    %dma_start3A_426 = tpu.memref_slice %arg3[%dma_start3A_425] : memref<16384000xf32, #tpu.memory_space<hbm>> -> memref<16384000xf32, #tpu.memory_space<hbm>>
    tpu.enqueue_indirect_dma source(%dma_start3A_426 : memref<16384000xf32, #tpu.memory_space<hbm>>) target(%dma_start3A_424 : memref<16xf32, #tpu.memory_space<vmem>>) offsets(%add3A_418 : vector<16xi32>) semaphore(%arg8 : memref<!tpu.dma_semaphore, #tpu.memory_space<semaphore_mem>>)
    %get3A_427 = arith.constant 144 : index
    %get3A_428 = tpu.vector_load %arg5[%get3A_427] {strides = array<i32>} : memref<512xf32, #tpu.memory_space<vmem>>, vector<16xf32>,
    %get3A_429 = vector.shape_cast %get3A_428 : vector<16xf32> to vector<16xf32>
    %mul3A_430 = arith.constant 9.990000e+02 : f32
    %mul3A_431 = vector.broadcast %mul3A_430 : f32 to vector<16xf32>
    %mul3A_432 = arith.mulf %get3A_429, %mul3A_431 : vector<16xf32>
    %add3A_433 = arith.constant 0x4B000000 : f32
    %add3A_434 = vector.broadcast %add3A_433 : f32 to vector<16xf32>
    %add3A_435 = arith.addf %mul3A_432, %add3A_434 : vector<16xf32>
    %sub3A_436 = arith.constant 0x4B000000 : f32
    %sub3A_437 = vector.broadcast %sub3A_436 : f32 to vector<16xf32>
    %sub3A_438 = arith.subf %add3A_435, %sub3A_437 : vector<16xf32>
    %convert_element_type3A_439 = arith.fptosi %sub3A_438 : vector<16xf32> to vector<16xi32>
    %add3A_440 = arith.constant 144 : i32
    %add3A_441 = arith.addi %mul3A_2, %add3A_440 : i32
    %shift_right_arithmetic3A_442 = arith.constant 7 : i32
    %shift_right_arithmetic3A_443 = arith.shrsi %add3A_441, %shift_right_arithmetic3A_442 : i32
    %shift_left3A_444 = arith.constant 10 : i32
    %shift_left3A_445 = arith.shli %shift_right_arithmetic3A_443, %shift_left3A_444 : i32
    %add3A_446 = arith.constant 144 : i32
    %add3A_447 = arith.addi %mul3A_2, %add3A_446 : i32
    %and3A_448 = arith.constant 127 : i32
    %and3A_449 = arith.andi %add3A_447, %and3A_448 : i32
    %add3A_450 = arith.addi %shift_left3A_445, %and3A_449 : i32
    %shift_right_arithmetic3A_451 = arith.constant 3 : i32
    %shift_right_arithmetic3A_452 = vector.broadcast %shift_right_arithmetic3A_451 : i32 to vector<16xi32>
    %shift_right_arithmetic3A_453 = arith.shrsi %convert_element_type3A_439, %shift_right_arithmetic3A_452 : vector<16xi32>
    %shift_left3A_454 = arith.constant 17 : i32
    %shift_left3A_455 = vector.broadcast %shift_left3A_454 : i32 to vector<16xi32>
    %shift_left3A_456 = arith.shli %shift_right_arithmetic3A_453, %shift_left3A_455 : vector<16xi32>
    %and3A_457 = arith.constant 7 : i32
    %and3A_458 = vector.broadcast %and3A_457 : i32 to vector<16xi32>
    %and3A_459 = arith.andi %convert_element_type3A_439, %and3A_458 : vector<16xi32>
    %shift_left3A_460 = arith.constant 7 : i32
    %shift_left3A_461 = vector.broadcast %shift_left3A_460 : i32 to vector<16xi32>
    %shift_left3A_462 = arith.shli %and3A_459, %shift_left3A_461 : vector<16xi32>
    %or3A_463 = arith.ori %shift_left3A_456, %shift_left3A_462 : vector<16xi32>
    %add3A_464 = vector.broadcast %add3A_450 : i32 to vector<16xi32>
    %add3A_465 = arith.addi %iota3A, %add3A_464 : vector<16xi32>
    %add3A_466 = arith.addi %or3A_463, %add3A_465 : vector<16xi32>
    %dma_start3A_467 = arith.constant 1 : i32
    %dma_start3A_468 = arith.constant 0 : i32
    %dma_start3A_469 = tpu.memref_slice %arg6[%dma_start3A_467, %dma_start3A_468] : memref<4x128xf32, #tpu.memory_space<vmem>> -> memref<1x128xf32, #tpu.memory_space<vmem>>
    %dma_start3A_470 = tpu.memref_squeeze %dma_start3A_469 : memref<1x128xf32, #tpu.memory_space<vmem>> -> memref<128xf32, #tpu.memory_space<vmem>>
    %dma_start3A_471 = arith.constant 16 : i32
    %dma_start3A_472 = tpu.memref_slice %dma_start3A_470[%dma_start3A_471] : memref<128xf32, #tpu.memory_space<vmem>> -> memref<16xf32, #tpu.memory_space<vmem>>
    %dma_start3A_473 = arith.constant 0 : i32
    %dma_start3A_474 = tpu.memref_slice %arg3[%dma_start3A_473] : memref<16384000xf32, #tpu.memory_space<hbm>> -> memref<16384000xf32, #tpu.memory_space<hbm>>
    tpu.enqueue_indirect_dma source(%dma_start3A_474 : memref<16384000xf32, #tpu.memory_space<hbm>>) target(%dma_start3A_472 : memref<16xf32, #tpu.memory_space<vmem>>) offsets(%add3A_466 : vector<16xi32>) semaphore(%arg8 : memref<!tpu.dma_semaphore, #tpu.memory_space<semaphore_mem>>)
    %get3A_475 = arith.constant 160 : index
    %get3A_476 = tpu.vector_load %arg5[%get3A_475] {strides = array<i32>} : memref<512xf32, #tpu.memory_space<vmem>>, vector<16xf32>,
    %get3A_477 = vector.shape_cast %get3A_476 : vector<16xf32> to vector<16xf32>
    %mul3A_478 = arith.constant 9.990000e+02 : f32
    %mul3A_479 = vector.broadcast %mul3A_478 : f32 to vector<16xf32>
    %mul3A_480 = arith.mulf %get3A_477, %mul3A_479 : vector<16xf32>
    %add3A_481 = arith.constant 0x4B000000 : f32
    %add3A_482 = vector.broadcast %add3A_481 : f32 to vector<16xf32>
    %add3A_483 = arith.addf %mul3A_480, %add3A_482 : vector<16xf32>
    %sub3A_484 = arith.constant 0x4B000000 : f32
    %sub3A_485 = vector.broadcast %sub3A_484 : f32 to vector<16xf32>
    %sub3A_486 = arith.subf %add3A_483, %sub3A_485 : vector<16xf32>
    %convert_element_type3A_487 = arith.fptosi %sub3A_486 : vector<16xf32> to vector<16xi32>
    %add3A_488 = arith.constant 160 : i32
    %add3A_489 = arith.addi %mul3A_2, %add3A_488 : i32
    %shift_right_arithmetic3A_490 = arith.constant 7 : i32
    %shift_right_arithmetic3A_491 = arith.shrsi %add3A_489, %shift_right_arithmetic3A_490 : i32
    %shift_left3A_492 = arith.constant 10 : i32
    %shift_left3A_493 = arith.shli %shift_right_arithmetic3A_491, %shift_left3A_492 : i32
    %add3A_494 = arith.constant 160 : i32
    %add3A_495 = arith.addi %mul3A_2, %add3A_494 : i32
    %and3A_496 = arith.constant 127 : i32
    %and3A_497 = arith.andi %add3A_495, %and3A_496 : i32
    %add3A_498 = arith.addi %shift_left3A_493, %and3A_497 : i32
    %shift_right_arithmetic3A_499 = arith.constant 3 : i32
    %shift_right_arithmetic3A_500 = vector.broadcast %shift_right_arithmetic3A_499 : i32 to vector<16xi32>
    %shift_right_arithmetic3A_501 = arith.shrsi %convert_element_type3A_487, %shift_right_arithmetic3A_500 : vector<16xi32>
    %shift_left3A_502 = arith.constant 17 : i32
    %shift_left3A_503 = vector.broadcast %shift_left3A_502 : i32 to vector<16xi32>
    %shift_left3A_504 = arith.shli %shift_right_arithmetic3A_501, %shift_left3A_503 : vector<16xi32>
    %and3A_505 = arith.constant 7 : i32
    %and3A_506 = vector.broadcast %and3A_505 : i32 to vector<16xi32>
    %and3A_507 = arith.andi %convert_element_type3A_487, %and3A_506 : vector<16xi32>
    %shift_left3A_508 = arith.constant 7 : i32
    %shift_left3A_509 = vector.broadcast %shift_left3A_508 : i32 to vector<16xi32>
    %shift_left3A_510 = arith.shli %and3A_507, %shift_left3A_509 : vector<16xi32>
    %or3A_511 = arith.ori %shift_left3A_504, %shift_left3A_510 : vector<16xi32>
    %add3A_512 = vector.broadcast %add3A_498 : i32 to vector<16xi32>
    %add3A_513 = arith.addi %iota3A, %add3A_512 : vector<16xi32>
    %add3A_514 = arith.addi %or3A_511, %add3A_513 : vector<16xi32>
    %dma_start3A_515 = arith.constant 1 : i32
    %dma_start3A_516 = arith.constant 0 : i32
    %dma_start3A_517 = tpu.memref_slice %arg6[%dma_start3A_515, %dma_start3A_516] : memref<4x128xf32, #tpu.memory_space<vmem>> -> memref<1x128xf32, #tpu.memory_space<vmem>>
    %dma_start3A_518 = tpu.memref_squeeze %dma_start3A_517 : memref<1x128xf32, #tpu.memory_space<vmem>> -> memref<128xf32, #tpu.memory_space<vmem>>
    %dma_start3A_519 = arith.constant 32 : i32
    %dma_start3A_520 = tpu.memref_slice %dma_start3A_518[%dma_start3A_519] : memref<128xf32, #tpu.memory_space<vmem>> -> memref<16xf32, #tpu.memory_space<vmem>>
    %dma_start3A_521 = arith.constant 0 : i32
    %dma_start3A_522 = tpu.memref_slice %arg3[%dma_start3A_521] : memref<16384000xf32, #tpu.memory_space<hbm>> -> memref<16384000xf32, #tpu.memory_space<hbm>>
    tpu.enqueue_indirect_dma source(%dma_start3A_522 : memref<16384000xf32, #tpu.memory_space<hbm>>) target(%dma_start3A_520 : memref<16xf32, #tpu.memory_space<vmem>>) offsets(%add3A_514 : vector<16xi32>) semaphore(%arg8 : memref<!tpu.dma_semaphore, #tpu.memory_space<semaphore_mem>>)
    %get3A_523 = arith.constant 176 : index
    %get3A_524 = tpu.vector_load %arg5[%get3A_523] {strides = array<i32>} : memref<512xf32, #tpu.memory_space<vmem>>, vector<16xf32>,
    %get3A_525 = vector.shape_cast %get3A_524 : vector<16xf32> to vector<16xf32>
    %mul3A_526 = arith.constant 9.990000e+02 : f32
    %mul3A_527 = vector.broadcast %mul3A_526 : f32 to vector<16xf32>
    %mul3A_528 = arith.mulf %get3A_525, %mul3A_527 : vector<16xf32>
    %add3A_529 = arith.constant 0x4B000000 : f32
    %add3A_530 = vector.broadcast %add3A_529 : f32 to vector<16xf32>
    %add3A_531 = arith.addf %mul3A_528, %add3A_530 : vector<16xf32>
    %sub3A_532 = arith.constant 0x4B000000 : f32
    %sub3A_533 = vector.broadcast %sub3A_532 : f32 to vector<16xf32>
    %sub3A_534 = arith.subf %add3A_531, %sub3A_533 : vector<16xf32>
    %convert_element_type3A_535 = arith.fptosi %sub3A_534 : vector<16xf32> to vector<16xi32>
    %add3A_536 = arith.constant 176 : i32
    %add3A_537 = arith.addi %mul3A_2, %add3A_536 : i32
    %shift_right_arithmetic3A_538 = arith.constant 7 : i32
    %shift_right_arithmetic3A_539 = arith.shrsi %add3A_537, %shift_right_arithmetic3A_538 : i32
    %shift_left3A_540 = arith.constant 10 : i32
    %shift_left3A_541 = arith.shli %shift_right_arithmetic3A_539, %shift_left3A_540 : i32
    %add3A_542 = arith.constant 176 : i32
    %add3A_543 = arith.addi %mul3A_2, %add3A_542 : i32
    %and3A_544 = arith.constant 127 : i32
    %and3A_545 = arith.andi %add3A_543, %and3A_544 : i32
    %add3A_546 = arith.addi %shift_left3A_541, %and3A_545 : i32
    %shift_right_arithmetic3A_547 = arith.constant 3 : i32
    %shift_right_arithmetic3A_548 = vector.broadcast %shift_right_arithmetic3A_547 : i32 to vector<16xi32>
    %shift_right_arithmetic3A_549 = arith.shrsi %convert_element_type3A_535, %shift_right_arithmetic3A_548 : vector<16xi32>
    %shift_left3A_550 = arith.constant 17 : i32
    %shift_left3A_551 = vector.broadcast %shift_left3A_550 : i32 to vector<16xi32>
    %shift_left3A_552 = arith.shli %shift_right_arithmetic3A_549, %shift_left3A_551 : vector<16xi32>
    %and3A_553 = arith.constant 7 : i32
    %and3A_554 = vector.broadcast %and3A_553 : i32 to vector<16xi32>
    %and3A_555 = arith.andi %convert_element_type3A_535, %and3A_554 : vector<16xi32>
    %shift_left3A_556 = arith.constant 7 : i32
    %shift_left3A_557 = vector.broadcast %shift_left3A_556 : i32 to vector<16xi32>
    %shift_left3A_558 = arith.shli %and3A_555, %shift_left3A_557 : vector<16xi32>
    %or3A_559 = arith.ori %shift_left3A_552, %shift_left3A_558 : vector<16xi32>
    %add3A_560 = vector.broadcast %add3A_546 : i32 to vector<16xi32>
    %add3A_561 = arith.addi %iota3A, %add3A_560 : vector<16xi32>
    %add3A_562 = arith.addi %or3A_559, %add3A_561 : vector<16xi32>
    %dma_start3A_563 = arith.constant 1 : i32
    %dma_start3A_564 = arith.constant 0 : i32
    %dma_start3A_565 = tpu.memref_slice %arg6[%dma_start3A_563, %dma_start3A_564] : memref<4x128xf32, #tpu.memory_space<vmem>> -> memref<1x128xf32, #tpu.memory_space<vmem>>
    %dma_start3A_566 = tpu.memref_squeeze %dma_start3A_565 : memref<1x128xf32, #tpu.memory_space<vmem>> -> memref<128xf32, #tpu.memory_space<vmem>>
    %dma_start3A_567 = arith.constant 48 : i32
    %dma_start3A_568 = tpu.memref_slice %dma_start3A_566[%dma_start3A_567] : memref<128xf32, #tpu.memory_space<vmem>> -> memref<16xf32, #tpu.memory_space<vmem>>
    %dma_start3A_569 = arith.constant 0 : i32
    %dma_start3A_570 = tpu.memref_slice %arg3[%dma_start3A_569] : memref<16384000xf32, #tpu.memory_space<hbm>> -> memref<16384000xf32, #tpu.memory_space<hbm>>
    tpu.enqueue_indirect_dma source(%dma_start3A_570 : memref<16384000xf32, #tpu.memory_space<hbm>>) target(%dma_start3A_568 : memref<16xf32, #tpu.memory_space<vmem>>) offsets(%add3A_562 : vector<16xi32>) semaphore(%arg8 : memref<!tpu.dma_semaphore, #tpu.memory_space<semaphore_mem>>)
    %get3A_571 = arith.constant 192 : index
    %get3A_572 = tpu.vector_load %arg5[%get3A_571] {strides = array<i32>} : memref<512xf32, #tpu.memory_space<vmem>>, vector<16xf32>,
    %get3A_573 = vector.shape_cast %get3A_572 : vector<16xf32> to vector<16xf32>
    %mul3A_574 = arith.constant 9.990000e+02 : f32
    %mul3A_575 = vector.broadcast %mul3A_574 : f32 to vector<16xf32>
    %mul3A_576 = arith.mulf %get3A_573, %mul3A_575 : vector<16xf32>
    %add3A_577 = arith.constant 0x4B000000 : f32
    %add3A_578 = vector.broadcast %add3A_577 : f32 to vector<16xf32>
    %add3A_579 = arith.addf %mul3A_576, %add3A_578 : vector<16xf32>
    %sub3A_580 = arith.constant 0x4B000000 : f32
    %sub3A_581 = vector.broadcast %sub3A_580 : f32 to vector<16xf32>
    %sub3A_582 = arith.subf %add3A_579, %sub3A_581 : vector<16xf32>
    %convert_element_type3A_583 = arith.fptosi %sub3A_582 : vector<16xf32> to vector<16xi32>
    %add3A_584 = arith.constant 192 : i32
    %add3A_585 = arith.addi %mul3A_2, %add3A_584 : i32
    %shift_right_arithmetic3A_586 = arith.constant 7 : i32
    %shift_right_arithmetic3A_587 = arith.shrsi %add3A_585, %shift_right_arithmetic3A_586 : i32
    %shift_left3A_588 = arith.constant 10 : i32
    %shift_left3A_589 = arith.shli %shift_right_arithmetic3A_587, %shift_left3A_588 : i32
    %add3A_590 = arith.constant 192 : i32
    %add3A_591 = arith.addi %mul3A_2, %add3A_590 : i32
    %and3A_592 = arith.constant 127 : i32
    %and3A_593 = arith.andi %add3A_591, %and3A_592 : i32
    %add3A_594 = arith.addi %shift_left3A_589, %and3A_593 : i32
    %shift_right_arithmetic3A_595 = arith.constant 3 : i32
    %shift_right_arithmetic3A_596 = vector.broadcast %shift_right_arithmetic3A_595 : i32 to vector<16xi32>
    %shift_right_arithmetic3A_597 = arith.shrsi %convert_element_type3A_583, %shift_right_arithmetic3A_596 : vector<16xi32>
    %shift_left3A_598 = arith.constant 17 : i32
    %shift_left3A_599 = vector.broadcast %shift_left3A_598 : i32 to vector<16xi32>
    %shift_left3A_600 = arith.shli %shift_right_arithmetic3A_597, %shift_left3A_599 : vector<16xi32>
    %and3A_601 = arith.constant 7 : i32
    %and3A_602 = vector.broadcast %and3A_601 : i32 to vector<16xi32>
    %and3A_603 = arith.andi %convert_element_type3A_583, %and3A_602 : vector<16xi32>
    %shift_left3A_604 = arith.constant 7 : i32
    %shift_left3A_605 = vector.broadcast %shift_left3A_604 : i32 to vector<16xi32>
    %shift_left3A_606 = arith.shli %and3A_603, %shift_left3A_605 : vector<16xi32>
    %or3A_607 = arith.ori %shift_left3A_600, %shift_left3A_606 : vector<16xi32>
    %add3A_608 = vector.broadcast %add3A_594 : i32 to vector<16xi32>
    %add3A_609 = arith.addi %iota3A, %add3A_608 : vector<16xi32>
    %add3A_610 = arith.addi %or3A_607, %add3A_609 : vector<16xi32>
    %dma_start3A_611 = arith.constant 1 : i32
    %dma_start3A_612 = arith.constant 0 : i32
    %dma_start3A_613 = tpu.memref_slice %arg6[%dma_start3A_611, %dma_start3A_612] : memref<4x128xf32, #tpu.memory_space<vmem>> -> memref<1x128xf32, #tpu.memory_space<vmem>>
    %dma_start3A_614 = tpu.memref_squeeze %dma_start3A_613 : memref<1x128xf32, #tpu.memory_space<vmem>> -> memref<128xf32, #tpu.memory_space<vmem>>
    %dma_start3A_615 = arith.constant 64 : i32
    %dma_start3A_616 = tpu.memref_slice %dma_start3A_614[%dma_start3A_615] : memref<128xf32, #tpu.memory_space<vmem>> -> memref<16xf32, #tpu.memory_space<vmem>>
    %dma_start3A_617 = arith.constant 0 : i32
    %dma_start3A_618 = tpu.memref_slice %arg3[%dma_start3A_617] : memref<16384000xf32, #tpu.memory_space<hbm>> -> memref<16384000xf32, #tpu.memory_space<hbm>>
    tpu.enqueue_indirect_dma source(%dma_start3A_618 : memref<16384000xf32, #tpu.memory_space<hbm>>) target(%dma_start3A_616 : memref<16xf32, #tpu.memory_space<vmem>>) offsets(%add3A_610 : vector<16xi32>) semaphore(%arg8 : memref<!tpu.dma_semaphore, #tpu.memory_space<semaphore_mem>>)
    %get3A_619 = arith.constant 208 : index
    %get3A_620 = tpu.vector_load %arg5[%get3A_619] {strides = array<i32>} : memref<512xf32, #tpu.memory_space<vmem>>, vector<16xf32>,
    %get3A_621 = vector.shape_cast %get3A_620 : vector<16xf32> to vector<16xf32>
    %mul3A_622 = arith.constant 9.990000e+02 : f32
    %mul3A_623 = vector.broadcast %mul3A_622 : f32 to vector<16xf32>
    %mul3A_624 = arith.mulf %get3A_621, %mul3A_623 : vector<16xf32>
    %add3A_625 = arith.constant 0x4B000000 : f32
    %add3A_626 = vector.broadcast %add3A_625 : f32 to vector<16xf32>
    %add3A_627 = arith.addf %mul3A_624, %add3A_626 : vector<16xf32>
    %sub3A_628 = arith.constant 0x4B000000 : f32
    %sub3A_629 = vector.broadcast %sub3A_628 : f32 to vector<16xf32>
    %sub3A_630 = arith.subf %add3A_627, %sub3A_629 : vector<16xf32>
    %convert_element_type3A_631 = arith.fptosi %sub3A_630 : vector<16xf32> to vector<16xi32>
    %add3A_632 = arith.constant 208 : i32
    %add3A_633 = arith.addi %mul3A_2, %add3A_632 : i32
    %shift_right_arithmetic3A_634 = arith.constant 7 : i32
    %shift_right_arithmetic3A_635 = arith.shrsi %add3A_633, %shift_right_arithmetic3A_634 : i32
    %shift_left3A_636 = arith.constant 10 : i32
    %shift_left3A_637 = arith.shli %shift_right_arithmetic3A_635, %shift_left3A_636 : i32
    %add3A_638 = arith.constant 208 : i32
    %add3A_639 = arith.addi %mul3A_2, %add3A_638 : i32
    %and3A_640 = arith.constant 127 : i32
    %and3A_641 = arith.andi %add3A_639, %and3A_640 : i32
    %add3A_642 = arith.addi %shift_left3A_637, %and3A_641 : i32
    %shift_right_arithmetic3A_643 = arith.constant 3 : i32
    %shift_right_arithmetic3A_644 = vector.broadcast %shift_right_arithmetic3A_643 : i32 to vector<16xi32>
    %shift_right_arithmetic3A_645 = arith.shrsi %convert_element_type3A_631, %shift_right_arithmetic3A_644 : vector<16xi32>
    %shift_left3A_646 = arith.constant 17 : i32
    %shift_left3A_647 = vector.broadcast %shift_left3A_646 : i32 to vector<16xi32>
    %shift_left3A_648 = arith.shli %shift_right_arithmetic3A_645, %shift_left3A_647 : vector<16xi32>
    %and3A_649 = arith.constant 7 : i32
    %and3A_650 = vector.broadcast %and3A_649 : i32 to vector<16xi32>
    %and3A_651 = arith.andi %convert_element_type3A_631, %and3A_650 : vector<16xi32>
    %shift_left3A_652 = arith.constant 7 : i32
    %shift_left3A_653 = vector.broadcast %shift_left3A_652 : i32 to vector<16xi32>
    %shift_left3A_654 = arith.shli %and3A_651, %shift_left3A_653 : vector<16xi32>
    %or3A_655 = arith.ori %shift_left3A_648, %shift_left3A_654 : vector<16xi32>
    %add3A_656 = vector.broadcast %add3A_642 : i32 to vector<16xi32>
    %add3A_657 = arith.addi %iota3A, %add3A_656 : vector<16xi32>
    %add3A_658 = arith.addi %or3A_655, %add3A_657 : vector<16xi32>
    %dma_start3A_659 = arith.constant 1 : i32
    %dma_start3A_660 = arith.constant 0 : i32
    %dma_start3A_661 = tpu.memref_slice %arg6[%dma_start3A_659, %dma_start3A_660] : memref<4x128xf32, #tpu.memory_space<vmem>> -> memref<1x128xf32, #tpu.memory_space<vmem>>
    %dma_start3A_662 = tpu.memref_squeeze %dma_start3A_661 : memref<1x128xf32, #tpu.memory_space<vmem>> -> memref<128xf32, #tpu.memory_space<vmem>>
    %dma_start3A_663 = arith.constant 80 : i32
    %dma_start3A_664 = tpu.memref_slice %dma_start3A_662[%dma_start3A_663] : memref<128xf32, #tpu.memory_space<vmem>> -> memref<16xf32, #tpu.memory_space<vmem>>
    %dma_start3A_665 = arith.constant 0 : i32
    %dma_start3A_666 = tpu.memref_slice %arg3[%dma_start3A_665] : memref<16384000xf32, #tpu.memory_space<hbm>> -> memref<16384000xf32, #tpu.memory_space<hbm>>
    tpu.enqueue_indirect_dma source(%dma_start3A_666 : memref<16384000xf32, #tpu.memory_space<hbm>>) target(%dma_start3A_664 : memref<16xf32, #tpu.memory_space<vmem>>) offsets(%add3A_658 : vector<16xi32>) semaphore(%arg8 : memref<!tpu.dma_semaphore, #tpu.memory_space<semaphore_mem>>)
    %get3A_667 = arith.constant 224 : index
    %get3A_668 = tpu.vector_load %arg5[%get3A_667] {strides = array<i32>} : memref<512xf32, #tpu.memory_space<vmem>>, vector<16xf32>,
    %get3A_669 = vector.shape_cast %get3A_668 : vector<16xf32> to vector<16xf32>
    %mul3A_670 = arith.constant 9.990000e+02 : f32
    %mul3A_671 = vector.broadcast %mul3A_670 : f32 to vector<16xf32>
    %mul3A_672 = arith.mulf %get3A_669, %mul3A_671 : vector<16xf32>
    %add3A_673 = arith.constant 0x4B000000 : f32
    %add3A_674 = vector.broadcast %add3A_673 : f32 to vector<16xf32>
    %add3A_675 = arith.addf %mul3A_672, %add3A_674 : vector<16xf32>
    %sub3A_676 = arith.constant 0x4B000000 : f32
    %sub3A_677 = vector.broadcast %sub3A_676 : f32 to vector<16xf32>
    %sub3A_678 = arith.subf %add3A_675, %sub3A_677 : vector<16xf32>
    %convert_element_type3A_679 = arith.fptosi %sub3A_678 : vector<16xf32> to vector<16xi32>
    %add3A_680 = arith.constant 224 : i32
    %add3A_681 = arith.addi %mul3A_2, %add3A_680 : i32
    %shift_right_arithmetic3A_682 = arith.constant 7 : i32
    %shift_right_arithmetic3A_683 = arith.shrsi %add3A_681, %shift_right_arithmetic3A_682 : i32
    %shift_left3A_684 = arith.constant 10 : i32
    %shift_left3A_685 = arith.shli %shift_right_arithmetic3A_683, %shift_left3A_684 : i32
    %add3A_686 = arith.constant 224 : i32
    %add3A_687 = arith.addi %mul3A_2, %add3A_686 : i32
    %and3A_688 = arith.constant 127 : i32
    %and3A_689 = arith.andi %add3A_687, %and3A_688 : i32
    %add3A_690 = arith.addi %shift_left3A_685, %and3A_689 : i32
    %shift_right_arithmetic3A_691 = arith.constant 3 : i32
    %shift_right_arithmetic3A_692 = vector.broadcast %shift_right_arithmetic3A_691 : i32 to vector<16xi32>
    %shift_right_arithmetic3A_693 = arith.shrsi %convert_element_type3A_679, %shift_right_arithmetic3A_692 : vector<16xi32>
    %shift_left3A_694 = arith.constant 17 : i32
    %shift_left3A_695 = vector.broadcast %shift_left3A_694 : i32 to vector<16xi32>
    %shift_left3A_696 = arith.shli %shift_right_arithmetic3A_693, %shift_left3A_695 : vector<16xi32>
    %and3A_697 = arith.constant 7 : i32
    %and3A_698 = vector.broadcast %and3A_697 : i32 to vector<16xi32>
    %and3A_699 = arith.andi %convert_element_type3A_679, %and3A_698 : vector<16xi32>
    %shift_left3A_700 = arith.constant 7 : i32
    %shift_left3A_701 = vector.broadcast %shift_left3A_700 : i32 to vector<16xi32>
    %shift_left3A_702 = arith.shli %and3A_699, %shift_left3A_701 : vector<16xi32>
    %or3A_703 = arith.ori %shift_left3A_696, %shift_left3A_702 : vector<16xi32>
    %add3A_704 = vector.broadcast %add3A_690 : i32 to vector<16xi32>
    %add3A_705 = arith.addi %iota3A, %add3A_704 : vector<16xi32>
    %add3A_706 = arith.addi %or3A_703, %add3A_705 : vector<16xi32>
    %dma_start3A_707 = arith.constant 1 : i32
    %dma_start3A_708 = arith.constant 0 : i32
    %dma_start3A_709 = tpu.memref_slice %arg6[%dma_start3A_707, %dma_start3A_708] : memref<4x128xf32, #tpu.memory_space<vmem>> -> memref<1x128xf32, #tpu.memory_space<vmem>>
    %dma_start3A_710 = tpu.memref_squeeze %dma_start3A_709 : memref<1x128xf32, #tpu.memory_space<vmem>> -> memref<128xf32, #tpu.memory_space<vmem>>
    %dma_start3A_711 = arith.constant 96 : i32
    %dma_start3A_712 = tpu.memref_slice %dma_start3A_710[%dma_start3A_711] : memref<128xf32, #tpu.memory_space<vmem>> -> memref<16xf32, #tpu.memory_space<vmem>>
    %dma_start3A_713 = arith.constant 0 : i32
    %dma_start3A_714 = tpu.memref_slice %arg3[%dma_start3A_713] : memref<16384000xf32, #tpu.memory_space<hbm>> -> memref<16384000xf32, #tpu.memory_space<hbm>>
    tpu.enqueue_indirect_dma source(%dma_start3A_714 : memref<16384000xf32, #tpu.memory_space<hbm>>) target(%dma_start3A_712 : memref<16xf32, #tpu.memory_space<vmem>>) offsets(%add3A_706 : vector<16xi32>) semaphore(%arg8 : memref<!tpu.dma_semaphore, #tpu.memory_space<semaphore_mem>>)
    %get3A_715 = arith.constant 240 : index
    %get3A_716 = tpu.vector_load %arg5[%get3A_715] {strides = array<i32>} : memref<512xf32, #tpu.memory_space<vmem>>, vector<16xf32>,
    %get3A_717 = vector.shape_cast %get3A_716 : vector<16xf32> to vector<16xf32>
    %mul3A_718 = arith.constant 9.990000e+02 : f32
    %mul3A_719 = vector.broadcast %mul3A_718 : f32 to vector<16xf32>
    %mul3A_720 = arith.mulf %get3A_717, %mul3A_719 : vector<16xf32>
    %add3A_721 = arith.constant 0x4B000000 : f32
    %add3A_722 = vector.broadcast %add3A_721 : f32 to vector<16xf32>
    %add3A_723 = arith.addf %mul3A_720, %add3A_722 : vector<16xf32>
    %sub3A_724 = arith.constant 0x4B000000 : f32
    %sub3A_725 = vector.broadcast %sub3A_724 : f32 to vector<16xf32>
    %sub3A_726 = arith.subf %add3A_723, %sub3A_725 : vector<16xf32>
    %convert_element_type3A_727 = arith.fptosi %sub3A_726 : vector<16xf32> to vector<16xi32>
    %add3A_728 = arith.constant 240 : i32
    %add3A_729 = arith.addi %mul3A_2, %add3A_728 : i32
    %shift_right_arithmetic3A_730 = arith.constant 7 : i32
    %shift_right_arithmetic3A_731 = arith.shrsi %add3A_729, %shift_right_arithmetic3A_730 : i32
    %shift_left3A_732 = arith.constant 10 : i32
    %shift_left3A_733 = arith.shli %shift_right_arithmetic3A_731, %shift_left3A_732 : i32
    %add3A_734 = arith.constant 240 : i32
    %add3A_735 = arith.addi %mul3A_2, %add3A_734 : i32
    %and3A_736 = arith.constant 127 : i32
    %and3A_737 = arith.andi %add3A_735, %and3A_736 : i32
    %add3A_738 = arith.addi %shift_left3A_733, %and3A_737 : i32
    %shift_right_arithmetic3A_739 = arith.constant 3 : i32
    %shift_right_arithmetic3A_740 = vector.broadcast %shift_right_arithmetic3A_739 : i32 to vector<16xi32>
    %shift_right_arithmetic3A_741 = arith.shrsi %convert_element_type3A_727, %shift_right_arithmetic3A_740 : vector<16xi32>
    %shift_left3A_742 = arith.constant 17 : i32
    %shift_left3A_743 = vector.broadcast %shift_left3A_742 : i32 to vector<16xi32>
    %shift_left3A_744 = arith.shli %shift_right_arithmetic3A_741, %shift_left3A_743 : vector<16xi32>
    %and3A_745 = arith.constant 7 : i32
    %and3A_746 = vector.broadcast %and3A_745 : i32 to vector<16xi32>
    %and3A_747 = arith.andi %convert_element_type3A_727, %and3A_746 : vector<16xi32>
    %shift_left3A_748 = arith.constant 7 : i32
    %shift_left3A_749 = vector.broadcast %shift_left3A_748 : i32 to vector<16xi32>
    %shift_left3A_750 = arith.shli %and3A_747, %shift_left3A_749 : vector<16xi32>
    %or3A_751 = arith.ori %shift_left3A_744, %shift_left3A_750 : vector<16xi32>
    %add3A_752 = vector.broadcast %add3A_738 : i32 to vector<16xi32>
    %add3A_753 = arith.addi %iota3A, %add3A_752 : vector<16xi32>
    %add3A_754 = arith.addi %or3A_751, %add3A_753 : vector<16xi32>
    %dma_start3A_755 = arith.constant 1 : i32
    %dma_start3A_756 = arith.constant 0 : i32
    %dma_start3A_757 = tpu.memref_slice %arg6[%dma_start3A_755, %dma_start3A_756] : memref<4x128xf32, #tpu.memory_space<vmem>> -> memref<1x128xf32, #tpu.memory_space<vmem>>
    %dma_start3A_758 = tpu.memref_squeeze %dma_start3A_757 : memref<1x128xf32, #tpu.memory_space<vmem>> -> memref<128xf32, #tpu.memory_space<vmem>>
    %dma_start3A_759 = arith.constant 112 : i32
    %dma_start3A_760 = tpu.memref_slice %dma_start3A_758[%dma_start3A_759] : memref<128xf32, #tpu.memory_space<vmem>> -> memref<16xf32, #tpu.memory_space<vmem>>
    %dma_start3A_761 = arith.constant 0 : i32
    %dma_start3A_762 = tpu.memref_slice %arg3[%dma_start3A_761] : memref<16384000xf32, #tpu.memory_space<hbm>> -> memref<16384000xf32, #tpu.memory_space<hbm>>
    tpu.enqueue_indirect_dma source(%dma_start3A_762 : memref<16384000xf32, #tpu.memory_space<hbm>>) target(%dma_start3A_760 : memref<16xf32, #tpu.memory_space<vmem>>) offsets(%add3A_754 : vector<16xi32>) semaphore(%arg8 : memref<!tpu.dma_semaphore, #tpu.memory_space<semaphore_mem>>)
    %get3A_763 = arith.constant 256 : index
    %get3A_764 = tpu.vector_load %arg5[%get3A_763] {strides = array<i32>} : memref<512xf32, #tpu.memory_space<vmem>>, vector<16xf32>,
    %get3A_765 = vector.shape_cast %get3A_764 : vector<16xf32> to vector<16xf32>
    %mul3A_766 = arith.constant 9.990000e+02 : f32
    %mul3A_767 = vector.broadcast %mul3A_766 : f32 to vector<16xf32>
    %mul3A_768 = arith.mulf %get3A_765, %mul3A_767 : vector<16xf32>
    %add3A_769 = arith.constant 0x4B000000 : f32
    %add3A_770 = vector.broadcast %add3A_769 : f32 to vector<16xf32>
    %add3A_771 = arith.addf %mul3A_768, %add3A_770 : vector<16xf32>
    %sub3A_772 = arith.constant 0x4B000000 : f32
    %sub3A_773 = vector.broadcast %sub3A_772 : f32 to vector<16xf32>
    %sub3A_774 = arith.subf %add3A_771, %sub3A_773 : vector<16xf32>
    %convert_element_type3A_775 = arith.fptosi %sub3A_774 : vector<16xf32> to vector<16xi32>
    %add3A_776 = arith.constant 256 : i32
    %add3A_777 = arith.addi %mul3A_2, %add3A_776 : i32
    %shift_right_arithmetic3A_778 = arith.constant 7 : i32
    %shift_right_arithmetic3A_779 = arith.shrsi %add3A_777, %shift_right_arithmetic3A_778 : i32
    %shift_left3A_780 = arith.constant 10 : i32
    %shift_left3A_781 = arith.shli %shift_right_arithmetic3A_779, %shift_left3A_780 : i32
    %add3A_782 = arith.constant 256 : i32
    %add3A_783 = arith.addi %mul3A_2, %add3A_782 : i32
    %and3A_784 = arith.constant 127 : i32
    %and3A_785 = arith.andi %add3A_783, %and3A_784 : i32
    %add3A_786 = arith.addi %shift_left3A_781, %and3A_785 : i32
    %shift_right_arithmetic3A_787 = arith.constant 3 : i32
    %shift_right_arithmetic3A_788 = vector.broadcast %shift_right_arithmetic3A_787 : i32 to vector<16xi32>
    %shift_right_arithmetic3A_789 = arith.shrsi %convert_element_type3A_775, %shift_right_arithmetic3A_788 : vector<16xi32>
    %shift_left3A_790 = arith.constant 17 : i32
    %shift_left3A_791 = vector.broadcast %shift_left3A_790 : i32 to vector<16xi32>
    %shift_left3A_792 = arith.shli %shift_right_arithmetic3A_789, %shift_left3A_791 : vector<16xi32>
    %and3A_793 = arith.constant 7 : i32
    %and3A_794 = vector.broadcast %and3A_793 : i32 to vector<16xi32>
    %and3A_795 = arith.andi %convert_element_type3A_775, %and3A_794 : vector<16xi32>
    %shift_left3A_796 = arith.constant 7 : i32
    %shift_left3A_797 = vector.broadcast %shift_left3A_796 : i32 to vector<16xi32>
    %shift_left3A_798 = arith.shli %and3A_795, %shift_left3A_797 : vector<16xi32>
    %or3A_799 = arith.ori %shift_left3A_792, %shift_left3A_798 : vector<16xi32>
    %add3A_800 = vector.broadcast %add3A_786 : i32 to vector<16xi32>
    %add3A_801 = arith.addi %iota3A, %add3A_800 : vector<16xi32>
    %add3A_802 = arith.addi %or3A_799, %add3A_801 : vector<16xi32>
    %dma_start3A_803 = arith.constant 2 : i32
    %dma_start3A_804 = arith.constant 0 : i32
    %dma_start3A_805 = tpu.memref_slice %arg6[%dma_start3A_803, %dma_start3A_804] : memref<4x128xf32, #tpu.memory_space<vmem>> -> memref<1x128xf32, #tpu.memory_space<vmem>>
    %dma_start3A_806 = tpu.memref_squeeze %dma_start3A_805 : memref<1x128xf32, #tpu.memory_space<vmem>> -> memref<128xf32, #tpu.memory_space<vmem>>
    %dma_start3A_807 = arith.constant 0 : i32
    %dma_start3A_808 = tpu.memref_slice %dma_start3A_806[%dma_start3A_807] : memref<128xf32, #tpu.memory_space<vmem>> -> memref<16xf32, #tpu.memory_space<vmem>>
    %dma_start3A_809 = arith.constant 0 : i32
    %dma_start3A_810 = tpu.memref_slice %arg3[%dma_start3A_809] : memref<16384000xf32, #tpu.memory_space<hbm>> -> memref<16384000xf32, #tpu.memory_space<hbm>>
    tpu.enqueue_indirect_dma source(%dma_start3A_810 : memref<16384000xf32, #tpu.memory_space<hbm>>) target(%dma_start3A_808 : memref<16xf32, #tpu.memory_space<vmem>>) offsets(%add3A_802 : vector<16xi32>) semaphore(%arg9 : memref<!tpu.dma_semaphore, #tpu.memory_space<semaphore_mem>>)
    %get3A_811 = arith.constant 272 : index
    %get3A_812 = tpu.vector_load %arg5[%get3A_811] {strides = array<i32>} : memref<512xf32, #tpu.memory_space<vmem>>, vector<16xf32>,
    %get3A_813 = vector.shape_cast %get3A_812 : vector<16xf32> to vector<16xf32>
    %mul3A_814 = arith.constant 9.990000e+02 : f32
    %mul3A_815 = vector.broadcast %mul3A_814 : f32 to vector<16xf32>
    %mul3A_816 = arith.mulf %get3A_813, %mul3A_815 : vector<16xf32>
    %add3A_817 = arith.constant 0x4B000000 : f32
    %add3A_818 = vector.broadcast %add3A_817 : f32 to vector<16xf32>
    %add3A_819 = arith.addf %mul3A_816, %add3A_818 : vector<16xf32>
    %sub3A_820 = arith.constant 0x4B000000 : f32
    %sub3A_821 = vector.broadcast %sub3A_820 : f32 to vector<16xf32>
    %sub3A_822 = arith.subf %add3A_819, %sub3A_821 : vector<16xf32>
    %convert_element_type3A_823 = arith.fptosi %sub3A_822 : vector<16xf32> to vector<16xi32>
    %add3A_824 = arith.constant 272 : i32
    %add3A_825 = arith.addi %mul3A_2, %add3A_824 : i32
    %shift_right_arithmetic3A_826 = arith.constant 7 : i32
    %shift_right_arithmetic3A_827 = arith.shrsi %add3A_825, %shift_right_arithmetic3A_826 : i32
    %shift_left3A_828 = arith.constant 10 : i32
    %shift_left3A_829 = arith.shli %shift_right_arithmetic3A_827, %shift_left3A_828 : i32
    %add3A_830 = arith.constant 272 : i32
    %add3A_831 = arith.addi %mul3A_2, %add3A_830 : i32
    %and3A_832 = arith.constant 127 : i32
    %and3A_833 = arith.andi %add3A_831, %and3A_832 : i32
    %add3A_834 = arith.addi %shift_left3A_829, %and3A_833 : i32
    %shift_right_arithmetic3A_835 = arith.constant 3 : i32
    %shift_right_arithmetic3A_836 = vector.broadcast %shift_right_arithmetic3A_835 : i32 to vector<16xi32>
    %shift_right_arithmetic3A_837 = arith.shrsi %convert_element_type3A_823, %shift_right_arithmetic3A_836 : vector<16xi32>
    %shift_left3A_838 = arith.constant 17 : i32
    %shift_left3A_839 = vector.broadcast %shift_left3A_838 : i32 to vector<16xi32>
    %shift_left3A_840 = arith.shli %shift_right_arithmetic3A_837, %shift_left3A_839 : vector<16xi32>
    %and3A_841 = arith.constant 7 : i32
    %and3A_842 = vector.broadcast %and3A_841 : i32 to vector<16xi32>
    %and3A_843 = arith.andi %convert_element_type3A_823, %and3A_842 : vector<16xi32>
    %shift_left3A_844 = arith.constant 7 : i32
    %shift_left3A_845 = vector.broadcast %shift_left3A_844 : i32 to vector<16xi32>
    %shift_left3A_846 = arith.shli %and3A_843, %shift_left3A_845 : vector<16xi32>
    %or3A_847 = arith.ori %shift_left3A_840, %shift_left3A_846 : vector<16xi32>
    %add3A_848 = vector.broadcast %add3A_834 : i32 to vector<16xi32>
    %add3A_849 = arith.addi %iota3A, %add3A_848 : vector<16xi32>
    %add3A_850 = arith.addi %or3A_847, %add3A_849 : vector<16xi32>
    %dma_start3A_851 = arith.constant 2 : i32
    %dma_start3A_852 = arith.constant 0 : i32
    %dma_start3A_853 = tpu.memref_slice %arg6[%dma_start3A_851, %dma_start3A_852] : memref<4x128xf32, #tpu.memory_space<vmem>> -> memref<1x128xf32, #tpu.memory_space<vmem>>
    %dma_start3A_854 = tpu.memref_squeeze %dma_start3A_853 : memref<1x128xf32, #tpu.memory_space<vmem>> -> memref<128xf32, #tpu.memory_space<vmem>>
    %dma_start3A_855 = arith.constant 16 : i32
    %dma_start3A_856 = tpu.memref_slice %dma_start3A_854[%dma_start3A_855] : memref<128xf32, #tpu.memory_space<vmem>> -> memref<16xf32, #tpu.memory_space<vmem>>
    %dma_start3A_857 = arith.constant 0 : i32
    %dma_start3A_858 = tpu.memref_slice %arg3[%dma_start3A_857] : memref<16384000xf32, #tpu.memory_space<hbm>> -> memref<16384000xf32, #tpu.memory_space<hbm>>
    tpu.enqueue_indirect_dma source(%dma_start3A_858 : memref<16384000xf32, #tpu.memory_space<hbm>>) target(%dma_start3A_856 : memref<16xf32, #tpu.memory_space<vmem>>) offsets(%add3A_850 : vector<16xi32>) semaphore(%arg9 : memref<!tpu.dma_semaphore, #tpu.memory_space<semaphore_mem>>)
    %get3A_859 = arith.constant 288 : index
    %get3A_860 = tpu.vector_load %arg5[%get3A_859] {strides = array<i32>} : memref<512xf32, #tpu.memory_space<vmem>>, vector<16xf32>,
    %get3A_861 = vector.shape_cast %get3A_860 : vector<16xf32> to vector<16xf32>
    %mul3A_862 = arith.constant 9.990000e+02 : f32
    %mul3A_863 = vector.broadcast %mul3A_862 : f32 to vector<16xf32>
    %mul3A_864 = arith.mulf %get3A_861, %mul3A_863 : vector<16xf32>
    %add3A_865 = arith.constant 0x4B000000 : f32
    %add3A_866 = vector.broadcast %add3A_865 : f32 to vector<16xf32>
    %add3A_867 = arith.addf %mul3A_864, %add3A_866 : vector<16xf32>
    %sub3A_868 = arith.constant 0x4B000000 : f32
    %sub3A_869 = vector.broadcast %sub3A_868 : f32 to vector<16xf32>
    %sub3A_870 = arith.subf %add3A_867, %sub3A_869 : vector<16xf32>
    %convert_element_type3A_871 = arith.fptosi %sub3A_870 : vector<16xf32> to vector<16xi32>
    %add3A_872 = arith.constant 288 : i32
    %add3A_873 = arith.addi %mul3A_2, %add3A_872 : i32
    %shift_right_arithmetic3A_874 = arith.constant 7 : i32
    %shift_right_arithmetic3A_875 = arith.shrsi %add3A_873, %shift_right_arithmetic3A_874 : i32
    %shift_left3A_876 = arith.constant 10 : i32
    %shift_left3A_877 = arith.shli %shift_right_arithmetic3A_875, %shift_left3A_876 : i32
    %add3A_878 = arith.constant 288 : i32
    %add3A_879 = arith.addi %mul3A_2, %add3A_878 : i32
    %and3A_880 = arith.constant 127 : i32
    %and3A_881 = arith.andi %add3A_879, %and3A_880 : i32
    %add3A_882 = arith.addi %shift_left3A_877, %and3A_881 : i32
    %shift_right_arithmetic3A_883 = arith.constant 3 : i32
    %shift_right_arithmetic3A_884 = vector.broadcast %shift_right_arithmetic3A_883 : i32 to vector<16xi32>
    %shift_right_arithmetic3A_885 = arith.shrsi %convert_element_type3A_871, %shift_right_arithmetic3A_884 : vector<16xi32>
    %shift_left3A_886 = arith.constant 17 : i32
    %shift_left3A_887 = vector.broadcast %shift_left3A_886 : i32 to vector<16xi32>
    %shift_left3A_888 = arith.shli %shift_right_arithmetic3A_885, %shift_left3A_887 : vector<16xi32>
    %and3A_889 = arith.constant 7 : i32
    %and3A_890 = vector.broadcast %and3A_889 : i32 to vector<16xi32>
    %and3A_891 = arith.andi %convert_element_type3A_871, %and3A_890 : vector<16xi32>
    %shift_left3A_892 = arith.constant 7 : i32
    %shift_left3A_893 = vector.broadcast %shift_left3A_892 : i32 to vector<16xi32>
    %shift_left3A_894 = arith.shli %and3A_891, %shift_left3A_893 : vector<16xi32>
    %or3A_895 = arith.ori %shift_left3A_888, %shift_left3A_894 : vector<16xi32>
    %add3A_896 = vector.broadcast %add3A_882 : i32 to vector<16xi32>
    %add3A_897 = arith.addi %iota3A, %add3A_896 : vector<16xi32>
    %add3A_898 = arith.addi %or3A_895, %add3A_897 : vector<16xi32>
    %dma_start3A_899 = arith.constant 2 : i32
    %dma_start3A_900 = arith.constant 0 : i32
    %dma_start3A_901 = tpu.memref_slice %arg6[%dma_start3A_899, %dma_start3A_900] : memref<4x128xf32, #tpu.memory_space<vmem>> -> memref<1x128xf32, #tpu.memory_space<vmem>>
    %dma_start3A_902 = tpu.memref_squeeze %dma_start3A_901 : memref<1x128xf32, #tpu.memory_space<vmem>> -> memref<128xf32, #tpu.memory_space<vmem>>
    %dma_start3A_903 = arith.constant 32 : i32
    %dma_start3A_904 = tpu.memref_slice %dma_start3A_902[%dma_start3A_903] : memref<128xf32, #tpu.memory_space<vmem>> -> memref<16xf32, #tpu.memory_space<vmem>>
    %dma_start3A_905 = arith.constant 0 : i32
    %dma_start3A_906 = tpu.memref_slice %arg3[%dma_start3A_905] : memref<16384000xf32, #tpu.memory_space<hbm>> -> memref<16384000xf32, #tpu.memory_space<hbm>>
    tpu.enqueue_indirect_dma source(%dma_start3A_906 : memref<16384000xf32, #tpu.memory_space<hbm>>) target(%dma_start3A_904 : memref<16xf32, #tpu.memory_space<vmem>>) offsets(%add3A_898 : vector<16xi32>) semaphore(%arg9 : memref<!tpu.dma_semaphore, #tpu.memory_space<semaphore_mem>>)
    %get3A_907 = arith.constant 304 : index
    %get3A_908 = tpu.vector_load %arg5[%get3A_907] {strides = array<i32>} : memref<512xf32, #tpu.memory_space<vmem>>, vector<16xf32>,
    %get3A_909 = vector.shape_cast %get3A_908 : vector<16xf32> to vector<16xf32>
    %mul3A_910 = arith.constant 9.990000e+02 : f32
    %mul3A_911 = vector.broadcast %mul3A_910 : f32 to vector<16xf32>
    %mul3A_912 = arith.mulf %get3A_909, %mul3A_911 : vector<16xf32>
    %add3A_913 = arith.constant 0x4B000000 : f32
    %add3A_914 = vector.broadcast %add3A_913 : f32 to vector<16xf32>
    %add3A_915 = arith.addf %mul3A_912, %add3A_914 : vector<16xf32>
    %sub3A_916 = arith.constant 0x4B000000 : f32
    %sub3A_917 = vector.broadcast %sub3A_916 : f32 to vector<16xf32>
    %sub3A_918 = arith.subf %add3A_915, %sub3A_917 : vector<16xf32>
    %convert_element_type3A_919 = arith.fptosi %sub3A_918 : vector<16xf32> to vector<16xi32>
    %add3A_920 = arith.constant 304 : i32
    %add3A_921 = arith.addi %mul3A_2, %add3A_920 : i32
    %shift_right_arithmetic3A_922 = arith.constant 7 : i32
    %shift_right_arithmetic3A_923 = arith.shrsi %add3A_921, %shift_right_arithmetic3A_922 : i32
    %shift_left3A_924 = arith.constant 10 : i32
    %shift_left3A_925 = arith.shli %shift_right_arithmetic3A_923, %shift_left3A_924 : i32
    %add3A_926 = arith.constant 304 : i32
    %add3A_927 = arith.addi %mul3A_2, %add3A_926 : i32
    %and3A_928 = arith.constant 127 : i32
    %and3A_929 = arith.andi %add3A_927, %and3A_928 : i32
    %add3A_930 = arith.addi %shift_left3A_925, %and3A_929 : i32
    %shift_right_arithmetic3A_931 = arith.constant 3 : i32
    %shift_right_arithmetic3A_932 = vector.broadcast %shift_right_arithmetic3A_931 : i32 to vector<16xi32>
    %shift_right_arithmetic3A_933 = arith.shrsi %convert_element_type3A_919, %shift_right_arithmetic3A_932 : vector<16xi32>
    %shift_left3A_934 = arith.constant 17 : i32
    %shift_left3A_935 = vector.broadcast %shift_left3A_934 : i32 to vector<16xi32>
    %shift_left3A_936 = arith.shli %shift_right_arithmetic3A_933, %shift_left3A_935 : vector<16xi32>
    %and3A_937 = arith.constant 7 : i32
    %and3A_938 = vector.broadcast %and3A_937 : i32 to vector<16xi32>
    %and3A_939 = arith.andi %convert_element_type3A_919, %and3A_938 : vector<16xi32>
    %shift_left3A_940 = arith.constant 7 : i32
    %shift_left3A_941 = vector.broadcast %shift_left3A_940 : i32 to vector<16xi32>
    %shift_left3A_942 = arith.shli %and3A_939, %shift_left3A_941 : vector<16xi32>
    %or3A_943 = arith.ori %shift_left3A_936, %shift_left3A_942 : vector<16xi32>
    %add3A_944 = vector.broadcast %add3A_930 : i32 to vector<16xi32>
    %add3A_945 = arith.addi %iota3A, %add3A_944 : vector<16xi32>
    %add3A_946 = arith.addi %or3A_943, %add3A_945 : vector<16xi32>
    %dma_start3A_947 = arith.constant 2 : i32
    %dma_start3A_948 = arith.constant 0 : i32
    %dma_start3A_949 = tpu.memref_slice %arg6[%dma_start3A_947, %dma_start3A_948] : memref<4x128xf32, #tpu.memory_space<vmem>> -> memref<1x128xf32, #tpu.memory_space<vmem>>
    %dma_start3A_950 = tpu.memref_squeeze %dma_start3A_949 : memref<1x128xf32, #tpu.memory_space<vmem>> -> memref<128xf32, #tpu.memory_space<vmem>>
    %dma_start3A_951 = arith.constant 48 : i32
    %dma_start3A_952 = tpu.memref_slice %dma_start3A_950[%dma_start3A_951] : memref<128xf32, #tpu.memory_space<vmem>> -> memref<16xf32, #tpu.memory_space<vmem>>
    %dma_start3A_953 = arith.constant 0 : i32
    %dma_start3A_954 = tpu.memref_slice %arg3[%dma_start3A_953] : memref<16384000xf32, #tpu.memory_space<hbm>> -> memref<16384000xf32, #tpu.memory_space<hbm>>
    tpu.enqueue_indirect_dma source(%dma_start3A_954 : memref<16384000xf32, #tpu.memory_space<hbm>>) target(%dma_start3A_952 : memref<16xf32, #tpu.memory_space<vmem>>) offsets(%add3A_946 : vector<16xi32>) semaphore(%arg9 : memref<!tpu.dma_semaphore, #tpu.memory_space<semaphore_mem>>)
    %get3A_955 = arith.constant 320 : index
    %get3A_956 = tpu.vector_load %arg5[%get3A_955] {strides = array<i32>} : memref<512xf32, #tpu.memory_space<vmem>>, vector<16xf32>,
    %get3A_957 = vector.shape_cast %get3A_956 : vector<16xf32> to vector<16xf32>
    %mul3A_958 = arith.constant 9.990000e+02 : f32
    %mul3A_959 = vector.broadcast %mul3A_958 : f32 to vector<16xf32>
    %mul3A_960 = arith.mulf %get3A_957, %mul3A_959 : vector<16xf32>
    %add3A_961 = arith.constant 0x4B000000 : f32
    %add3A_962 = vector.broadcast %add3A_961 : f32 to vector<16xf32>
    %add3A_963 = arith.addf %mul3A_960, %add3A_962 : vector<16xf32>
    %sub3A_964 = arith.constant 0x4B000000 : f32
    %sub3A_965 = vector.broadcast %sub3A_964 : f32 to vector<16xf32>
    %sub3A_966 = arith.subf %add3A_963, %sub3A_965 : vector<16xf32>
    %convert_element_type3A_967 = arith.fptosi %sub3A_966 : vector<16xf32> to vector<16xi32>
    %add3A_968 = arith.constant 320 : i32
    %add3A_969 = arith.addi %mul3A_2, %add3A_968 : i32
    %shift_right_arithmetic3A_970 = arith.constant 7 : i32
    %shift_right_arithmetic3A_971 = arith.shrsi %add3A_969, %shift_right_arithmetic3A_970 : i32
    %shift_left3A_972 = arith.constant 10 : i32
    %shift_left3A_973 = arith.shli %shift_right_arithmetic3A_971, %shift_left3A_972 : i32
    %add3A_974 = arith.constant 320 : i32
    %add3A_975 = arith.addi %mul3A_2, %add3A_974 : i32
    %and3A_976 = arith.constant 127 : i32
    %and3A_977 = arith.andi %add3A_975, %and3A_976 : i32
    %add3A_978 = arith.addi %shift_left3A_973, %and3A_977 : i32
    %shift_right_arithmetic3A_979 = arith.constant 3 : i32
    %shift_right_arithmetic3A_980 = vector.broadcast %shift_right_arithmetic3A_979 : i32 to vector<16xi32>
    %shift_right_arithmetic3A_981 = arith.shrsi %convert_element_type3A_967, %shift_right_arithmetic3A_980 : vector<16xi32>
    %shift_left3A_982 = arith.constant 17 : i32
    %shift_left3A_983 = vector.broadcast %shift_left3A_982 : i32 to vector<16xi32>
    %shift_left3A_984 = arith.shli %shift_right_arithmetic3A_981, %shift_left3A_983 : vector<16xi32>
    %and3A_985 = arith.constant 7 : i32
    %and3A_986 = vector.broadcast %and3A_985 : i32 to vector<16xi32>
    %and3A_987 = arith.andi %convert_element_type3A_967, %and3A_986 : vector<16xi32>
    %shift_left3A_988 = arith.constant 7 : i32
    %shift_left3A_989 = vector.broadcast %shift_left3A_988 : i32 to vector<16xi32>
    %shift_left3A_990 = arith.shli %and3A_987, %shift_left3A_989 : vector<16xi32>
    %or3A_991 = arith.ori %shift_left3A_984, %shift_left3A_990 : vector<16xi32>
    %add3A_992 = vector.broadcast %add3A_978 : i32 to vector<16xi32>
    %add3A_993 = arith.addi %iota3A, %add3A_992 : vector<16xi32>
    %add3A_994 = arith.addi %or3A_991, %add3A_993 : vector<16xi32>
    %dma_start3A_995 = arith.constant 2 : i32
    %dma_start3A_996 = arith.constant 0 : i32
    %dma_start3A_997 = tpu.memref_slice %arg6[%dma_start3A_995, %dma_start3A_996] : memref<4x128xf32, #tpu.memory_space<vmem>> -> memref<1x128xf32, #tpu.memory_space<vmem>>
    %dma_start3A_998 = tpu.memref_squeeze %dma_start3A_997 : memref<1x128xf32, #tpu.memory_space<vmem>> -> memref<128xf32, #tpu.memory_space<vmem>>
    %dma_start3A_999 = arith.constant 64 : i32
    %dma_start3A_1000 = tpu.memref_slice %dma_start3A_998[%dma_start3A_999] : memref<128xf32, #tpu.memory_space<vmem>> -> memref<16xf32, #tpu.memory_space<vmem>>
    %dma_start3A_1001 = arith.constant 0 : i32
    %dma_start3A_1002 = tpu.memref_slice %arg3[%dma_start3A_1001] : memref<16384000xf32, #tpu.memory_space<hbm>> -> memref<16384000xf32, #tpu.memory_space<hbm>>
    tpu.enqueue_indirect_dma source(%dma_start3A_1002 : memref<16384000xf32, #tpu.memory_space<hbm>>) target(%dma_start3A_1000 : memref<16xf32, #tpu.memory_space<vmem>>) offsets(%add3A_994 : vector<16xi32>) semaphore(%arg9 : memref<!tpu.dma_semaphore, #tpu.memory_space<semaphore_mem>>)
    %get3A_1003 = arith.constant 336 : index
    %get3A_1004 = tpu.vector_load %arg5[%get3A_1003] {strides = array<i32>} : memref<512xf32, #tpu.memory_space<vmem>>, vector<16xf32>,
    %get3A_1005 = vector.shape_cast %get3A_1004 : vector<16xf32> to vector<16xf32>
    %mul3A_1006 = arith.constant 9.990000e+02 : f32
    %mul3A_1007 = vector.broadcast %mul3A_1006 : f32 to vector<16xf32>
    %mul3A_1008 = arith.mulf %get3A_1005, %mul3A_1007 : vector<16xf32>
    %add3A_1009 = arith.constant 0x4B000000 : f32
    %add3A_1010 = vector.broadcast %add3A_1009 : f32 to vector<16xf32>
    %add3A_1011 = arith.addf %mul3A_1008, %add3A_1010 : vector<16xf32>
    %sub3A_1012 = arith.constant 0x4B000000 : f32
    %sub3A_1013 = vector.broadcast %sub3A_1012 : f32 to vector<16xf32>
    %sub3A_1014 = arith.subf %add3A_1011, %sub3A_1013 : vector<16xf32>
    %convert_element_type3A_1015 = arith.fptosi %sub3A_1014 : vector<16xf32> to vector<16xi32>
    %add3A_1016 = arith.constant 336 : i32
    %add3A_1017 = arith.addi %mul3A_2, %add3A_1016 : i32
    %shift_right_arithmetic3A_1018 = arith.constant 7 : i32
    %shift_right_arithmetic3A_1019 = arith.shrsi %add3A_1017, %shift_right_arithmetic3A_1018 : i32
    %shift_left3A_1020 = arith.constant 10 : i32
    %shift_left3A_1021 = arith.shli %shift_right_arithmetic3A_1019, %shift_left3A_1020 : i32
    %add3A_1022 = arith.constant 336 : i32
    %add3A_1023 = arith.addi %mul3A_2, %add3A_1022 : i32
    %and3A_1024 = arith.constant 127 : i32
    %and3A_1025 = arith.andi %add3A_1023, %and3A_1024 : i32
    %add3A_1026 = arith.addi %shift_left3A_1021, %and3A_1025 : i32
    %shift_right_arithmetic3A_1027 = arith.constant 3 : i32
    %shift_right_arithmetic3A_1028 = vector.broadcast %shift_right_arithmetic3A_1027 : i32 to vector<16xi32>
    %shift_right_arithmetic3A_1029 = arith.shrsi %convert_element_type3A_1015, %shift_right_arithmetic3A_1028 : vector<16xi32>
    %shift_left3A_1030 = arith.constant 17 : i32
    %shift_left3A_1031 = vector.broadcast %shift_left3A_1030 : i32 to vector<16xi32>
    %shift_left3A_1032 = arith.shli %shift_right_arithmetic3A_1029, %shift_left3A_1031 : vector<16xi32>
    %and3A_1033 = arith.constant 7 : i32
    %and3A_1034 = vector.broadcast %and3A_1033 : i32 to vector<16xi32>
    %and3A_1035 = arith.andi %convert_element_type3A_1015, %and3A_1034 : vector<16xi32>
    %shift_left3A_1036 = arith.constant 7 : i32
    %shift_left3A_1037 = vector.broadcast %shift_left3A_1036 : i32 to vector<16xi32>
    %shift_left3A_1038 = arith.shli %and3A_1035, %shift_left3A_1037 : vector<16xi32>
    %or3A_1039 = arith.ori %shift_left3A_1032, %shift_left3A_1038 : vector<16xi32>
    %add3A_1040 = vector.broadcast %add3A_1026 : i32 to vector<16xi32>
    %add3A_1041 = arith.addi %iota3A, %add3A_1040 : vector<16xi32>
    %add3A_1042 = arith.addi %or3A_1039, %add3A_1041 : vector<16xi32>
    %dma_start3A_1043 = arith.constant 2 : i32
    %dma_start3A_1044 = arith.constant 0 : i32
    %dma_start3A_1045 = tpu.memref_slice %arg6[%dma_start3A_1043, %dma_start3A_1044] : memref<4x128xf32, #tpu.memory_space<vmem>> -> memref<1x128xf32, #tpu.memory_space<vmem>>
    %dma_start3A_1046 = tpu.memref_squeeze %dma_start3A_1045 : memref<1x128xf32, #tpu.memory_space<vmem>> -> memref<128xf32, #tpu.memory_space<vmem>>
    %dma_start3A_1047 = arith.constant 80 : i32
    %dma_start3A_1048 = tpu.memref_slice %dma_start3A_1046[%dma_start3A_1047] : memref<128xf32, #tpu.memory_space<vmem>> -> memref<16xf32, #tpu.memory_space<vmem>>
    %dma_start3A_1049 = arith.constant 0 : i32
    %dma_start3A_1050 = tpu.memref_slice %arg3[%dma_start3A_1049] : memref<16384000xf32, #tpu.memory_space<hbm>> -> memref<16384000xf32, #tpu.memory_space<hbm>>
    tpu.enqueue_indirect_dma source(%dma_start3A_1050 : memref<16384000xf32, #tpu.memory_space<hbm>>) target(%dma_start3A_1048 : memref<16xf32, #tpu.memory_space<vmem>>) offsets(%add3A_1042 : vector<16xi32>) semaphore(%arg9 : memref<!tpu.dma_semaphore, #tpu.memory_space<semaphore_mem>>)
    %get3A_1051 = arith.constant 352 : index
    %get3A_1052 = tpu.vector_load %arg5[%get3A_1051] {strides = array<i32>} : memref<512xf32, #tpu.memory_space<vmem>>, vector<16xf32>,
    %get3A_1053 = vector.shape_cast %get3A_1052 : vector<16xf32> to vector<16xf32>
    %mul3A_1054 = arith.constant 9.990000e+02 : f32
    %mul3A_1055 = vector.broadcast %mul3A_1054 : f32 to vector<16xf32>
    %mul3A_1056 = arith.mulf %get3A_1053, %mul3A_1055 : vector<16xf32>
    %add3A_1057 = arith.constant 0x4B000000 : f32
    %add3A_1058 = vector.broadcast %add3A_1057 : f32 to vector<16xf32>
    %add3A_1059 = arith.addf %mul3A_1056, %add3A_1058 : vector<16xf32>
    %sub3A_1060 = arith.constant 0x4B000000 : f32
    %sub3A_1061 = vector.broadcast %sub3A_1060 : f32 to vector<16xf32>
    %sub3A_1062 = arith.subf %add3A_1059, %sub3A_1061 : vector<16xf32>
    %convert_element_type3A_1063 = arith.fptosi %sub3A_1062 : vector<16xf32> to vector<16xi32>
    %add3A_1064 = arith.constant 352 : i32
    %add3A_1065 = arith.addi %mul3A_2, %add3A_1064 : i32
    %shift_right_arithmetic3A_1066 = arith.constant 7 : i32
    %shift_right_arithmetic3A_1067 = arith.shrsi %add3A_1065, %shift_right_arithmetic3A_1066 : i32
    %shift_left3A_1068 = arith.constant 10 : i32
    %shift_left3A_1069 = arith.shli %shift_right_arithmetic3A_1067, %shift_left3A_1068 : i32
    %add3A_1070 = arith.constant 352 : i32
    %add3A_1071 = arith.addi %mul3A_2, %add3A_1070 : i32
    %and3A_1072 = arith.constant 127 : i32
    %and3A_1073 = arith.andi %add3A_1071, %and3A_1072 : i32
    %add3A_1074 = arith.addi %shift_left3A_1069, %and3A_1073 : i32
    %shift_right_arithmetic3A_1075 = arith.constant 3 : i32
    %shift_right_arithmetic3A_1076 = vector.broadcast %shift_right_arithmetic3A_1075 : i32 to vector<16xi32>
    %shift_right_arithmetic3A_1077 = arith.shrsi %convert_element_type3A_1063, %shift_right_arithmetic3A_1076 : vector<16xi32>
    %shift_left3A_1078 = arith.constant 17 : i32
    %shift_left3A_1079 = vector.broadcast %shift_left3A_1078 : i32 to vector<16xi32>
    %shift_left3A_1080 = arith.shli %shift_right_arithmetic3A_1077, %shift_left3A_1079 : vector<16xi32>
    %and3A_1081 = arith.constant 7 : i32
    %and3A_1082 = vector.broadcast %and3A_1081 : i32 to vector<16xi32>
    %and3A_1083 = arith.andi %convert_element_type3A_1063, %and3A_1082 : vector<16xi32>
    %shift_left3A_1084 = arith.constant 7 : i32
    %shift_left3A_1085 = vector.broadcast %shift_left3A_1084 : i32 to vector<16xi32>
    %shift_left3A_1086 = arith.shli %and3A_1083, %shift_left3A_1085 : vector<16xi32>
    %or3A_1087 = arith.ori %shift_left3A_1080, %shift_left3A_1086 : vector<16xi32>
    %add3A_1088 = vector.broadcast %add3A_1074 : i32 to vector<16xi32>
    %add3A_1089 = arith.addi %iota3A, %add3A_1088 : vector<16xi32>
    %add3A_1090 = arith.addi %or3A_1087, %add3A_1089 : vector<16xi32>
    %dma_start3A_1091 = arith.constant 2 : i32
    %dma_start3A_1092 = arith.constant 0 : i32
    %dma_start3A_1093 = tpu.memref_slice %arg6[%dma_start3A_1091, %dma_start3A_1092] : memref<4x128xf32, #tpu.memory_space<vmem>> -> memref<1x128xf32, #tpu.memory_space<vmem>>
    %dma_start3A_1094 = tpu.memref_squeeze %dma_start3A_1093 : memref<1x128xf32, #tpu.memory_space<vmem>> -> memref<128xf32, #tpu.memory_space<vmem>>
    %dma_start3A_1095 = arith.constant 96 : i32
    %dma_start3A_1096 = tpu.memref_slice %dma_start3A_1094[%dma_start3A_1095] : memref<128xf32, #tpu.memory_space<vmem>> -> memref<16xf32, #tpu.memory_space<vmem>>
    %dma_start3A_1097 = arith.constant 0 : i32
    %dma_start3A_1098 = tpu.memref_slice %arg3[%dma_start3A_1097] : memref<16384000xf32, #tpu.memory_space<hbm>> -> memref<16384000xf32, #tpu.memory_space<hbm>>
    tpu.enqueue_indirect_dma source(%dma_start3A_1098 : memref<16384000xf32, #tpu.memory_space<hbm>>) target(%dma_start3A_1096 : memref<16xf32, #tpu.memory_space<vmem>>) offsets(%add3A_1090 : vector<16xi32>) semaphore(%arg9 : memref<!tpu.dma_semaphore, #tpu.memory_space<semaphore_mem>>)
    %get3A_1099 = arith.constant 368 : index
    %get3A_1100 = tpu.vector_load %arg5[%get3A_1099] {strides = array<i32>} : memref<512xf32, #tpu.memory_space<vmem>>, vector<16xf32>,
    %get3A_1101 = vector.shape_cast %get3A_1100 : vector<16xf32> to vector<16xf32>
    %mul3A_1102 = arith.constant 9.990000e+02 : f32
    %mul3A_1103 = vector.broadcast %mul3A_1102 : f32 to vector<16xf32>
    %mul3A_1104 = arith.mulf %get3A_1101, %mul3A_1103 : vector<16xf32>
    %add3A_1105 = arith.constant 0x4B000000 : f32
    %add3A_1106 = vector.broadcast %add3A_1105 : f32 to vector<16xf32>
    %add3A_1107 = arith.addf %mul3A_1104, %add3A_1106 : vector<16xf32>
    %sub3A_1108 = arith.constant 0x4B000000 : f32
    %sub3A_1109 = vector.broadcast %sub3A_1108 : f32 to vector<16xf32>
    %sub3A_1110 = arith.subf %add3A_1107, %sub3A_1109 : vector<16xf32>
    %convert_element_type3A_1111 = arith.fptosi %sub3A_1110 : vector<16xf32> to vector<16xi32>
    %add3A_1112 = arith.constant 368 : i32
    %add3A_1113 = arith.addi %mul3A_2, %add3A_1112 : i32
    %shift_right_arithmetic3A_1114 = arith.constant 7 : i32
    %shift_right_arithmetic3A_1115 = arith.shrsi %add3A_1113, %shift_right_arithmetic3A_1114 : i32
    %shift_left3A_1116 = arith.constant 10 : i32
    %shift_left3A_1117 = arith.shli %shift_right_arithmetic3A_1115, %shift_left3A_1116 : i32
    %add3A_1118 = arith.constant 368 : i32
    %add3A_1119 = arith.addi %mul3A_2, %add3A_1118 : i32
    %and3A_1120 = arith.constant 127 : i32
    %and3A_1121 = arith.andi %add3A_1119, %and3A_1120 : i32
    %add3A_1122 = arith.addi %shift_left3A_1117, %and3A_1121 : i32
    %shift_right_arithmetic3A_1123 = arith.constant 3 : i32
    %shift_right_arithmetic3A_1124 = vector.broadcast %shift_right_arithmetic3A_1123 : i32 to vector<16xi32>
    %shift_right_arithmetic3A_1125 = arith.shrsi %convert_element_type3A_1111, %shift_right_arithmetic3A_1124 : vector<16xi32>
    %shift_left3A_1126 = arith.constant 17 : i32
    %shift_left3A_1127 = vector.broadcast %shift_left3A_1126 : i32 to vector<16xi32>
    %shift_left3A_1128 = arith.shli %shift_right_arithmetic3A_1125, %shift_left3A_1127 : vector<16xi32>
    %and3A_1129 = arith.constant 7 : i32
    %and3A_1130 = vector.broadcast %and3A_1129 : i32 to vector<16xi32>
    %and3A_1131 = arith.andi %convert_element_type3A_1111, %and3A_1130 : vector<16xi32>
    %shift_left3A_1132 = arith.constant 7 : i32
    %shift_left3A_1133 = vector.broadcast %shift_left3A_1132 : i32 to vector<16xi32>
    %shift_left3A_1134 = arith.shli %and3A_1131, %shift_left3A_1133 : vector<16xi32>
    %or3A_1135 = arith.ori %shift_left3A_1128, %shift_left3A_1134 : vector<16xi32>
    %add3A_1136 = vector.broadcast %add3A_1122 : i32 to vector<16xi32>
    %add3A_1137 = arith.addi %iota3A, %add3A_1136 : vector<16xi32>
    %add3A_1138 = arith.addi %or3A_1135, %add3A_1137 : vector<16xi32>
    %dma_start3A_1139 = arith.constant 2 : i32
    %dma_start3A_1140 = arith.constant 0 : i32
    %dma_start3A_1141 = tpu.memref_slice %arg6[%dma_start3A_1139, %dma_start3A_1140] : memref<4x128xf32, #tpu.memory_space<vmem>> -> memref<1x128xf32, #tpu.memory_space<vmem>>
    %dma_start3A_1142 = tpu.memref_squeeze %dma_start3A_1141 : memref<1x128xf32, #tpu.memory_space<vmem>> -> memref<128xf32, #tpu.memory_space<vmem>>
    %dma_start3A_1143 = arith.constant 112 : i32
    %dma_start3A_1144 = tpu.memref_slice %dma_start3A_1142[%dma_start3A_1143] : memref<128xf32, #tpu.memory_space<vmem>> -> memref<16xf32, #tpu.memory_space<vmem>>
    %dma_start3A_1145 = arith.constant 0 : i32
    %dma_start3A_1146 = tpu.memref_slice %arg3[%dma_start3A_1145] : memref<16384000xf32, #tpu.memory_space<hbm>> -> memref<16384000xf32, #tpu.memory_space<hbm>>
    tpu.enqueue_indirect_dma source(%dma_start3A_1146 : memref<16384000xf32, #tpu.memory_space<hbm>>) target(%dma_start3A_1144 : memref<16xf32, #tpu.memory_space<vmem>>) offsets(%add3A_1138 : vector<16xi32>) semaphore(%arg9 : memref<!tpu.dma_semaphore, #tpu.memory_space<semaphore_mem>>)
    %get3A_1147 = arith.constant 384 : index
    %get3A_1148 = tpu.vector_load %arg5[%get3A_1147] {strides = array<i32>} : memref<512xf32, #tpu.memory_space<vmem>>, vector<16xf32>,
    %get3A_1149 = vector.shape_cast %get3A_1148 : vector<16xf32> to vector<16xf32>
    %mul3A_1150 = arith.constant 9.990000e+02 : f32
    %mul3A_1151 = vector.broadcast %mul3A_1150 : f32 to vector<16xf32>
    %mul3A_1152 = arith.mulf %get3A_1149, %mul3A_1151 : vector<16xf32>
    %add3A_1153 = arith.constant 0x4B000000 : f32
    %add3A_1154 = vector.broadcast %add3A_1153 : f32 to vector<16xf32>
    %add3A_1155 = arith.addf %mul3A_1152, %add3A_1154 : vector<16xf32>
    %sub3A_1156 = arith.constant 0x4B000000 : f32
    %sub3A_1157 = vector.broadcast %sub3A_1156 : f32 to vector<16xf32>
    %sub3A_1158 = arith.subf %add3A_1155, %sub3A_1157 : vector<16xf32>
    %convert_element_type3A_1159 = arith.fptosi %sub3A_1158 : vector<16xf32> to vector<16xi32>
    %add3A_1160 = arith.constant 384 : i32
    %add3A_1161 = arith.addi %mul3A_2, %add3A_1160 : i32
    %shift_right_arithmetic3A_1162 = arith.constant 7 : i32
    %shift_right_arithmetic3A_1163 = arith.shrsi %add3A_1161, %shift_right_arithmetic3A_1162 : i32
    %shift_left3A_1164 = arith.constant 10 : i32
    %shift_left3A_1165 = arith.shli %shift_right_arithmetic3A_1163, %shift_left3A_1164 : i32
    %add3A_1166 = arith.constant 384 : i32
    %add3A_1167 = arith.addi %mul3A_2, %add3A_1166 : i32
    %and3A_1168 = arith.constant 127 : i32
    %and3A_1169 = arith.andi %add3A_1167, %and3A_1168 : i32
    %add3A_1170 = arith.addi %shift_left3A_1165, %and3A_1169 : i32
    %shift_right_arithmetic3A_1171 = arith.constant 3 : i32
    %shift_right_arithmetic3A_1172 = vector.broadcast %shift_right_arithmetic3A_1171 : i32 to vector<16xi32>
    %shift_right_arithmetic3A_1173 = arith.shrsi %convert_element_type3A_1159, %shift_right_arithmetic3A_1172 : vector<16xi32>
    %shift_left3A_1174 = arith.constant 17 : i32
    %shift_left3A_1175 = vector.broadcast %shift_left3A_1174 : i32 to vector<16xi32>
    %shift_left3A_1176 = arith.shli %shift_right_arithmetic3A_1173, %shift_left3A_1175 : vector<16xi32>
    %and3A_1177 = arith.constant 7 : i32
    %and3A_1178 = vector.broadcast %and3A_1177 : i32 to vector<16xi32>
    %and3A_1179 = arith.andi %convert_element_type3A_1159, %and3A_1178 : vector<16xi32>
    %shift_left3A_1180 = arith.constant 7 : i32
    %shift_left3A_1181 = vector.broadcast %shift_left3A_1180 : i32 to vector<16xi32>
    %shift_left3A_1182 = arith.shli %and3A_1179, %shift_left3A_1181 : vector<16xi32>
    %or3A_1183 = arith.ori %shift_left3A_1176, %shift_left3A_1182 : vector<16xi32>
    %add3A_1184 = vector.broadcast %add3A_1170 : i32 to vector<16xi32>
    %add3A_1185 = arith.addi %iota3A, %add3A_1184 : vector<16xi32>
    %add3A_1186 = arith.addi %or3A_1183, %add3A_1185 : vector<16xi32>
    %dma_start3A_1187 = arith.constant 3 : i32
    %dma_start3A_1188 = arith.constant 0 : i32
    %dma_start3A_1189 = tpu.memref_slice %arg6[%dma_start3A_1187, %dma_start3A_1188] : memref<4x128xf32, #tpu.memory_space<vmem>> -> memref<1x128xf32, #tpu.memory_space<vmem>>
    %dma_start3A_1190 = tpu.memref_squeeze %dma_start3A_1189 : memref<1x128xf32, #tpu.memory_space<vmem>> -> memref<128xf32, #tpu.memory_space<vmem>>
    %dma_start3A_1191 = arith.constant 0 : i32
    %dma_start3A_1192 = tpu.memref_slice %dma_start3A_1190[%dma_start3A_1191] : memref<128xf32, #tpu.memory_space<vmem>> -> memref<16xf32, #tpu.memory_space<vmem>>
    %dma_start3A_1193 = arith.constant 0 : i32
    %dma_start3A_1194 = tpu.memref_slice %arg3[%dma_start3A_1193] : memref<16384000xf32, #tpu.memory_space<hbm>> -> memref<16384000xf32, #tpu.memory_space<hbm>>
    tpu.enqueue_indirect_dma source(%dma_start3A_1194 : memref<16384000xf32, #tpu.memory_space<hbm>>) target(%dma_start3A_1192 : memref<16xf32, #tpu.memory_space<vmem>>) offsets(%add3A_1186 : vector<16xi32>) semaphore(%arg10 : memref<!tpu.dma_semaphore, #tpu.memory_space<semaphore_mem>>)
    %get3A_1195 = arith.constant 400 : index
    %get3A_1196 = tpu.vector_load %arg5[%get3A_1195] {strides = array<i32>} : memref<512xf32, #tpu.memory_space<vmem>>, vector<16xf32>,
    %get3A_1197 = vector.shape_cast %get3A_1196 : vector<16xf32> to vector<16xf32>
    %mul3A_1198 = arith.constant 9.990000e+02 : f32
    %mul3A_1199 = vector.broadcast %mul3A_1198 : f32 to vector<16xf32>
    %mul3A_1200 = arith.mulf %get3A_1197, %mul3A_1199 : vector<16xf32>
    %add3A_1201 = arith.constant 0x4B000000 : f32
    %add3A_1202 = vector.broadcast %add3A_1201 : f32 to vector<16xf32>
    %add3A_1203 = arith.addf %mul3A_1200, %add3A_1202 : vector<16xf32>
    %sub3A_1204 = arith.constant 0x4B000000 : f32
    %sub3A_1205 = vector.broadcast %sub3A_1204 : f32 to vector<16xf32>
    %sub3A_1206 = arith.subf %add3A_1203, %sub3A_1205 : vector<16xf32>
    %convert_element_type3A_1207 = arith.fptosi %sub3A_1206 : vector<16xf32> to vector<16xi32>
    %add3A_1208 = arith.constant 400 : i32
    %add3A_1209 = arith.addi %mul3A_2, %add3A_1208 : i32
    %shift_right_arithmetic3A_1210 = arith.constant 7 : i32
    %shift_right_arithmetic3A_1211 = arith.shrsi %add3A_1209, %shift_right_arithmetic3A_1210 : i32
    %shift_left3A_1212 = arith.constant 10 : i32
    %shift_left3A_1213 = arith.shli %shift_right_arithmetic3A_1211, %shift_left3A_1212 : i32
    %add3A_1214 = arith.constant 400 : i32
    %add3A_1215 = arith.addi %mul3A_2, %add3A_1214 : i32
    %and3A_1216 = arith.constant 127 : i32
    %and3A_1217 = arith.andi %add3A_1215, %and3A_1216 : i32
    %add3A_1218 = arith.addi %shift_left3A_1213, %and3A_1217 : i32
    %shift_right_arithmetic3A_1219 = arith.constant 3 : i32
    %shift_right_arithmetic3A_1220 = vector.broadcast %shift_right_arithmetic3A_1219 : i32 to vector<16xi32>
    %shift_right_arithmetic3A_1221 = arith.shrsi %convert_element_type3A_1207, %shift_right_arithmetic3A_1220 : vector<16xi32>
    %shift_left3A_1222 = arith.constant 17 : i32
    %shift_left3A_1223 = vector.broadcast %shift_left3A_1222 : i32 to vector<16xi32>
    %shift_left3A_1224 = arith.shli %shift_right_arithmetic3A_1221, %shift_left3A_1223 : vector<16xi32>
    %and3A_1225 = arith.constant 7 : i32
    %and3A_1226 = vector.broadcast %and3A_1225 : i32 to vector<16xi32>
    %and3A_1227 = arith.andi %convert_element_type3A_1207, %and3A_1226 : vector<16xi32>
    %shift_left3A_1228 = arith.constant 7 : i32
    %shift_left3A_1229 = vector.broadcast %shift_left3A_1228 : i32 to vector<16xi32>
    %shift_left3A_1230 = arith.shli %and3A_1227, %shift_left3A_1229 : vector<16xi32>
    %or3A_1231 = arith.ori %shift_left3A_1224, %shift_left3A_1230 : vector<16xi32>
    %add3A_1232 = vector.broadcast %add3A_1218 : i32 to vector<16xi32>
    %add3A_1233 = arith.addi %iota3A, %add3A_1232 : vector<16xi32>
    %add3A_1234 = arith.addi %or3A_1231, %add3A_1233 : vector<16xi32>
    %dma_start3A_1235 = arith.constant 3 : i32
    %dma_start3A_1236 = arith.constant 0 : i32
    %dma_start3A_1237 = tpu.memref_slice %arg6[%dma_start3A_1235, %dma_start3A_1236] : memref<4x128xf32, #tpu.memory_space<vmem>> -> memref<1x128xf32, #tpu.memory_space<vmem>>
    %dma_start3A_1238 = tpu.memref_squeeze %dma_start3A_1237 : memref<1x128xf32, #tpu.memory_space<vmem>> -> memref<128xf32, #tpu.memory_space<vmem>>
    %dma_start3A_1239 = arith.constant 16 : i32
    %dma_start3A_1240 = tpu.memref_slice %dma_start3A_1238[%dma_start3A_1239] : memref<128xf32, #tpu.memory_space<vmem>> -> memref<16xf32, #tpu.memory_space<vmem>>
    %dma_start3A_1241 = arith.constant 0 : i32
    %dma_start3A_1242 = tpu.memref_slice %arg3[%dma_start3A_1241] : memref<16384000xf32, #tpu.memory_space<hbm>> -> memref<16384000xf32, #tpu.memory_space<hbm>>
    tpu.enqueue_indirect_dma source(%dma_start3A_1242 : memref<16384000xf32, #tpu.memory_space<hbm>>) target(%dma_start3A_1240 : memref<16xf32, #tpu.memory_space<vmem>>) offsets(%add3A_1234 : vector<16xi32>) semaphore(%arg10 : memref<!tpu.dma_semaphore, #tpu.memory_space<semaphore_mem>>)
    %get3A_1243 = arith.constant 416 : index
    %get3A_1244 = tpu.vector_load %arg5[%get3A_1243] {strides = array<i32>} : memref<512xf32, #tpu.memory_space<vmem>>, vector<16xf32>,
    %get3A_1245 = vector.shape_cast %get3A_1244 : vector<16xf32> to vector<16xf32>
    %mul3A_1246 = arith.constant 9.990000e+02 : f32
    %mul3A_1247 = vector.broadcast %mul3A_1246 : f32 to vector<16xf32>
    %mul3A_1248 = arith.mulf %get3A_1245, %mul3A_1247 : vector<16xf32>
    %add3A_1249 = arith.constant 0x4B000000 : f32
    %add3A_1250 = vector.broadcast %add3A_1249 : f32 to vector<16xf32>
    %add3A_1251 = arith.addf %mul3A_1248, %add3A_1250 : vector<16xf32>
    %sub3A_1252 = arith.constant 0x4B000000 : f32
    %sub3A_1253 = vector.broadcast %sub3A_1252 : f32 to vector<16xf32>
    %sub3A_1254 = arith.subf %add3A_1251, %sub3A_1253 : vector<16xf32>
    %convert_element_type3A_1255 = arith.fptosi %sub3A_1254 : vector<16xf32> to vector<16xi32>
    %add3A_1256 = arith.constant 416 : i32
    %add3A_1257 = arith.addi %mul3A_2, %add3A_1256 : i32
    %shift_right_arithmetic3A_1258 = arith.constant 7 : i32
    %shift_right_arithmetic3A_1259 = arith.shrsi %add3A_1257, %shift_right_arithmetic3A_1258 : i32
    %shift_left3A_1260 = arith.constant 10 : i32
    %shift_left3A_1261 = arith.shli %shift_right_arithmetic3A_1259, %shift_left3A_1260 : i32
    %add3A_1262 = arith.constant 416 : i32
    %add3A_1263 = arith.addi %mul3A_2, %add3A_1262 : i32
    %and3A_1264 = arith.constant 127 : i32
    %and3A_1265 = arith.andi %add3A_1263, %and3A_1264 : i32
    %add3A_1266 = arith.addi %shift_left3A_1261, %and3A_1265 : i32
    %shift_right_arithmetic3A_1267 = arith.constant 3 : i32
    %shift_right_arithmetic3A_1268 = vector.broadcast %shift_right_arithmetic3A_1267 : i32 to vector<16xi32>
    %shift_right_arithmetic3A_1269 = arith.shrsi %convert_element_type3A_1255, %shift_right_arithmetic3A_1268 : vector<16xi32>
    %shift_left3A_1270 = arith.constant 17 : i32
    %shift_left3A_1271 = vector.broadcast %shift_left3A_1270 : i32 to vector<16xi32>
    %shift_left3A_1272 = arith.shli %shift_right_arithmetic3A_1269, %shift_left3A_1271 : vector<16xi32>
    %and3A_1273 = arith.constant 7 : i32
    %and3A_1274 = vector.broadcast %and3A_1273 : i32 to vector<16xi32>
    %and3A_1275 = arith.andi %convert_element_type3A_1255, %and3A_1274 : vector<16xi32>
    %shift_left3A_1276 = arith.constant 7 : i32
    %shift_left3A_1277 = vector.broadcast %shift_left3A_1276 : i32 to vector<16xi32>
    %shift_left3A_1278 = arith.shli %and3A_1275, %shift_left3A_1277 : vector<16xi32>
    %or3A_1279 = arith.ori %shift_left3A_1272, %shift_left3A_1278 : vector<16xi32>
    %add3A_1280 = vector.broadcast %add3A_1266 : i32 to vector<16xi32>
    %add3A_1281 = arith.addi %iota3A, %add3A_1280 : vector<16xi32>
    %add3A_1282 = arith.addi %or3A_1279, %add3A_1281 : vector<16xi32>
    %dma_start3A_1283 = arith.constant 3 : i32
    %dma_start3A_1284 = arith.constant 0 : i32
    %dma_start3A_1285 = tpu.memref_slice %arg6[%dma_start3A_1283, %dma_start3A_1284] : memref<4x128xf32, #tpu.memory_space<vmem>> -> memref<1x128xf32, #tpu.memory_space<vmem>>
    %dma_start3A_1286 = tpu.memref_squeeze %dma_start3A_1285 : memref<1x128xf32, #tpu.memory_space<vmem>> -> memref<128xf32, #tpu.memory_space<vmem>>
    %dma_start3A_1287 = arith.constant 32 : i32
    %dma_start3A_1288 = tpu.memref_slice %dma_start3A_1286[%dma_start3A_1287] : memref<128xf32, #tpu.memory_space<vmem>> -> memref<16xf32, #tpu.memory_space<vmem>>
    %dma_start3A_1289 = arith.constant 0 : i32
    %dma_start3A_1290 = tpu.memref_slice %arg3[%dma_start3A_1289] : memref<16384000xf32, #tpu.memory_space<hbm>> -> memref<16384000xf32, #tpu.memory_space<hbm>>
    tpu.enqueue_indirect_dma source(%dma_start3A_1290 : memref<16384000xf32, #tpu.memory_space<hbm>>) target(%dma_start3A_1288 : memref<16xf32, #tpu.memory_space<vmem>>) offsets(%add3A_1282 : vector<16xi32>) semaphore(%arg10 : memref<!tpu.dma_semaphore, #tpu.memory_space<semaphore_mem>>)
    %get3A_1291 = arith.constant 432 : index
    %get3A_1292 = tpu.vector_load %arg5[%get3A_1291] {strides = array<i32>} : memref<512xf32, #tpu.memory_space<vmem>>, vector<16xf32>,
    %get3A_1293 = vector.shape_cast %get3A_1292 : vector<16xf32> to vector<16xf32>
    %mul3A_1294 = arith.constant 9.990000e+02 : f32
    %mul3A_1295 = vector.broadcast %mul3A_1294 : f32 to vector<16xf32>
    %mul3A_1296 = arith.mulf %get3A_1293, %mul3A_1295 : vector<16xf32>
    %add3A_1297 = arith.constant 0x4B000000 : f32
    %add3A_1298 = vector.broadcast %add3A_1297 : f32 to vector<16xf32>
    %add3A_1299 = arith.addf %mul3A_1296, %add3A_1298 : vector<16xf32>
    %sub3A_1300 = arith.constant 0x4B000000 : f32
    %sub3A_1301 = vector.broadcast %sub3A_1300 : f32 to vector<16xf32>
    %sub3A_1302 = arith.subf %add3A_1299, %sub3A_1301 : vector<16xf32>
    %convert_element_type3A_1303 = arith.fptosi %sub3A_1302 : vector<16xf32> to vector<16xi32>
    %add3A_1304 = arith.constant 432 : i32
    %add3A_1305 = arith.addi %mul3A_2, %add3A_1304 : i32
    %shift_right_arithmetic3A_1306 = arith.constant 7 : i32
    %shift_right_arithmetic3A_1307 = arith.shrsi %add3A_1305, %shift_right_arithmetic3A_1306 : i32
    %shift_left3A_1308 = arith.constant 10 : i32
    %shift_left3A_1309 = arith.shli %shift_right_arithmetic3A_1307, %shift_left3A_1308 : i32
    %add3A_1310 = arith.constant 432 : i32
    %add3A_1311 = arith.addi %mul3A_2, %add3A_1310 : i32
    %and3A_1312 = arith.constant 127 : i32
    %and3A_1313 = arith.andi %add3A_1311, %and3A_1312 : i32
    %add3A_1314 = arith.addi %shift_left3A_1309, %and3A_1313 : i32
    %shift_right_arithmetic3A_1315 = arith.constant 3 : i32
    %shift_right_arithmetic3A_1316 = vector.broadcast %shift_right_arithmetic3A_1315 : i32 to vector<16xi32>
    %shift_right_arithmetic3A_1317 = arith.shrsi %convert_element_type3A_1303, %shift_right_arithmetic3A_1316 : vector<16xi32>
    %shift_left3A_1318 = arith.constant 17 : i32
    %shift_left3A_1319 = vector.broadcast %shift_left3A_1318 : i32 to vector<16xi32>
    %shift_left3A_1320 = arith.shli %shift_right_arithmetic3A_1317, %shift_left3A_1319 : vector<16xi32>
    %and3A_1321 = arith.constant 7 : i32
    %and3A_1322 = vector.broadcast %and3A_1321 : i32 to vector<16xi32>
    %and3A_1323 = arith.andi %convert_element_type3A_1303, %and3A_1322 : vector<16xi32>
    %shift_left3A_1324 = arith.constant 7 : i32
    %shift_left3A_1325 = vector.broadcast %shift_left3A_1324 : i32 to vector<16xi32>
    %shift_left3A_1326 = arith.shli %and3A_1323, %shift_left3A_1325 : vector<16xi32>
    %or3A_1327 = arith.ori %shift_left3A_1320, %shift_left3A_1326 : vector<16xi32>
    %add3A_1328 = vector.broadcast %add3A_1314 : i32 to vector<16xi32>
    %add3A_1329 = arith.addi %iota3A, %add3A_1328 : vector<16xi32>
    %add3A_1330 = arith.addi %or3A_1327, %add3A_1329 : vector<16xi32>
    %dma_start3A_1331 = arith.constant 3 : i32
    %dma_start3A_1332 = arith.constant 0 : i32
    %dma_start3A_1333 = tpu.memref_slice %arg6[%dma_start3A_1331, %dma_start3A_1332] : memref<4x128xf32, #tpu.memory_space<vmem>> -> memref<1x128xf32, #tpu.memory_space<vmem>>
    %dma_start3A_1334 = tpu.memref_squeeze %dma_start3A_1333 : memref<1x128xf32, #tpu.memory_space<vmem>> -> memref<128xf32, #tpu.memory_space<vmem>>
    %dma_start3A_1335 = arith.constant 48 : i32
    %dma_start3A_1336 = tpu.memref_slice %dma_start3A_1334[%dma_start3A_1335] : memref<128xf32, #tpu.memory_space<vmem>> -> memref<16xf32, #tpu.memory_space<vmem>>
    %dma_start3A_1337 = arith.constant 0 : i32
    %dma_start3A_1338 = tpu.memref_slice %arg3[%dma_start3A_1337] : memref<16384000xf32, #tpu.memory_space<hbm>> -> memref<16384000xf32, #tpu.memory_space<hbm>>
    tpu.enqueue_indirect_dma source(%dma_start3A_1338 : memref<16384000xf32, #tpu.memory_space<hbm>>) target(%dma_start3A_1336 : memref<16xf32, #tpu.memory_space<vmem>>) offsets(%add3A_1330 : vector<16xi32>) semaphore(%arg10 : memref<!tpu.dma_semaphore, #tpu.memory_space<semaphore_mem>>)
    %get3A_1339 = arith.constant 448 : index
    %get3A_1340 = tpu.vector_load %arg5[%get3A_1339] {strides = array<i32>} : memref<512xf32, #tpu.memory_space<vmem>>, vector<16xf32>,
    %get3A_1341 = vector.shape_cast %get3A_1340 : vector<16xf32> to vector<16xf32>
    %mul3A_1342 = arith.constant 9.990000e+02 : f32
    %mul3A_1343 = vector.broadcast %mul3A_1342 : f32 to vector<16xf32>
    %mul3A_1344 = arith.mulf %get3A_1341, %mul3A_1343 : vector<16xf32>
    %add3A_1345 = arith.constant 0x4B000000 : f32
    %add3A_1346 = vector.broadcast %add3A_1345 : f32 to vector<16xf32>
    %add3A_1347 = arith.addf %mul3A_1344, %add3A_1346 : vector<16xf32>
    %sub3A_1348 = arith.constant 0x4B000000 : f32
    %sub3A_1349 = vector.broadcast %sub3A_1348 : f32 to vector<16xf32>
    %sub3A_1350 = arith.subf %add3A_1347, %sub3A_1349 : vector<16xf32>
    %convert_element_type3A_1351 = arith.fptosi %sub3A_1350 : vector<16xf32> to vector<16xi32>
    %add3A_1352 = arith.constant 448 : i32
    %add3A_1353 = arith.addi %mul3A_2, %add3A_1352 : i32
    %shift_right_arithmetic3A_1354 = arith.constant 7 : i32
    %shift_right_arithmetic3A_1355 = arith.shrsi %add3A_1353, %shift_right_arithmetic3A_1354 : i32
    %shift_left3A_1356 = arith.constant 10 : i32
    %shift_left3A_1357 = arith.shli %shift_right_arithmetic3A_1355, %shift_left3A_1356 : i32
    %add3A_1358 = arith.constant 448 : i32
    %add3A_1359 = arith.addi %mul3A_2, %add3A_1358 : i32
    %and3A_1360 = arith.constant 127 : i32
    %and3A_1361 = arith.andi %add3A_1359, %and3A_1360 : i32
    %add3A_1362 = arith.addi %shift_left3A_1357, %and3A_1361 : i32
    %shift_right_arithmetic3A_1363 = arith.constant 3 : i32
    %shift_right_arithmetic3A_1364 = vector.broadcast %shift_right_arithmetic3A_1363 : i32 to vector<16xi32>
    %shift_right_arithmetic3A_1365 = arith.shrsi %convert_element_type3A_1351, %shift_right_arithmetic3A_1364 : vector<16xi32>
    %shift_left3A_1366 = arith.constant 17 : i32
    %shift_left3A_1367 = vector.broadcast %shift_left3A_1366 : i32 to vector<16xi32>
    %shift_left3A_1368 = arith.shli %shift_right_arithmetic3A_1365, %shift_left3A_1367 : vector<16xi32>
    %and3A_1369 = arith.constant 7 : i32
    %and3A_1370 = vector.broadcast %and3A_1369 : i32 to vector<16xi32>
    %and3A_1371 = arith.andi %convert_element_type3A_1351, %and3A_1370 : vector<16xi32>
    %shift_left3A_1372 = arith.constant 7 : i32
    %shift_left3A_1373 = vector.broadcast %shift_left3A_1372 : i32 to vector<16xi32>
    %shift_left3A_1374 = arith.shli %and3A_1371, %shift_left3A_1373 : vector<16xi32>
    %or3A_1375 = arith.ori %shift_left3A_1368, %shift_left3A_1374 : vector<16xi32>
    %add3A_1376 = vector.broadcast %add3A_1362 : i32 to vector<16xi32>
    %add3A_1377 = arith.addi %iota3A, %add3A_1376 : vector<16xi32>
    %add3A_1378 = arith.addi %or3A_1375, %add3A_1377 : vector<16xi32>
    %dma_start3A_1379 = arith.constant 3 : i32
    %dma_start3A_1380 = arith.constant 0 : i32
    %dma_start3A_1381 = tpu.memref_slice %arg6[%dma_start3A_1379, %dma_start3A_1380] : memref<4x128xf32, #tpu.memory_space<vmem>> -> memref<1x128xf32, #tpu.memory_space<vmem>>
    %dma_start3A_1382 = tpu.memref_squeeze %dma_start3A_1381 : memref<1x128xf32, #tpu.memory_space<vmem>> -> memref<128xf32, #tpu.memory_space<vmem>>
    %dma_start3A_1383 = arith.constant 64 : i32
    %dma_start3A_1384 = tpu.memref_slice %dma_start3A_1382[%dma_start3A_1383] : memref<128xf32, #tpu.memory_space<vmem>> -> memref<16xf32, #tpu.memory_space<vmem>>
    %dma_start3A_1385 = arith.constant 0 : i32
    %dma_start3A_1386 = tpu.memref_slice %arg3[%dma_start3A_1385] : memref<16384000xf32, #tpu.memory_space<hbm>> -> memref<16384000xf32, #tpu.memory_space<hbm>>
    tpu.enqueue_indirect_dma source(%dma_start3A_1386 : memref<16384000xf32, #tpu.memory_space<hbm>>) target(%dma_start3A_1384 : memref<16xf32, #tpu.memory_space<vmem>>) offsets(%add3A_1378 : vector<16xi32>) semaphore(%arg10 : memref<!tpu.dma_semaphore, #tpu.memory_space<semaphore_mem>>)
    %get3A_1387 = arith.constant 464 : index
    %get3A_1388 = tpu.vector_load %arg5[%get3A_1387] {strides = array<i32>} : memref<512xf32, #tpu.memory_space<vmem>>, vector<16xf32>,
    %get3A_1389 = vector.shape_cast %get3A_1388 : vector<16xf32> to vector<16xf32>
    %mul3A_1390 = arith.constant 9.990000e+02 : f32
    %mul3A_1391 = vector.broadcast %mul3A_1390 : f32 to vector<16xf32>
    %mul3A_1392 = arith.mulf %get3A_1389, %mul3A_1391 : vector<16xf32>
    %add3A_1393 = arith.constant 0x4B000000 : f32
    %add3A_1394 = vector.broadcast %add3A_1393 : f32 to vector<16xf32>
    %add3A_1395 = arith.addf %mul3A_1392, %add3A_1394 : vector<16xf32>
    %sub3A_1396 = arith.constant 0x4B000000 : f32
    %sub3A_1397 = vector.broadcast %sub3A_1396 : f32 to vector<16xf32>
    %sub3A_1398 = arith.subf %add3A_1395, %sub3A_1397 : vector<16xf32>
    %convert_element_type3A_1399 = arith.fptosi %sub3A_1398 : vector<16xf32> to vector<16xi32>
    %add3A_1400 = arith.constant 464 : i32
    %add3A_1401 = arith.addi %mul3A_2, %add3A_1400 : i32
    %shift_right_arithmetic3A_1402 = arith.constant 7 : i32
    %shift_right_arithmetic3A_1403 = arith.shrsi %add3A_1401, %shift_right_arithmetic3A_1402 : i32
    %shift_left3A_1404 = arith.constant 10 : i32
    %shift_left3A_1405 = arith.shli %shift_right_arithmetic3A_1403, %shift_left3A_1404 : i32
    %add3A_1406 = arith.constant 464 : i32
    %add3A_1407 = arith.addi %mul3A_2, %add3A_1406 : i32
    %and3A_1408 = arith.constant 127 : i32
    %and3A_1409 = arith.andi %add3A_1407, %and3A_1408 : i32
    %add3A_1410 = arith.addi %shift_left3A_1405, %and3A_1409 : i32
    %shift_right_arithmetic3A_1411 = arith.constant 3 : i32
    %shift_right_arithmetic3A_1412 = vector.broadcast %shift_right_arithmetic3A_1411 : i32 to vector<16xi32>
    %shift_right_arithmetic3A_1413 = arith.shrsi %convert_element_type3A_1399, %shift_right_arithmetic3A_1412 : vector<16xi32>
    %shift_left3A_1414 = arith.constant 17 : i32
    %shift_left3A_1415 = vector.broadcast %shift_left3A_1414 : i32 to vector<16xi32>
    %shift_left3A_1416 = arith.shli %shift_right_arithmetic3A_1413, %shift_left3A_1415 : vector<16xi32>
    %and3A_1417 = arith.constant 7 : i32
    %and3A_1418 = vector.broadcast %and3A_1417 : i32 to vector<16xi32>
    %and3A_1419 = arith.andi %convert_element_type3A_1399, %and3A_1418 : vector<16xi32>
    %shift_left3A_1420 = arith.constant 7 : i32
    %shift_left3A_1421 = vector.broadcast %shift_left3A_1420 : i32 to vector<16xi32>
    %shift_left3A_1422 = arith.shli %and3A_1419, %shift_left3A_1421 : vector<16xi32>
    %or3A_1423 = arith.ori %shift_left3A_1416, %shift_left3A_1422 : vector<16xi32>
    %add3A_1424 = vector.broadcast %add3A_1410 : i32 to vector<16xi32>
    %add3A_1425 = arith.addi %iota3A, %add3A_1424 : vector<16xi32>
    %add3A_1426 = arith.addi %or3A_1423, %add3A_1425 : vector<16xi32>
    %dma_start3A_1427 = arith.constant 3 : i32
    %dma_start3A_1428 = arith.constant 0 : i32
    %dma_start3A_1429 = tpu.memref_slice %arg6[%dma_start3A_1427, %dma_start3A_1428] : memref<4x128xf32, #tpu.memory_space<vmem>> -> memref<1x128xf32, #tpu.memory_space<vmem>>
    %dma_start3A_1430 = tpu.memref_squeeze %dma_start3A_1429 : memref<1x128xf32, #tpu.memory_space<vmem>> -> memref<128xf32, #tpu.memory_space<vmem>>
    %dma_start3A_1431 = arith.constant 80 : i32
    %dma_start3A_1432 = tpu.memref_slice %dma_start3A_1430[%dma_start3A_1431] : memref<128xf32, #tpu.memory_space<vmem>> -> memref<16xf32, #tpu.memory_space<vmem>>
    %dma_start3A_1433 = arith.constant 0 : i32
    %dma_start3A_1434 = tpu.memref_slice %arg3[%dma_start3A_1433] : memref<16384000xf32, #tpu.memory_space<hbm>> -> memref<16384000xf32, #tpu.memory_space<hbm>>
    tpu.enqueue_indirect_dma source(%dma_start3A_1434 : memref<16384000xf32, #tpu.memory_space<hbm>>) target(%dma_start3A_1432 : memref<16xf32, #tpu.memory_space<vmem>>) offsets(%add3A_1426 : vector<16xi32>) semaphore(%arg10 : memref<!tpu.dma_semaphore, #tpu.memory_space<semaphore_mem>>)
    %get3A_1435 = arith.constant 480 : index
    %get3A_1436 = tpu.vector_load %arg5[%get3A_1435] {strides = array<i32>} : memref<512xf32, #tpu.memory_space<vmem>>, vector<16xf32>,
    %get3A_1437 = vector.shape_cast %get3A_1436 : vector<16xf32> to vector<16xf32>
    %mul3A_1438 = arith.constant 9.990000e+02 : f32
    %mul3A_1439 = vector.broadcast %mul3A_1438 : f32 to vector<16xf32>
    %mul3A_1440 = arith.mulf %get3A_1437, %mul3A_1439 : vector<16xf32>
    %add3A_1441 = arith.constant 0x4B000000 : f32
    %add3A_1442 = vector.broadcast %add3A_1441 : f32 to vector<16xf32>
    %add3A_1443 = arith.addf %mul3A_1440, %add3A_1442 : vector<16xf32>
    %sub3A_1444 = arith.constant 0x4B000000 : f32
    %sub3A_1445 = vector.broadcast %sub3A_1444 : f32 to vector<16xf32>
    %sub3A_1446 = arith.subf %add3A_1443, %sub3A_1445 : vector<16xf32>
    %convert_element_type3A_1447 = arith.fptosi %sub3A_1446 : vector<16xf32> to vector<16xi32>
    %add3A_1448 = arith.constant 480 : i32
    %add3A_1449 = arith.addi %mul3A_2, %add3A_1448 : i32
    %shift_right_arithmetic3A_1450 = arith.constant 7 : i32
    %shift_right_arithmetic3A_1451 = arith.shrsi %add3A_1449, %shift_right_arithmetic3A_1450 : i32
    %shift_left3A_1452 = arith.constant 10 : i32
    %shift_left3A_1453 = arith.shli %shift_right_arithmetic3A_1451, %shift_left3A_1452 : i32
    %add3A_1454 = arith.constant 480 : i32
    %add3A_1455 = arith.addi %mul3A_2, %add3A_1454 : i32
    %and3A_1456 = arith.constant 127 : i32
    %and3A_1457 = arith.andi %add3A_1455, %and3A_1456 : i32
    %add3A_1458 = arith.addi %shift_left3A_1453, %and3A_1457 : i32
    %shift_right_arithmetic3A_1459 = arith.constant 3 : i32
    %shift_right_arithmetic3A_1460 = vector.broadcast %shift_right_arithmetic3A_1459 : i32 to vector<16xi32>
    %shift_right_arithmetic3A_1461 = arith.shrsi %convert_element_type3A_1447, %shift_right_arithmetic3A_1460 : vector<16xi32>
    %shift_left3A_1462 = arith.constant 17 : i32
    %shift_left3A_1463 = vector.broadcast %shift_left3A_1462 : i32 to vector<16xi32>
    %shift_left3A_1464 = arith.shli %shift_right_arithmetic3A_1461, %shift_left3A_1463 : vector<16xi32>
    %and3A_1465 = arith.constant 7 : i32
    %and3A_1466 = vector.broadcast %and3A_1465 : i32 to vector<16xi32>
    %and3A_1467 = arith.andi %convert_element_type3A_1447, %and3A_1466 : vector<16xi32>
    %shift_left3A_1468 = arith.constant 7 : i32
    %shift_left3A_1469 = vector.broadcast %shift_left3A_1468 : i32 to vector<16xi32>
    %shift_left3A_1470 = arith.shli %and3A_1467, %shift_left3A_1469 : vector<16xi32>
    %or3A_1471 = arith.ori %shift_left3A_1464, %shift_left3A_1470 : vector<16xi32>
    %add3A_1472 = vector.broadcast %add3A_1458 : i32 to vector<16xi32>
    %add3A_1473 = arith.addi %iota3A, %add3A_1472 : vector<16xi32>
    %add3A_1474 = arith.addi %or3A_1471, %add3A_1473 : vector<16xi32>
    %dma_start3A_1475 = arith.constant 3 : i32
    %dma_start3A_1476 = arith.constant 0 : i32
    %dma_start3A_1477 = tpu.memref_slice %arg6[%dma_start3A_1475, %dma_start3A_1476] : memref<4x128xf32, #tpu.memory_space<vmem>> -> memref<1x128xf32, #tpu.memory_space<vmem>>
    %dma_start3A_1478 = tpu.memref_squeeze %dma_start3A_1477 : memref<1x128xf32, #tpu.memory_space<vmem>> -> memref<128xf32, #tpu.memory_space<vmem>>
    %dma_start3A_1479 = arith.constant 96 : i32
    %dma_start3A_1480 = tpu.memref_slice %dma_start3A_1478[%dma_start3A_1479] : memref<128xf32, #tpu.memory_space<vmem>> -> memref<16xf32, #tpu.memory_space<vmem>>
    %dma_start3A_1481 = arith.constant 0 : i32
    %dma_start3A_1482 = tpu.memref_slice %arg3[%dma_start3A_1481] : memref<16384000xf32, #tpu.memory_space<hbm>> -> memref<16384000xf32, #tpu.memory_space<hbm>>
    tpu.enqueue_indirect_dma source(%dma_start3A_1482 : memref<16384000xf32, #tpu.memory_space<hbm>>) target(%dma_start3A_1480 : memref<16xf32, #tpu.memory_space<vmem>>) offsets(%add3A_1474 : vector<16xi32>) semaphore(%arg10 : memref<!tpu.dma_semaphore, #tpu.memory_space<semaphore_mem>>)
    %get3A_1483 = arith.constant 496 : index
    %get3A_1484 = tpu.vector_load %arg5[%get3A_1483] {strides = array<i32>} : memref<512xf32, #tpu.memory_space<vmem>>, vector<16xf32>,
    %get3A_1485 = vector.shape_cast %get3A_1484 : vector<16xf32> to vector<16xf32>
    %mul3A_1486 = arith.constant 9.990000e+02 : f32
    %mul3A_1487 = vector.broadcast %mul3A_1486 : f32 to vector<16xf32>
    %mul3A_1488 = arith.mulf %get3A_1485, %mul3A_1487 : vector<16xf32>
    %add3A_1489 = arith.constant 0x4B000000 : f32
    %add3A_1490 = vector.broadcast %add3A_1489 : f32 to vector<16xf32>
    %add3A_1491 = arith.addf %mul3A_1488, %add3A_1490 : vector<16xf32>
    %sub3A_1492 = arith.constant 0x4B000000 : f32
    %sub3A_1493 = vector.broadcast %sub3A_1492 : f32 to vector<16xf32>
    %sub3A_1494 = arith.subf %add3A_1491, %sub3A_1493 : vector<16xf32>
    %convert_element_type3A_1495 = arith.fptosi %sub3A_1494 : vector<16xf32> to vector<16xi32>
    %add3A_1496 = arith.constant 496 : i32
    %add3A_1497 = arith.addi %mul3A_2, %add3A_1496 : i32
    %shift_right_arithmetic3A_1498 = arith.constant 7 : i32
    %shift_right_arithmetic3A_1499 = arith.shrsi %add3A_1497, %shift_right_arithmetic3A_1498 : i32
    %shift_left3A_1500 = arith.constant 10 : i32
    %shift_left3A_1501 = arith.shli %shift_right_arithmetic3A_1499, %shift_left3A_1500 : i32
    %add3A_1502 = arith.constant 496 : i32
    %add3A_1503 = arith.addi %mul3A_2, %add3A_1502 : i32
    %and3A_1504 = arith.constant 127 : i32
    %and3A_1505 = arith.andi %add3A_1503, %and3A_1504 : i32
    %add3A_1506 = arith.addi %shift_left3A_1501, %and3A_1505 : i32
    %shift_right_arithmetic3A_1507 = arith.constant 3 : i32
    %shift_right_arithmetic3A_1508 = vector.broadcast %shift_right_arithmetic3A_1507 : i32 to vector<16xi32>
    %shift_right_arithmetic3A_1509 = arith.shrsi %convert_element_type3A_1495, %shift_right_arithmetic3A_1508 : vector<16xi32>
    %shift_left3A_1510 = arith.constant 17 : i32
    %shift_left3A_1511 = vector.broadcast %shift_left3A_1510 : i32 to vector<16xi32>
    %shift_left3A_1512 = arith.shli %shift_right_arithmetic3A_1509, %shift_left3A_1511 : vector<16xi32>
    %and3A_1513 = arith.constant 7 : i32
    %and3A_1514 = vector.broadcast %and3A_1513 : i32 to vector<16xi32>
    %and3A_1515 = arith.andi %convert_element_type3A_1495, %and3A_1514 : vector<16xi32>
    %shift_left3A_1516 = arith.constant 7 : i32
    %shift_left3A_1517 = vector.broadcast %shift_left3A_1516 : i32 to vector<16xi32>
    %shift_left3A_1518 = arith.shli %and3A_1515, %shift_left3A_1517 : vector<16xi32>
    %or3A_1519 = arith.ori %shift_left3A_1512, %shift_left3A_1518 : vector<16xi32>
    %add3A_1520 = vector.broadcast %add3A_1506 : i32 to vector<16xi32>
    %add3A_1521 = arith.addi %iota3A, %add3A_1520 : vector<16xi32>
    %add3A_1522 = arith.addi %or3A_1519, %add3A_1521 : vector<16xi32>
    %dma_start3A_1523 = arith.constant 3 : i32
    %dma_start3A_1524 = arith.constant 0 : i32
    %dma_start3A_1525 = tpu.memref_slice %arg6[%dma_start3A_1523, %dma_start3A_1524] : memref<4x128xf32, #tpu.memory_space<vmem>> -> memref<1x128xf32, #tpu.memory_space<vmem>>
    %dma_start3A_1526 = tpu.memref_squeeze %dma_start3A_1525 : memref<1x128xf32, #tpu.memory_space<vmem>> -> memref<128xf32, #tpu.memory_space<vmem>>
    %dma_start3A_1527 = arith.constant 112 : i32
    %dma_start3A_1528 = tpu.memref_slice %dma_start3A_1526[%dma_start3A_1527] : memref<128xf32, #tpu.memory_space<vmem>> -> memref<16xf32, #tpu.memory_space<vmem>>
    %dma_start3A_1529 = arith.constant 0 : i32
    %dma_start3A_1530 = tpu.memref_slice %arg3[%dma_start3A_1529] : memref<16384000xf32, #tpu.memory_space<hbm>> -> memref<16384000xf32, #tpu.memory_space<hbm>>
    tpu.enqueue_indirect_dma source(%dma_start3A_1530 : memref<16384000xf32, #tpu.memory_space<hbm>>) target(%dma_start3A_1528 : memref<16xf32, #tpu.memory_space<vmem>>) offsets(%add3A_1522 : vector<16xi32>) semaphore(%arg10 : memref<!tpu.dma_semaphore, #tpu.memory_space<semaphore_mem>>)
    %dma_wait3A = arith.constant 0 : i32
    %dma_wait3A_1531 = arith.constant 0 : i32
    %dma_wait3A_1532 = tpu.memref_slice %arg6[%dma_wait3A, %dma_wait3A_1531] : memref<4x128xf32, #tpu.memory_space<vmem>> -> memref<1x128xf32, #tpu.memory_space<vmem>>
    %dma_wait3A_1533 = tpu.memref_squeeze %dma_wait3A_1532 : memref<1x128xf32, #tpu.memory_space<vmem>> -> memref<128xf32, #tpu.memory_space<vmem>>
    %dma_wait3A_1534 = arith.constant 0 : i32
    %dma_wait3A_1535 = tpu.memref_slice %dma_wait3A_1533[%dma_wait3A_1534] : memref<128xf32, #tpu.memory_space<vmem>> -> memref<16xf32, #tpu.memory_space<vmem>>
    %dma_wait3A_1536 = arith.constant 0 : i32
    %dma_wait3A_1537 = tpu.memref_slice %arg3[%dma_wait3A_1536] : memref<16384000xf32, #tpu.memory_space<hbm>> -> memref<16384000xf32, #tpu.memory_space<hbm>>
    tpu.wait_indirect_dma semaphore(%arg7 : memref<!tpu.dma_semaphore, #tpu.memory_space<semaphore_mem>>) src(%dma_wait3A_1537 : memref<16384000xf32, #tpu.memory_space<hbm>>) dst(%dma_wait3A_1535 : memref<16xf32, #tpu.memory_space<vmem>>)
    %dma_wait3A_1538 = arith.constant 0 : i32
    %dma_wait3A_1539 = arith.constant 0 : i32
    %dma_wait3A_1540 = tpu.memref_slice %arg6[%dma_wait3A_1538, %dma_wait3A_1539] : memref<4x128xf32, #tpu.memory_space<vmem>> -> memref<1x128xf32, #tpu.memory_space<vmem>>
    %dma_wait3A_1541 = tpu.memref_squeeze %dma_wait3A_1540 : memref<1x128xf32, #tpu.memory_space<vmem>> -> memref<128xf32, #tpu.memory_space<vmem>>
    %dma_wait3A_1542 = arith.constant 16 : i32
    %dma_wait3A_1543 = tpu.memref_slice %dma_wait3A_1541[%dma_wait3A_1542] : memref<128xf32, #tpu.memory_space<vmem>> -> memref<16xf32, #tpu.memory_space<vmem>>
    %dma_wait3A_1544 = arith.constant 0 : i32
    %dma_wait3A_1545 = tpu.memref_slice %arg3[%dma_wait3A_1544] : memref<16384000xf32, #tpu.memory_space<hbm>> -> memref<16384000xf32, #tpu.memory_space<hbm>>
    tpu.wait_indirect_dma semaphore(%arg7 : memref<!tpu.dma_semaphore, #tpu.memory_space<semaphore_mem>>) src(%dma_wait3A_1545 : memref<16384000xf32, #tpu.memory_space<hbm>>) dst(%dma_wait3A_1543 : memref<16xf32, #tpu.memory_space<vmem>>)
    %dma_wait3A_1546 = arith.constant 0 : i32
    %dma_wait3A_1547 = arith.constant 0 : i32
    %dma_wait3A_1548 = tpu.memref_slice %arg6[%dma_wait3A_1546, %dma_wait3A_1547] : memref<4x128xf32, #tpu.memory_space<vmem>> -> memref<1x128xf32, #tpu.memory_space<vmem>>
    %dma_wait3A_1549 = tpu.memref_squeeze %dma_wait3A_1548 : memref<1x128xf32, #tpu.memory_space<vmem>> -> memref<128xf32, #tpu.memory_space<vmem>>
    %dma_wait3A_1550 = arith.constant 32 : i32
    %dma_wait3A_1551 = tpu.memref_slice %dma_wait3A_1549[%dma_wait3A_1550] : memref<128xf32, #tpu.memory_space<vmem>> -> memref<16xf32, #tpu.memory_space<vmem>>
    %dma_wait3A_1552 = arith.constant 0 : i32
    %dma_wait3A_1553 = tpu.memref_slice %arg3[%dma_wait3A_1552] : memref<16384000xf32, #tpu.memory_space<hbm>> -> memref<16384000xf32, #tpu.memory_space<hbm>>
    tpu.wait_indirect_dma semaphore(%arg7 : memref<!tpu.dma_semaphore, #tpu.memory_space<semaphore_mem>>) src(%dma_wait3A_1553 : memref<16384000xf32, #tpu.memory_space<hbm>>) dst(%dma_wait3A_1551 : memref<16xf32, #tpu.memory_space<vmem>>)
    %dma_wait3A_1554 = arith.constant 0 : i32
    %dma_wait3A_1555 = arith.constant 0 : i32
    %dma_wait3A_1556 = tpu.memref_slice %arg6[%dma_wait3A_1554, %dma_wait3A_1555] : memref<4x128xf32, #tpu.memory_space<vmem>> -> memref<1x128xf32, #tpu.memory_space<vmem>>
    %dma_wait3A_1557 = tpu.memref_squeeze %dma_wait3A_1556 : memref<1x128xf32, #tpu.memory_space<vmem>> -> memref<128xf32, #tpu.memory_space<vmem>>
    %dma_wait3A_1558 = arith.constant 48 : i32
    %dma_wait3A_1559 = tpu.memref_slice %dma_wait3A_1557[%dma_wait3A_1558] : memref<128xf32, #tpu.memory_space<vmem>> -> memref<16xf32, #tpu.memory_space<vmem>>
    %dma_wait3A_1560 = arith.constant 0 : i32
    %dma_wait3A_1561 = tpu.memref_slice %arg3[%dma_wait3A_1560] : memref<16384000xf32, #tpu.memory_space<hbm>> -> memref<16384000xf32, #tpu.memory_space<hbm>>
    tpu.wait_indirect_dma semaphore(%arg7 : memref<!tpu.dma_semaphore, #tpu.memory_space<semaphore_mem>>) src(%dma_wait3A_1561 : memref<16384000xf32, #tpu.memory_space<hbm>>) dst(%dma_wait3A_1559 : memref<16xf32, #tpu.memory_space<vmem>>)
    %dma_wait3A_1562 = arith.constant 0 : i32
    %dma_wait3A_1563 = arith.constant 0 : i32
    %dma_wait3A_1564 = tpu.memref_slice %arg6[%dma_wait3A_1562, %dma_wait3A_1563] : memref<4x128xf32, #tpu.memory_space<vmem>> -> memref<1x128xf32, #tpu.memory_space<vmem>>
    %dma_wait3A_1565 = tpu.memref_squeeze %dma_wait3A_1564 : memref<1x128xf32, #tpu.memory_space<vmem>> -> memref<128xf32, #tpu.memory_space<vmem>>
    %dma_wait3A_1566 = arith.constant 64 : i32
    %dma_wait3A_1567 = tpu.memref_slice %dma_wait3A_1565[%dma_wait3A_1566] : memref<128xf32, #tpu.memory_space<vmem>> -> memref<16xf32, #tpu.memory_space<vmem>>
    %dma_wait3A_1568 = arith.constant 0 : i32
    %dma_wait3A_1569 = tpu.memref_slice %arg3[%dma_wait3A_1568] : memref<16384000xf32, #tpu.memory_space<hbm>> -> memref<16384000xf32, #tpu.memory_space<hbm>>
    tpu.wait_indirect_dma semaphore(%arg7 : memref<!tpu.dma_semaphore, #tpu.memory_space<semaphore_mem>>) src(%dma_wait3A_1569 : memref<16384000xf32, #tpu.memory_space<hbm>>) dst(%dma_wait3A_1567 : memref<16xf32, #tpu.memory_space<vmem>>)
    %dma_wait3A_1570 = arith.constant 0 : i32
    %dma_wait3A_1571 = arith.constant 0 : i32
    %dma_wait3A_1572 = tpu.memref_slice %arg6[%dma_wait3A_1570, %dma_wait3A_1571] : memref<4x128xf32, #tpu.memory_space<vmem>> -> memref<1x128xf32, #tpu.memory_space<vmem>>
    %dma_wait3A_1573 = tpu.memref_squeeze %dma_wait3A_1572 : memref<1x128xf32, #tpu.memory_space<vmem>> -> memref<128xf32, #tpu.memory_space<vmem>>
    %dma_wait3A_1574 = arith.constant 80 : i32
    %dma_wait3A_1575 = tpu.memref_slice %dma_wait3A_1573[%dma_wait3A_1574] : memref<128xf32, #tpu.memory_space<vmem>> -> memref<16xf32, #tpu.memory_space<vmem>>
    %dma_wait3A_1576 = arith.constant 0 : i32
    %dma_wait3A_1577 = tpu.memref_slice %arg3[%dma_wait3A_1576] : memref<16384000xf32, #tpu.memory_space<hbm>> -> memref<16384000xf32, #tpu.memory_space<hbm>>
    tpu.wait_indirect_dma semaphore(%arg7 : memref<!tpu.dma_semaphore, #tpu.memory_space<semaphore_mem>>) src(%dma_wait3A_1577 : memref<16384000xf32, #tpu.memory_space<hbm>>) dst(%dma_wait3A_1575 : memref<16xf32, #tpu.memory_space<vmem>>)
    %dma_wait3A_1578 = arith.constant 0 : i32
    %dma_wait3A_1579 = arith.constant 0 : i32
    %dma_wait3A_1580 = tpu.memref_slice %arg6[%dma_wait3A_1578, %dma_wait3A_1579] : memref<4x128xf32, #tpu.memory_space<vmem>> -> memref<1x128xf32, #tpu.memory_space<vmem>>
    %dma_wait3A_1581 = tpu.memref_squeeze %dma_wait3A_1580 : memref<1x128xf32, #tpu.memory_space<vmem>> -> memref<128xf32, #tpu.memory_space<vmem>>
    %dma_wait3A_1582 = arith.constant 96 : i32
    %dma_wait3A_1583 = tpu.memref_slice %dma_wait3A_1581[%dma_wait3A_1582] : memref<128xf32, #tpu.memory_space<vmem>> -> memref<16xf32, #tpu.memory_space<vmem>>
    %dma_wait3A_1584 = arith.constant 0 : i32
    %dma_wait3A_1585 = tpu.memref_slice %arg3[%dma_wait3A_1584] : memref<16384000xf32, #tpu.memory_space<hbm>> -> memref<16384000xf32, #tpu.memory_space<hbm>>
    tpu.wait_indirect_dma semaphore(%arg7 : memref<!tpu.dma_semaphore, #tpu.memory_space<semaphore_mem>>) src(%dma_wait3A_1585 : memref<16384000xf32, #tpu.memory_space<hbm>>) dst(%dma_wait3A_1583 : memref<16xf32, #tpu.memory_space<vmem>>)
    %dma_wait3A_1586 = arith.constant 0 : i32
    %dma_wait3A_1587 = arith.constant 0 : i32
    %dma_wait3A_1588 = tpu.memref_slice %arg6[%dma_wait3A_1586, %dma_wait3A_1587] : memref<4x128xf32, #tpu.memory_space<vmem>> -> memref<1x128xf32, #tpu.memory_space<vmem>>
    %dma_wait3A_1589 = tpu.memref_squeeze %dma_wait3A_1588 : memref<1x128xf32, #tpu.memory_space<vmem>> -> memref<128xf32, #tpu.memory_space<vmem>>
    %dma_wait3A_1590 = arith.constant 112 : i32
    %dma_wait3A_1591 = tpu.memref_slice %dma_wait3A_1589[%dma_wait3A_1590] : memref<128xf32, #tpu.memory_space<vmem>> -> memref<16xf32, #tpu.memory_space<vmem>>
    %dma_wait3A_1592 = arith.constant 0 : i32
    %dma_wait3A_1593 = tpu.memref_slice %arg3[%dma_wait3A_1592] : memref<16384000xf32, #tpu.memory_space<hbm>> -> memref<16384000xf32, #tpu.memory_space<hbm>>
    tpu.wait_indirect_dma semaphore(%arg7 : memref<!tpu.dma_semaphore, #tpu.memory_space<semaphore_mem>>) src(%dma_wait3A_1593 : memref<16384000xf32, #tpu.memory_space<hbm>>) dst(%dma_wait3A_1591 : memref<16xf32, #tpu.memory_space<vmem>>)
    %dma_start3A_1594 = arith.constant 0 : i32
    %dma_start3A_1595 = arith.constant 0 : i32
    %dma_start3A_1596 = arith.constant 0 : i32
    %dma_start3A_1597 = tpu.memref_slice %arg6[%dma_start3A_1594, %dma_start3A_1596] : memref<4x128xf32, #tpu.memory_space<vmem>> -> memref<1x128xf32, #tpu.memory_space<vmem>>
    %dma_start3A_1598 = tpu.memref_squeeze %dma_start3A_1597 : memref<1x128xf32, #tpu.memory_space<vmem>> -> memref<128xf32, #tpu.memory_space<vmem>>
    %dma_start3A_1599 = arith.constant 0 : i32
    %dma_start3A_1600 = arith.constant 0 : i32
    %dma_start3A_1601 = tpu.memref_slice %arg4[%add3A, %dma_start3A_1599, %dma_start3A_1600] : memref<32x4x128xf32, #tpu.memory_space<hbm>> -> memref<1x4x128xf32, #tpu.memory_space<hbm>>
    %dma_start3A_1602 = tpu.memref_squeeze %dma_start3A_1601 : memref<1x4x128xf32, #tpu.memory_space<hbm>> -> memref<4x128xf32, #tpu.memory_space<hbm>>
    %dma_start3A_1603 = arith.constant 0 : i32
    %dma_start3A_1604 = tpu.memref_slice %dma_start3A_1602[%dma_start3A_1595, %dma_start3A_1603] : memref<4x128xf32, #tpu.memory_space<hbm>> -> memref<1x128xf32, #tpu.memory_space<hbm>>
    %dma_start3A_1605 = tpu.memref_squeeze %dma_start3A_1604 : memref<1x128xf32, #tpu.memory_space<hbm>> -> memref<128xf32, #tpu.memory_space<hbm>>
    %dma_start3A_1606 = arith.constant 0 : i32
    %dma_start3A_1607 = arith.constant 0 : i32
    %dma_start3A_1608 = tpu.memref_slice %arg4[%add3A, %dma_start3A_1606, %dma_start3A_1607] : memref<32x4x128xf32, #tpu.memory_space<hbm>> -> memref<1x4x128xf32, #tpu.memory_space<hbm>>
    %dma_start3A_1609 = tpu.memref_squeeze %dma_start3A_1608 : memref<1x4x128xf32, #tpu.memory_space<hbm>> -> memref<4x128xf32, #tpu.memory_space<hbm>>
    %dma_start3A_1610 = arith.constant 0 : i32
    %dma_start3A_1611 = tpu.memref_slice %dma_start3A_1609[%dma_start3A_1595, %dma_start3A_1610] : memref<4x128xf32, #tpu.memory_space<hbm>> -> memref<1x128xf32, #tpu.memory_space<hbm>>
    %dma_start3A_1612 = tpu.memref_squeeze %dma_start3A_1611 : memref<1x128xf32, #tpu.memory_space<hbm>> -> memref<128xf32, #tpu.memory_space<hbm>>
    %dma_start3A_1613 = arith.constant 0 : i32
    %dma_start3A_1614 = tpu.memref_slice %arg6[%dma_start3A_1594, %dma_start3A_1613] : memref<4x128xf32, #tpu.memory_space<vmem>> -> memref<1x128xf32, #tpu.memory_space<vmem>>
    %dma_start3A_1615 = tpu.memref_squeeze %dma_start3A_1614 : memref<1x128xf32, #tpu.memory_space<vmem>> -> memref<128xf32, #tpu.memory_space<vmem>>
    tpu.enqueue_dma source(%dma_start3A_1615 : memref<128xf32, #tpu.memory_space<vmem>>) target(%dma_start3A_1612 : memref<128xf32, #tpu.memory_space<hbm>>) target_semaphore(%arg11 : memref<!tpu.dma_semaphore, #tpu.memory_space<semaphore_mem>>)
    %dma_wait3A_1616 = arith.constant 1 : i32
    %dma_wait3A_1617 = arith.constant 0 : i32
    %dma_wait3A_1618 = tpu.memref_slice %arg6[%dma_wait3A_1616, %dma_wait3A_1617] : memref<4x128xf32, #tpu.memory_space<vmem>> -> memref<1x128xf32, #tpu.memory_space<vmem>>
    %dma_wait3A_1619 = tpu.memref_squeeze %dma_wait3A_1618 : memref<1x128xf32, #tpu.memory_space<vmem>> -> memref<128xf32, #tpu.memory_space<vmem>>
    %dma_wait3A_1620 = arith.constant 0 : i32
    %dma_wait3A_1621 = tpu.memref_slice %dma_wait3A_1619[%dma_wait3A_1620] : memref<128xf32, #tpu.memory_space<vmem>> -> memref<16xf32, #tpu.memory_space<vmem>>
    %dma_wait3A_1622 = arith.constant 0 : i32
    %dma_wait3A_1623 = tpu.memref_slice %arg3[%dma_wait3A_1622] : memref<16384000xf32, #tpu.memory_space<hbm>> -> memref<16384000xf32, #tpu.memory_space<hbm>>
    tpu.wait_indirect_dma semaphore(%arg8 : memref<!tpu.dma_semaphore, #tpu.memory_space<semaphore_mem>>) src(%dma_wait3A_1623 : memref<16384000xf32, #tpu.memory_space<hbm>>) dst(%dma_wait3A_1621 : memref<16xf32, #tpu.memory_space<vmem>>)
    %dma_wait3A_1624 = arith.constant 1 : i32
    %dma_wait3A_1625 = arith.constant 0 : i32
    %dma_wait3A_1626 = tpu.memref_slice %arg6[%dma_wait3A_1624, %dma_wait3A_1625] : memref<4x128xf32, #tpu.memory_space<vmem>> -> memref<1x128xf32, #tpu.memory_space<vmem>>
    %dma_wait3A_1627 = tpu.memref_squeeze %dma_wait3A_1626 : memref<1x128xf32, #tpu.memory_space<vmem>> -> memref<128xf32, #tpu.memory_space<vmem>>
    %dma_wait3A_1628 = arith.constant 16 : i32
    %dma_wait3A_1629 = tpu.memref_slice %dma_wait3A_1627[%dma_wait3A_1628] : memref<128xf32, #tpu.memory_space<vmem>> -> memref<16xf32, #tpu.memory_space<vmem>>
    %dma_wait3A_1630 = arith.constant 0 : i32
    %dma_wait3A_1631 = tpu.memref_slice %arg3[%dma_wait3A_1630] : memref<16384000xf32, #tpu.memory_space<hbm>> -> memref<16384000xf32, #tpu.memory_space<hbm>>
    tpu.wait_indirect_dma semaphore(%arg8 : memref<!tpu.dma_semaphore, #tpu.memory_space<semaphore_mem>>) src(%dma_wait3A_1631 : memref<16384000xf32, #tpu.memory_space<hbm>>) dst(%dma_wait3A_1629 : memref<16xf32, #tpu.memory_space<vmem>>)
    %dma_wait3A_1632 = arith.constant 1 : i32
    %dma_wait3A_1633 = arith.constant 0 : i32
    %dma_wait3A_1634 = tpu.memref_slice %arg6[%dma_wait3A_1632, %dma_wait3A_1633] : memref<4x128xf32, #tpu.memory_space<vmem>> -> memref<1x128xf32, #tpu.memory_space<vmem>>
    %dma_wait3A_1635 = tpu.memref_squeeze %dma_wait3A_1634 : memref<1x128xf32, #tpu.memory_space<vmem>> -> memref<128xf32, #tpu.memory_space<vmem>>
    %dma_wait3A_1636 = arith.constant 32 : i32
    %dma_wait3A_1637 = tpu.memref_slice %dma_wait3A_1635[%dma_wait3A_1636] : memref<128xf32, #tpu.memory_space<vmem>> -> memref<16xf32, #tpu.memory_space<vmem>>
    %dma_wait3A_1638 = arith.constant 0 : i32
    %dma_wait3A_1639 = tpu.memref_slice %arg3[%dma_wait3A_1638] : memref<16384000xf32, #tpu.memory_space<hbm>> -> memref<16384000xf32, #tpu.memory_space<hbm>>
    tpu.wait_indirect_dma semaphore(%arg8 : memref<!tpu.dma_semaphore, #tpu.memory_space<semaphore_mem>>) src(%dma_wait3A_1639 : memref<16384000xf32, #tpu.memory_space<hbm>>) dst(%dma_wait3A_1637 : memref<16xf32, #tpu.memory_space<vmem>>)
    %dma_wait3A_1640 = arith.constant 1 : i32
    %dma_wait3A_1641 = arith.constant 0 : i32
    %dma_wait3A_1642 = tpu.memref_slice %arg6[%dma_wait3A_1640, %dma_wait3A_1641] : memref<4x128xf32, #tpu.memory_space<vmem>> -> memref<1x128xf32, #tpu.memory_space<vmem>>
    %dma_wait3A_1643 = tpu.memref_squeeze %dma_wait3A_1642 : memref<1x128xf32, #tpu.memory_space<vmem>> -> memref<128xf32, #tpu.memory_space<vmem>>
    %dma_wait3A_1644 = arith.constant 48 : i32
    %dma_wait3A_1645 = tpu.memref_slice %dma_wait3A_1643[%dma_wait3A_1644] : memref<128xf32, #tpu.memory_space<vmem>> -> memref<16xf32, #tpu.memory_space<vmem>>
    %dma_wait3A_1646 = arith.constant 0 : i32
    %dma_wait3A_1647 = tpu.memref_slice %arg3[%dma_wait3A_1646] : memref<16384000xf32, #tpu.memory_space<hbm>> -> memref<16384000xf32, #tpu.memory_space<hbm>>
    tpu.wait_indirect_dma semaphore(%arg8 : memref<!tpu.dma_semaphore, #tpu.memory_space<semaphore_mem>>) src(%dma_wait3A_1647 : memref<16384000xf32, #tpu.memory_space<hbm>>) dst(%dma_wait3A_1645 : memref<16xf32, #tpu.memory_space<vmem>>)
    %dma_wait3A_1648 = arith.constant 1 : i32
    %dma_wait3A_1649 = arith.constant 0 : i32
    %dma_wait3A_1650 = tpu.memref_slice %arg6[%dma_wait3A_1648, %dma_wait3A_1649] : memref<4x128xf32, #tpu.memory_space<vmem>> -> memref<1x128xf32, #tpu.memory_space<vmem>>
    %dma_wait3A_1651 = tpu.memref_squeeze %dma_wait3A_1650 : memref<1x128xf32, #tpu.memory_space<vmem>> -> memref<128xf32, #tpu.memory_space<vmem>>
    %dma_wait3A_1652 = arith.constant 64 : i32
    %dma_wait3A_1653 = tpu.memref_slice %dma_wait3A_1651[%dma_wait3A_1652] : memref<128xf32, #tpu.memory_space<vmem>> -> memref<16xf32, #tpu.memory_space<vmem>>
    %dma_wait3A_1654 = arith.constant 0 : i32
    %dma_wait3A_1655 = tpu.memref_slice %arg3[%dma_wait3A_1654] : memref<16384000xf32, #tpu.memory_space<hbm>> -> memref<16384000xf32, #tpu.memory_space<hbm>>
    tpu.wait_indirect_dma semaphore(%arg8 : memref<!tpu.dma_semaphore, #tpu.memory_space<semaphore_mem>>) src(%dma_wait3A_1655 : memref<16384000xf32, #tpu.memory_space<hbm>>) dst(%dma_wait3A_1653 : memref<16xf32, #tpu.memory_space<vmem>>)
    %dma_wait3A_1656 = arith.constant 1 : i32
    %dma_wait3A_1657 = arith.constant 0 : i32
    %dma_wait3A_1658 = tpu.memref_slice %arg6[%dma_wait3A_1656, %dma_wait3A_1657] : memref<4x128xf32, #tpu.memory_space<vmem>> -> memref<1x128xf32, #tpu.memory_space<vmem>>
    %dma_wait3A_1659 = tpu.memref_squeeze %dma_wait3A_1658 : memref<1x128xf32, #tpu.memory_space<vmem>> -> memref<128xf32, #tpu.memory_space<vmem>>
    %dma_wait3A_1660 = arith.constant 80 : i32
    %dma_wait3A_1661 = tpu.memref_slice %dma_wait3A_1659[%dma_wait3A_1660] : memref<128xf32, #tpu.memory_space<vmem>> -> memref<16xf32, #tpu.memory_space<vmem>>
    %dma_wait3A_1662 = arith.constant 0 : i32
    %dma_wait3A_1663 = tpu.memref_slice %arg3[%dma_wait3A_1662] : memref<16384000xf32, #tpu.memory_space<hbm>> -> memref<16384000xf32, #tpu.memory_space<hbm>>
    tpu.wait_indirect_dma semaphore(%arg8 : memref<!tpu.dma_semaphore, #tpu.memory_space<semaphore_mem>>) src(%dma_wait3A_1663 : memref<16384000xf32, #tpu.memory_space<hbm>>) dst(%dma_wait3A_1661 : memref<16xf32, #tpu.memory_space<vmem>>)
    %dma_wait3A_1664 = arith.constant 1 : i32
    %dma_wait3A_1665 = arith.constant 0 : i32
    %dma_wait3A_1666 = tpu.memref_slice %arg6[%dma_wait3A_1664, %dma_wait3A_1665] : memref<4x128xf32, #tpu.memory_space<vmem>> -> memref<1x128xf32, #tpu.memory_space<vmem>>
    %dma_wait3A_1667 = tpu.memref_squeeze %dma_wait3A_1666 : memref<1x128xf32, #tpu.memory_space<vmem>> -> memref<128xf32, #tpu.memory_space<vmem>>
    %dma_wait3A_1668 = arith.constant 96 : i32
    %dma_wait3A_1669 = tpu.memref_slice %dma_wait3A_1667[%dma_wait3A_1668] : memref<128xf32, #tpu.memory_space<vmem>> -> memref<16xf32, #tpu.memory_space<vmem>>
    %dma_wait3A_1670 = arith.constant 0 : i32
    %dma_wait3A_1671 = tpu.memref_slice %arg3[%dma_wait3A_1670] : memref<16384000xf32, #tpu.memory_space<hbm>> -> memref<16384000xf32, #tpu.memory_space<hbm>>
    tpu.wait_indirect_dma semaphore(%arg8 : memref<!tpu.dma_semaphore, #tpu.memory_space<semaphore_mem>>) src(%dma_wait3A_1671 : memref<16384000xf32, #tpu.memory_space<hbm>>) dst(%dma_wait3A_1669 : memref<16xf32, #tpu.memory_space<vmem>>)
    %dma_wait3A_1672 = arith.constant 1 : i32
    %dma_wait3A_1673 = arith.constant 0 : i32
    %dma_wait3A_1674 = tpu.memref_slice %arg6[%dma_wait3A_1672, %dma_wait3A_1673] : memref<4x128xf32, #tpu.memory_space<vmem>> -> memref<1x128xf32, #tpu.memory_space<vmem>>
    %dma_wait3A_1675 = tpu.memref_squeeze %dma_wait3A_1674 : memref<1x128xf32, #tpu.memory_space<vmem>> -> memref<128xf32, #tpu.memory_space<vmem>>
    %dma_wait3A_1676 = arith.constant 112 : i32
    %dma_wait3A_1677 = tpu.memref_slice %dma_wait3A_1675[%dma_wait3A_1676] : memref<128xf32, #tpu.memory_space<vmem>> -> memref<16xf32, #tpu.memory_space<vmem>>
    %dma_wait3A_1678 = arith.constant 0 : i32
    %dma_wait3A_1679 = tpu.memref_slice %arg3[%dma_wait3A_1678] : memref<16384000xf32, #tpu.memory_space<hbm>> -> memref<16384000xf32, #tpu.memory_space<hbm>>
    tpu.wait_indirect_dma semaphore(%arg8 : memref<!tpu.dma_semaphore, #tpu.memory_space<semaphore_mem>>) src(%dma_wait3A_1679 : memref<16384000xf32, #tpu.memory_space<hbm>>) dst(%dma_wait3A_1677 : memref<16xf32, #tpu.memory_space<vmem>>)
    %dma_start3A_1680 = arith.constant 1 : i32
    %dma_start3A_1681 = arith.constant 1 : i32
    %dma_start3A_1682 = arith.constant 0 : i32
    %dma_start3A_1683 = tpu.memref_slice %arg6[%dma_start3A_1680, %dma_start3A_1682] : memref<4x128xf32, #tpu.memory_space<vmem>> -> memref<1x128xf32, #tpu.memory_space<vmem>>
    %dma_start3A_1684 = tpu.memref_squeeze %dma_start3A_1683 : memref<1x128xf32, #tpu.memory_space<vmem>> -> memref<128xf32, #tpu.memory_space<vmem>>
    %dma_start3A_1685 = arith.constant 0 : i32
    %dma_start3A_1686 = arith.constant 0 : i32
    %dma_start3A_1687 = tpu.memref_slice %arg4[%add3A, %dma_start3A_1685, %dma_start3A_1686] : memref<32x4x128xf32, #tpu.memory_space<hbm>> -> memref<1x4x128xf32, #tpu.memory_space<hbm>>
    %dma_start3A_1688 = tpu.memref_squeeze %dma_start3A_1687 : memref<1x4x128xf32, #tpu.memory_space<hbm>> -> memref<4x128xf32, #tpu.memory_space<hbm>>
    %dma_start3A_1689 = arith.constant 0 : i32
    %dma_start3A_1690 = tpu.memref_slice %dma_start3A_1688[%dma_start3A_1681, %dma_start3A_1689] : memref<4x128xf32, #tpu.memory_space<hbm>> -> memref<1x128xf32, #tpu.memory_space<hbm>>
    %dma_start3A_1691 = tpu.memref_squeeze %dma_start3A_1690 : memref<1x128xf32, #tpu.memory_space<hbm>> -> memref<128xf32, #tpu.memory_space<hbm>>
    %dma_start3A_1692 = arith.constant 0 : i32
    %dma_start3A_1693 = arith.constant 0 : i32
    %dma_start3A_1694 = tpu.memref_slice %arg4[%add3A, %dma_start3A_1692, %dma_start3A_1693] : memref<32x4x128xf32, #tpu.memory_space<hbm>> -> memref<1x4x128xf32, #tpu.memory_space<hbm>>
    %dma_start3A_1695 = tpu.memref_squeeze %dma_start3A_1694 : memref<1x4x128xf32, #tpu.memory_space<hbm>> -> memref<4x128xf32, #tpu.memory_space<hbm>>
    %dma_start3A_1696 = arith.constant 0 : i32
    %dma_start3A_1697 = tpu.memref_slice %dma_start3A_1695[%dma_start3A_1681, %dma_start3A_1696] : memref<4x128xf32, #tpu.memory_space<hbm>> -> memref<1x128xf32, #tpu.memory_space<hbm>>
    %dma_start3A_1698 = tpu.memref_squeeze %dma_start3A_1697 : memref<1x128xf32, #tpu.memory_space<hbm>> -> memref<128xf32, #tpu.memory_space<hbm>>
    %dma_start3A_1699 = arith.constant 0 : i32
    %dma_start3A_1700 = tpu.memref_slice %arg6[%dma_start3A_1680, %dma_start3A_1699] : memref<4x128xf32, #tpu.memory_space<vmem>> -> memref<1x128xf32, #tpu.memory_space<vmem>>
    %dma_start3A_1701 = tpu.memref_squeeze %dma_start3A_1700 : memref<1x128xf32, #tpu.memory_space<vmem>> -> memref<128xf32, #tpu.memory_space<vmem>>
    tpu.enqueue_dma source(%dma_start3A_1701 : memref<128xf32, #tpu.memory_space<vmem>>) target(%dma_start3A_1698 : memref<128xf32, #tpu.memory_space<hbm>>) target_semaphore(%arg11 : memref<!tpu.dma_semaphore, #tpu.memory_space<semaphore_mem>>)
    %dma_wait3A_1702 = arith.constant 2 : i32
    %dma_wait3A_1703 = arith.constant 0 : i32
    %dma_wait3A_1704 = tpu.memref_slice %arg6[%dma_wait3A_1702, %dma_wait3A_1703] : memref<4x128xf32, #tpu.memory_space<vmem>> -> memref<1x128xf32, #tpu.memory_space<vmem>>
    %dma_wait3A_1705 = tpu.memref_squeeze %dma_wait3A_1704 : memref<1x128xf32, #tpu.memory_space<vmem>> -> memref<128xf32, #tpu.memory_space<vmem>>
    %dma_wait3A_1706 = arith.constant 0 : i32
    %dma_wait3A_1707 = tpu.memref_slice %dma_wait3A_1705[%dma_wait3A_1706] : memref<128xf32, #tpu.memory_space<vmem>> -> memref<16xf32, #tpu.memory_space<vmem>>
    %dma_wait3A_1708 = arith.constant 0 : i32
    %dma_wait3A_1709 = tpu.memref_slice %arg3[%dma_wait3A_1708] : memref<16384000xf32, #tpu.memory_space<hbm>> -> memref<16384000xf32, #tpu.memory_space<hbm>>
    tpu.wait_indirect_dma semaphore(%arg9 : memref<!tpu.dma_semaphore, #tpu.memory_space<semaphore_mem>>) src(%dma_wait3A_1709 : memref<16384000xf32, #tpu.memory_space<hbm>>) dst(%dma_wait3A_1707 : memref<16xf32, #tpu.memory_space<vmem>>)
    %dma_wait3A_1710 = arith.constant 2 : i32
    %dma_wait3A_1711 = arith.constant 0 : i32
    %dma_wait3A_1712 = tpu.memref_slice %arg6[%dma_wait3A_1710, %dma_wait3A_1711] : memref<4x128xf32, #tpu.memory_space<vmem>> -> memref<1x128xf32, #tpu.memory_space<vmem>>
    %dma_wait3A_1713 = tpu.memref_squeeze %dma_wait3A_1712 : memref<1x128xf32, #tpu.memory_space<vmem>> -> memref<128xf32, #tpu.memory_space<vmem>>
    %dma_wait3A_1714 = arith.constant 16 : i32
    %dma_wait3A_1715 = tpu.memref_slice %dma_wait3A_1713[%dma_wait3A_1714] : memref<128xf32, #tpu.memory_space<vmem>> -> memref<16xf32, #tpu.memory_space<vmem>>
    %dma_wait3A_1716 = arith.constant 0 : i32
    %dma_wait3A_1717 = tpu.memref_slice %arg3[%dma_wait3A_1716] : memref<16384000xf32, #tpu.memory_space<hbm>> -> memref<16384000xf32, #tpu.memory_space<hbm>>
    tpu.wait_indirect_dma semaphore(%arg9 : memref<!tpu.dma_semaphore, #tpu.memory_space<semaphore_mem>>) src(%dma_wait3A_1717 : memref<16384000xf32, #tpu.memory_space<hbm>>) dst(%dma_wait3A_1715 : memref<16xf32, #tpu.memory_space<vmem>>)
    %dma_wait3A_1718 = arith.constant 2 : i32
    %dma_wait3A_1719 = arith.constant 0 : i32
    %dma_wait3A_1720 = tpu.memref_slice %arg6[%dma_wait3A_1718, %dma_wait3A_1719] : memref<4x128xf32, #tpu.memory_space<vmem>> -> memref<1x128xf32, #tpu.memory_space<vmem>>
    %dma_wait3A_1721 = tpu.memref_squeeze %dma_wait3A_1720 : memref<1x128xf32, #tpu.memory_space<vmem>> -> memref<128xf32, #tpu.memory_space<vmem>>
    %dma_wait3A_1722 = arith.constant 32 : i32
    %dma_wait3A_1723 = tpu.memref_slice %dma_wait3A_1721[%dma_wait3A_1722] : memref<128xf32, #tpu.memory_space<vmem>> -> memref<16xf32, #tpu.memory_space<vmem>>
    %dma_wait3A_1724 = arith.constant 0 : i32
    %dma_wait3A_1725 = tpu.memref_slice %arg3[%dma_wait3A_1724] : memref<16384000xf32, #tpu.memory_space<hbm>> -> memref<16384000xf32, #tpu.memory_space<hbm>>
    tpu.wait_indirect_dma semaphore(%arg9 : memref<!tpu.dma_semaphore, #tpu.memory_space<semaphore_mem>>) src(%dma_wait3A_1725 : memref<16384000xf32, #tpu.memory_space<hbm>>) dst(%dma_wait3A_1723 : memref<16xf32, #tpu.memory_space<vmem>>)
    %dma_wait3A_1726 = arith.constant 2 : i32
    %dma_wait3A_1727 = arith.constant 0 : i32
    %dma_wait3A_1728 = tpu.memref_slice %arg6[%dma_wait3A_1726, %dma_wait3A_1727] : memref<4x128xf32, #tpu.memory_space<vmem>> -> memref<1x128xf32, #tpu.memory_space<vmem>>
    %dma_wait3A_1729 = tpu.memref_squeeze %dma_wait3A_1728 : memref<1x128xf32, #tpu.memory_space<vmem>> -> memref<128xf32, #tpu.memory_space<vmem>>
    %dma_wait3A_1730 = arith.constant 48 : i32
    %dma_wait3A_1731 = tpu.memref_slice %dma_wait3A_1729[%dma_wait3A_1730] : memref<128xf32, #tpu.memory_space<vmem>> -> memref<16xf32, #tpu.memory_space<vmem>>
    %dma_wait3A_1732 = arith.constant 0 : i32
    %dma_wait3A_1733 = tpu.memref_slice %arg3[%dma_wait3A_1732] : memref<16384000xf32, #tpu.memory_space<hbm>> -> memref<16384000xf32, #tpu.memory_space<hbm>>
    tpu.wait_indirect_dma semaphore(%arg9 : memref<!tpu.dma_semaphore, #tpu.memory_space<semaphore_mem>>) src(%dma_wait3A_1733 : memref<16384000xf32, #tpu.memory_space<hbm>>) dst(%dma_wait3A_1731 : memref<16xf32, #tpu.memory_space<vmem>>)
    %dma_wait3A_1734 = arith.constant 2 : i32
    %dma_wait3A_1735 = arith.constant 0 : i32
    %dma_wait3A_1736 = tpu.memref_slice %arg6[%dma_wait3A_1734, %dma_wait3A_1735] : memref<4x128xf32, #tpu.memory_space<vmem>> -> memref<1x128xf32, #tpu.memory_space<vmem>>
    %dma_wait3A_1737 = tpu.memref_squeeze %dma_wait3A_1736 : memref<1x128xf32, #tpu.memory_space<vmem>> -> memref<128xf32, #tpu.memory_space<vmem>>
    %dma_wait3A_1738 = arith.constant 64 : i32
    %dma_wait3A_1739 = tpu.memref_slice %dma_wait3A_1737[%dma_wait3A_1738] : memref<128xf32, #tpu.memory_space<vmem>> -> memref<16xf32, #tpu.memory_space<vmem>>
    %dma_wait3A_1740 = arith.constant 0 : i32
    %dma_wait3A_1741 = tpu.memref_slice %arg3[%dma_wait3A_1740] : memref<16384000xf32, #tpu.memory_space<hbm>> -> memref<16384000xf32, #tpu.memory_space<hbm>>
    tpu.wait_indirect_dma semaphore(%arg9 : memref<!tpu.dma_semaphore, #tpu.memory_space<semaphore_mem>>) src(%dma_wait3A_1741 : memref<16384000xf32, #tpu.memory_space<hbm>>) dst(%dma_wait3A_1739 : memref<16xf32, #tpu.memory_space<vmem>>)
    %dma_wait3A_1742 = arith.constant 2 : i32
    %dma_wait3A_1743 = arith.constant 0 : i32
    %dma_wait3A_1744 = tpu.memref_slice %arg6[%dma_wait3A_1742, %dma_wait3A_1743] : memref<4x128xf32, #tpu.memory_space<vmem>> -> memref<1x128xf32, #tpu.memory_space<vmem>>
    %dma_wait3A_1745 = tpu.memref_squeeze %dma_wait3A_1744 : memref<1x128xf32, #tpu.memory_space<vmem>> -> memref<128xf32, #tpu.memory_space<vmem>>
    %dma_wait3A_1746 = arith.constant 80 : i32
    %dma_wait3A_1747 = tpu.memref_slice %dma_wait3A_1745[%dma_wait3A_1746] : memref<128xf32, #tpu.memory_space<vmem>> -> memref<16xf32, #tpu.memory_space<vmem>>
    %dma_wait3A_1748 = arith.constant 0 : i32
    %dma_wait3A_1749 = tpu.memref_slice %arg3[%dma_wait3A_1748] : memref<16384000xf32, #tpu.memory_space<hbm>> -> memref<16384000xf32, #tpu.memory_space<hbm>>
    tpu.wait_indirect_dma semaphore(%arg9 : memref<!tpu.dma_semaphore, #tpu.memory_space<semaphore_mem>>) src(%dma_wait3A_1749 : memref<16384000xf32, #tpu.memory_space<hbm>>) dst(%dma_wait3A_1747 : memref<16xf32, #tpu.memory_space<vmem>>)
    %dma_wait3A_1750 = arith.constant 2 : i32
    %dma_wait3A_1751 = arith.constant 0 : i32
    %dma_wait3A_1752 = tpu.memref_slice %arg6[%dma_wait3A_1750, %dma_wait3A_1751] : memref<4x128xf32, #tpu.memory_space<vmem>> -> memref<1x128xf32, #tpu.memory_space<vmem>>
    %dma_wait3A_1753 = tpu.memref_squeeze %dma_wait3A_1752 : memref<1x128xf32, #tpu.memory_space<vmem>> -> memref<128xf32, #tpu.memory_space<vmem>>
    %dma_wait3A_1754 = arith.constant 96 : i32
    %dma_wait3A_1755 = tpu.memref_slice %dma_wait3A_1753[%dma_wait3A_1754] : memref<128xf32, #tpu.memory_space<vmem>> -> memref<16xf32, #tpu.memory_space<vmem>>
    %dma_wait3A_1756 = arith.constant 0 : i32
    %dma_wait3A_1757 = tpu.memref_slice %arg3[%dma_wait3A_1756] : memref<16384000xf32, #tpu.memory_space<hbm>> -> memref<16384000xf32, #tpu.memory_space<hbm>>
    tpu.wait_indirect_dma semaphore(%arg9 : memref<!tpu.dma_semaphore, #tpu.memory_space<semaphore_mem>>) src(%dma_wait3A_1757 : memref<16384000xf32, #tpu.memory_space<hbm>>) dst(%dma_wait3A_1755 : memref<16xf32, #tpu.memory_space<vmem>>)
    %dma_wait3A_1758 = arith.constant 2 : i32
    %dma_wait3A_1759 = arith.constant 0 : i32
    %dma_wait3A_1760 = tpu.memref_slice %arg6[%dma_wait3A_1758, %dma_wait3A_1759] : memref<4x128xf32, #tpu.memory_space<vmem>> -> memref<1x128xf32, #tpu.memory_space<vmem>>
    %dma_wait3A_1761 = tpu.memref_squeeze %dma_wait3A_1760 : memref<1x128xf32, #tpu.memory_space<vmem>> -> memref<128xf32, #tpu.memory_space<vmem>>
    %dma_wait3A_1762 = arith.constant 112 : i32
    %dma_wait3A_1763 = tpu.memref_slice %dma_wait3A_1761[%dma_wait3A_1762] : memref<128xf32, #tpu.memory_space<vmem>> -> memref<16xf32, #tpu.memory_space<vmem>>
    %dma_wait3A_1764 = arith.constant 0 : i32
    %dma_wait3A_1765 = tpu.memref_slice %arg3[%dma_wait3A_1764] : memref<16384000xf32, #tpu.memory_space<hbm>> -> memref<16384000xf32, #tpu.memory_space<hbm>>
    tpu.wait_indirect_dma semaphore(%arg9 : memref<!tpu.dma_semaphore, #tpu.memory_space<semaphore_mem>>) src(%dma_wait3A_1765 : memref<16384000xf32, #tpu.memory_space<hbm>>) dst(%dma_wait3A_1763 : memref<16xf32, #tpu.memory_space<vmem>>)
    %dma_start3A_1766 = arith.constant 2 : i32
    %dma_start3A_1767 = arith.constant 2 : i32
    %dma_start3A_1768 = arith.constant 0 : i32
    %dma_start3A_1769 = tpu.memref_slice %arg6[%dma_start3A_1766, %dma_start3A_1768] : memref<4x128xf32, #tpu.memory_space<vmem>> -> memref<1x128xf32, #tpu.memory_space<vmem>>
    %dma_start3A_1770 = tpu.memref_squeeze %dma_start3A_1769 : memref<1x128xf32, #tpu.memory_space<vmem>> -> memref<128xf32, #tpu.memory_space<vmem>>
    %dma_start3A_1771 = arith.constant 0 : i32
    %dma_start3A_1772 = arith.constant 0 : i32
    %dma_start3A_1773 = tpu.memref_slice %arg4[%add3A, %dma_start3A_1771, %dma_start3A_1772] : memref<32x4x128xf32, #tpu.memory_space<hbm>> -> memref<1x4x128xf32, #tpu.memory_space<hbm>>
    %dma_start3A_1774 = tpu.memref_squeeze %dma_start3A_1773 : memref<1x4x128xf32, #tpu.memory_space<hbm>> -> memref<4x128xf32, #tpu.memory_space<hbm>>
    %dma_start3A_1775 = arith.constant 0 : i32
    %dma_start3A_1776 = tpu.memref_slice %dma_start3A_1774[%dma_start3A_1767, %dma_start3A_1775] : memref<4x128xf32, #tpu.memory_space<hbm>> -> memref<1x128xf32, #tpu.memory_space<hbm>>
    %dma_start3A_1777 = tpu.memref_squeeze %dma_start3A_1776 : memref<1x128xf32, #tpu.memory_space<hbm>> -> memref<128xf32, #tpu.memory_space<hbm>>
    %dma_start3A_1778 = arith.constant 0 : i32
    %dma_start3A_1779 = arith.constant 0 : i32
    %dma_start3A_1780 = tpu.memref_slice %arg4[%add3A, %dma_start3A_1778, %dma_start3A_1779] : memref<32x4x128xf32, #tpu.memory_space<hbm>> -> memref<1x4x128xf32, #tpu.memory_space<hbm>>
    %dma_start3A_1781 = tpu.memref_squeeze %dma_start3A_1780 : memref<1x4x128xf32, #tpu.memory_space<hbm>> -> memref<4x128xf32, #tpu.memory_space<hbm>>
    %dma_start3A_1782 = arith.constant 0 : i32
    %dma_start3A_1783 = tpu.memref_slice %dma_start3A_1781[%dma_start3A_1767, %dma_start3A_1782] : memref<4x128xf32, #tpu.memory_space<hbm>> -> memref<1x128xf32, #tpu.memory_space<hbm>>
    %dma_start3A_1784 = tpu.memref_squeeze %dma_start3A_1783 : memref<1x128xf32, #tpu.memory_space<hbm>> -> memref<128xf32, #tpu.memory_space<hbm>>
    %dma_start3A_1785 = arith.constant 0 : i32
    %dma_start3A_1786 = tpu.memref_slice %arg6[%dma_start3A_1766, %dma_start3A_1785] : memref<4x128xf32, #tpu.memory_space<vmem>> -> memref<1x128xf32, #tpu.memory_space<vmem>>
    %dma_start3A_1787 = tpu.memref_squeeze %dma_start3A_1786 : memref<1x128xf32, #tpu.memory_space<vmem>> -> memref<128xf32, #tpu.memory_space<vmem>>
    tpu.enqueue_dma source(%dma_start3A_1787 : memref<128xf32, #tpu.memory_space<vmem>>) target(%dma_start3A_1784 : memref<128xf32, #tpu.memory_space<hbm>>) target_semaphore(%arg11 : memref<!tpu.dma_semaphore, #tpu.memory_space<semaphore_mem>>)
    %dma_wait3A_1788 = arith.constant 3 : i32
    %dma_wait3A_1789 = arith.constant 0 : i32
    %dma_wait3A_1790 = tpu.memref_slice %arg6[%dma_wait3A_1788, %dma_wait3A_1789] : memref<4x128xf32, #tpu.memory_space<vmem>> -> memref<1x128xf32, #tpu.memory_space<vmem>>
    %dma_wait3A_1791 = tpu.memref_squeeze %dma_wait3A_1790 : memref<1x128xf32, #tpu.memory_space<vmem>> -> memref<128xf32, #tpu.memory_space<vmem>>
    %dma_wait3A_1792 = arith.constant 0 : i32
    %dma_wait3A_1793 = tpu.memref_slice %dma_wait3A_1791[%dma_wait3A_1792] : memref<128xf32, #tpu.memory_space<vmem>> -> memref<16xf32, #tpu.memory_space<vmem>>
    %dma_wait3A_1794 = arith.constant 0 : i32
    %dma_wait3A_1795 = tpu.memref_slice %arg3[%dma_wait3A_1794] : memref<16384000xf32, #tpu.memory_space<hbm>> -> memref<16384000xf32, #tpu.memory_space<hbm>>
    tpu.wait_indirect_dma semaphore(%arg10 : memref<!tpu.dma_semaphore, #tpu.memory_space<semaphore_mem>>) src(%dma_wait3A_1795 : memref<16384000xf32, #tpu.memory_space<hbm>>) dst(%dma_wait3A_1793 : memref<16xf32, #tpu.memory_space<vmem>>)
    %dma_wait3A_1796 = arith.constant 3 : i32
    %dma_wait3A_1797 = arith.constant 0 : i32
    %dma_wait3A_1798 = tpu.memref_slice %arg6[%dma_wait3A_1796, %dma_wait3A_1797] : memref<4x128xf32, #tpu.memory_space<vmem>> -> memref<1x128xf32, #tpu.memory_space<vmem>>
    %dma_wait3A_1799 = tpu.memref_squeeze %dma_wait3A_1798 : memref<1x128xf32, #tpu.memory_space<vmem>> -> memref<128xf32, #tpu.memory_space<vmem>>
    %dma_wait3A_1800 = arith.constant 16 : i32
    %dma_wait3A_1801 = tpu.memref_slice %dma_wait3A_1799[%dma_wait3A_1800] : memref<128xf32, #tpu.memory_space<vmem>> -> memref<16xf32, #tpu.memory_space<vmem>>
    %dma_wait3A_1802 = arith.constant 0 : i32
    %dma_wait3A_1803 = tpu.memref_slice %arg3[%dma_wait3A_1802] : memref<16384000xf32, #tpu.memory_space<hbm>> -> memref<16384000xf32, #tpu.memory_space<hbm>>
    tpu.wait_indirect_dma semaphore(%arg10 : memref<!tpu.dma_semaphore, #tpu.memory_space<semaphore_mem>>) src(%dma_wait3A_1803 : memref<16384000xf32, #tpu.memory_space<hbm>>) dst(%dma_wait3A_1801 : memref<16xf32, #tpu.memory_space<vmem>>)
    %dma_wait3A_1804 = arith.constant 3 : i32
    %dma_wait3A_1805 = arith.constant 0 : i32
    %dma_wait3A_1806 = tpu.memref_slice %arg6[%dma_wait3A_1804, %dma_wait3A_1805] : memref<4x128xf32, #tpu.memory_space<vmem>> -> memref<1x128xf32, #tpu.memory_space<vmem>>
    %dma_wait3A_1807 = tpu.memref_squeeze %dma_wait3A_1806 : memref<1x128xf32, #tpu.memory_space<vmem>> -> memref<128xf32, #tpu.memory_space<vmem>>
    %dma_wait3A_1808 = arith.constant 32 : i32
    %dma_wait3A_1809 = tpu.memref_slice %dma_wait3A_1807[%dma_wait3A_1808] : memref<128xf32, #tpu.memory_space<vmem>> -> memref<16xf32, #tpu.memory_space<vmem>>
    %dma_wait3A_1810 = arith.constant 0 : i32
    %dma_wait3A_1811 = tpu.memref_slice %arg3[%dma_wait3A_1810] : memref<16384000xf32, #tpu.memory_space<hbm>> -> memref<16384000xf32, #tpu.memory_space<hbm>>
    tpu.wait_indirect_dma semaphore(%arg10 : memref<!tpu.dma_semaphore, #tpu.memory_space<semaphore_mem>>) src(%dma_wait3A_1811 : memref<16384000xf32, #tpu.memory_space<hbm>>) dst(%dma_wait3A_1809 : memref<16xf32, #tpu.memory_space<vmem>>)
    %dma_wait3A_1812 = arith.constant 3 : i32
    %dma_wait3A_1813 = arith.constant 0 : i32
    %dma_wait3A_1814 = tpu.memref_slice %arg6[%dma_wait3A_1812, %dma_wait3A_1813] : memref<4x128xf32, #tpu.memory_space<vmem>> -> memref<1x128xf32, #tpu.memory_space<vmem>>
    %dma_wait3A_1815 = tpu.memref_squeeze %dma_wait3A_1814 : memref<1x128xf32, #tpu.memory_space<vmem>> -> memref<128xf32, #tpu.memory_space<vmem>>
    %dma_wait3A_1816 = arith.constant 48 : i32
    %dma_wait3A_1817 = tpu.memref_slice %dma_wait3A_1815[%dma_wait3A_1816] : memref<128xf32, #tpu.memory_space<vmem>> -> memref<16xf32, #tpu.memory_space<vmem>>
    %dma_wait3A_1818 = arith.constant 0 : i32
    %dma_wait3A_1819 = tpu.memref_slice %arg3[%dma_wait3A_1818] : memref<16384000xf32, #tpu.memory_space<hbm>> -> memref<16384000xf32, #tpu.memory_space<hbm>>
    tpu.wait_indirect_dma semaphore(%arg10 : memref<!tpu.dma_semaphore, #tpu.memory_space<semaphore_mem>>) src(%dma_wait3A_1819 : memref<16384000xf32, #tpu.memory_space<hbm>>) dst(%dma_wait3A_1817 : memref<16xf32, #tpu.memory_space<vmem>>)
    %dma_wait3A_1820 = arith.constant 3 : i32
    %dma_wait3A_1821 = arith.constant 0 : i32
    %dma_wait3A_1822 = tpu.memref_slice %arg6[%dma_wait3A_1820, %dma_wait3A_1821] : memref<4x128xf32, #tpu.memory_space<vmem>> -> memref<1x128xf32, #tpu.memory_space<vmem>>
    %dma_wait3A_1823 = tpu.memref_squeeze %dma_wait3A_1822 : memref<1x128xf32, #tpu.memory_space<vmem>> -> memref<128xf32, #tpu.memory_space<vmem>>
    %dma_wait3A_1824 = arith.constant 64 : i32
    %dma_wait3A_1825 = tpu.memref_slice %dma_wait3A_1823[%dma_wait3A_1824] : memref<128xf32, #tpu.memory_space<vmem>> -> memref<16xf32, #tpu.memory_space<vmem>>
    %dma_wait3A_1826 = arith.constant 0 : i32
    %dma_wait3A_1827 = tpu.memref_slice %arg3[%dma_wait3A_1826] : memref<16384000xf32, #tpu.memory_space<hbm>> -> memref<16384000xf32, #tpu.memory_space<hbm>>
    tpu.wait_indirect_dma semaphore(%arg10 : memref<!tpu.dma_semaphore, #tpu.memory_space<semaphore_mem>>) src(%dma_wait3A_1827 : memref<16384000xf32, #tpu.memory_space<hbm>>) dst(%dma_wait3A_1825 : memref<16xf32, #tpu.memory_space<vmem>>)
    %dma_wait3A_1828 = arith.constant 3 : i32
    %dma_wait3A_1829 = arith.constant 0 : i32
    %dma_wait3A_1830 = tpu.memref_slice %arg6[%dma_wait3A_1828, %dma_wait3A_1829] : memref<4x128xf32, #tpu.memory_space<vmem>> -> memref<1x128xf32, #tpu.memory_space<vmem>>
    %dma_wait3A_1831 = tpu.memref_squeeze %dma_wait3A_1830 : memref<1x128xf32, #tpu.memory_space<vmem>> -> memref<128xf32, #tpu.memory_space<vmem>>
    %dma_wait3A_1832 = arith.constant 80 : i32
    %dma_wait3A_1833 = tpu.memref_slice %dma_wait3A_1831[%dma_wait3A_1832] : memref<128xf32, #tpu.memory_space<vmem>> -> memref<16xf32, #tpu.memory_space<vmem>>
    %dma_wait3A_1834 = arith.constant 0 : i32
    %dma_wait3A_1835 = tpu.memref_slice %arg3[%dma_wait3A_1834] : memref<16384000xf32, #tpu.memory_space<hbm>> -> memref<16384000xf32, #tpu.memory_space<hbm>>
    tpu.wait_indirect_dma semaphore(%arg10 : memref<!tpu.dma_semaphore, #tpu.memory_space<semaphore_mem>>) src(%dma_wait3A_1835 : memref<16384000xf32, #tpu.memory_space<hbm>>) dst(%dma_wait3A_1833 : memref<16xf32, #tpu.memory_space<vmem>>)
    %dma_wait3A_1836 = arith.constant 3 : i32
    %dma_wait3A_1837 = arith.constant 0 : i32
    %dma_wait3A_1838 = tpu.memref_slice %arg6[%dma_wait3A_1836, %dma_wait3A_1837] : memref<4x128xf32, #tpu.memory_space<vmem>> -> memref<1x128xf32, #tpu.memory_space<vmem>>
    %dma_wait3A_1839 = tpu.memref_squeeze %dma_wait3A_1838 : memref<1x128xf32, #tpu.memory_space<vmem>> -> memref<128xf32, #tpu.memory_space<vmem>>
    %dma_wait3A_1840 = arith.constant 96 : i32
    %dma_wait3A_1841 = tpu.memref_slice %dma_wait3A_1839[%dma_wait3A_1840] : memref<128xf32, #tpu.memory_space<vmem>> -> memref<16xf32, #tpu.memory_space<vmem>>
    %dma_wait3A_1842 = arith.constant 0 : i32
    %dma_wait3A_1843 = tpu.memref_slice %arg3[%dma_wait3A_1842] : memref<16384000xf32, #tpu.memory_space<hbm>> -> memref<16384000xf32, #tpu.memory_space<hbm>>
    tpu.wait_indirect_dma semaphore(%arg10 : memref<!tpu.dma_semaphore, #tpu.memory_space<semaphore_mem>>) src(%dma_wait3A_1843 : memref<16384000xf32, #tpu.memory_space<hbm>>) dst(%dma_wait3A_1841 : memref<16xf32, #tpu.memory_space<vmem>>)
    %dma_wait3A_1844 = arith.constant 3 : i32
    %dma_wait3A_1845 = arith.constant 0 : i32
    %dma_wait3A_1846 = tpu.memref_slice %arg6[%dma_wait3A_1844, %dma_wait3A_1845] : memref<4x128xf32, #tpu.memory_space<vmem>> -> memref<1x128xf32, #tpu.memory_space<vmem>>
    %dma_wait3A_1847 = tpu.memref_squeeze %dma_wait3A_1846 : memref<1x128xf32, #tpu.memory_space<vmem>> -> memref<128xf32, #tpu.memory_space<vmem>>
    %dma_wait3A_1848 = arith.constant 112 : i32
    %dma_wait3A_1849 = tpu.memref_slice %dma_wait3A_1847[%dma_wait3A_1848] : memref<128xf32, #tpu.memory_space<vmem>> -> memref<16xf32, #tpu.memory_space<vmem>>
    %dma_wait3A_1850 = arith.constant 0 : i32
    %dma_wait3A_1851 = tpu.memref_slice %arg3[%dma_wait3A_1850] : memref<16384000xf32, #tpu.memory_space<hbm>> -> memref<16384000xf32, #tpu.memory_space<hbm>>
    tpu.wait_indirect_dma semaphore(%arg10 : memref<!tpu.dma_semaphore, #tpu.memory_space<semaphore_mem>>) src(%dma_wait3A_1851 : memref<16384000xf32, #tpu.memory_space<hbm>>) dst(%dma_wait3A_1849 : memref<16xf32, #tpu.memory_space<vmem>>)
    %dma_start3A_1852 = arith.constant 3 : i32
    %dma_start3A_1853 = arith.constant 3 : i32
    %dma_start3A_1854 = arith.constant 0 : i32
    %dma_start3A_1855 = tpu.memref_slice %arg6[%dma_start3A_1852, %dma_start3A_1854] : memref<4x128xf32, #tpu.memory_space<vmem>> -> memref<1x128xf32, #tpu.memory_space<vmem>>
    %dma_start3A_1856 = tpu.memref_squeeze %dma_start3A_1855 : memref<1x128xf32, #tpu.memory_space<vmem>> -> memref<128xf32, #tpu.memory_space<vmem>>
    %dma_start3A_1857 = arith.constant 0 : i32
    %dma_start3A_1858 = arith.constant 0 : i32
    %dma_start3A_1859 = tpu.memref_slice %arg4[%add3A, %dma_start3A_1857, %dma_start3A_1858] : memref<32x4x128xf32, #tpu.memory_space<hbm>> -> memref<1x4x128xf32, #tpu.memory_space<hbm>>
    %dma_start3A_1860 = tpu.memref_squeeze %dma_start3A_1859 : memref<1x4x128xf32, #tpu.memory_space<hbm>> -> memref<4x128xf32, #tpu.memory_space<hbm>>
    %dma_start3A_1861 = arith.constant 0 : i32
    %dma_start3A_1862 = tpu.memref_slice %dma_start3A_1860[%dma_start3A_1853, %dma_start3A_1861] : memref<4x128xf32, #tpu.memory_space<hbm>> -> memref<1x128xf32, #tpu.memory_space<hbm>>
    %dma_start3A_1863 = tpu.memref_squeeze %dma_start3A_1862 : memref<1x128xf32, #tpu.memory_space<hbm>> -> memref<128xf32, #tpu.memory_space<hbm>>
    %dma_start3A_1864 = arith.constant 0 : i32
    %dma_start3A_1865 = arith.constant 0 : i32
    %dma_start3A_1866 = tpu.memref_slice %arg4[%add3A, %dma_start3A_1864, %dma_start3A_1865] : memref<32x4x128xf32, #tpu.memory_space<hbm>> -> memref<1x4x128xf32, #tpu.memory_space<hbm>>
    %dma_start3A_1867 = tpu.memref_squeeze %dma_start3A_1866 : memref<1x4x128xf32, #tpu.memory_space<hbm>> -> memref<4x128xf32, #tpu.memory_space<hbm>>
    %dma_start3A_1868 = arith.constant 0 : i32
    %dma_start3A_1869 = tpu.memref_slice %dma_start3A_1867[%dma_start3A_1853, %dma_start3A_1868] : memref<4x128xf32, #tpu.memory_space<hbm>> -> memref<1x128xf32, #tpu.memory_space<hbm>>
    %dma_start3A_1870 = tpu.memref_squeeze %dma_start3A_1869 : memref<1x128xf32, #tpu.memory_space<hbm>> -> memref<128xf32, #tpu.memory_space<hbm>>
    %dma_start3A_1871 = arith.constant 0 : i32
    %dma_start3A_1872 = tpu.memref_slice %arg6[%dma_start3A_1852, %dma_start3A_1871] : memref<4x128xf32, #tpu.memory_space<vmem>> -> memref<1x128xf32, #tpu.memory_space<vmem>>
    %dma_start3A_1873 = tpu.memref_squeeze %dma_start3A_1872 : memref<1x128xf32, #tpu.memory_space<vmem>> -> memref<128xf32, #tpu.memory_space<vmem>>
    tpu.enqueue_dma source(%dma_start3A_1873 : memref<128xf32, #tpu.memory_space<vmem>>) target(%dma_start3A_1870 : memref<128xf32, #tpu.memory_space<hbm>>) target_semaphore(%arg11 : memref<!tpu.dma_semaphore, #tpu.memory_space<semaphore_mem>>)
    %dma_wait3A_1874 = arith.constant 0 : i32
    %dma_wait3A_1875 = arith.constant 0 : i32
    %dma_wait3A_1876 = arith.constant 0 : i32
    %dma_wait3A_1877 = tpu.memref_slice %arg6[%dma_wait3A_1874, %dma_wait3A_1876] : memref<4x128xf32, #tpu.memory_space<vmem>> -> memref<1x128xf32, #tpu.memory_space<vmem>>
    %dma_wait3A_1878 = tpu.memref_squeeze %dma_wait3A_1877 : memref<1x128xf32, #tpu.memory_space<vmem>> -> memref<128xf32, #tpu.memory_space<vmem>>
    %dma_wait3A_1879 = arith.constant 0 : i32
    %dma_wait3A_1880 = arith.constant 0 : i32
    %dma_wait3A_1881 = tpu.memref_slice %arg4[%add3A, %dma_wait3A_1879, %dma_wait3A_1880] : memref<32x4x128xf32, #tpu.memory_space<hbm>> -> memref<1x4x128xf32, #tpu.memory_space<hbm>>
    %dma_wait3A_1882 = tpu.memref_squeeze %dma_wait3A_1881 : memref<1x4x128xf32, #tpu.memory_space<hbm>> -> memref<4x128xf32, #tpu.memory_space<hbm>>
    %dma_wait3A_1883 = arith.constant 0 : i32
    %dma_wait3A_1884 = tpu.memref_slice %dma_wait3A_1882[%dma_wait3A_1875, %dma_wait3A_1883] : memref<4x128xf32, #tpu.memory_space<hbm>> -> memref<1x128xf32, #tpu.memory_space<hbm>>
    %dma_wait3A_1885 = tpu.memref_squeeze %dma_wait3A_1884 : memref<1x128xf32, #tpu.memory_space<hbm>> -> memref<128xf32, #tpu.memory_space<hbm>>
    %dma_wait3A_1886 = arith.constant 0 : i32
    %dma_wait3A_1887 = arith.constant 0 : i32
    %dma_wait3A_1888 = tpu.memref_slice %arg4[%add3A, %dma_wait3A_1886, %dma_wait3A_1887] : memref<32x4x128xf32, #tpu.memory_space<hbm>> -> memref<1x4x128xf32, #tpu.memory_space<hbm>>
    %dma_wait3A_1889 = tpu.memref_squeeze %dma_wait3A_1888 : memref<1x4x128xf32, #tpu.memory_space<hbm>> -> memref<4x128xf32, #tpu.memory_space<hbm>>
    %dma_wait3A_1890 = arith.constant 0 : i32
    %dma_wait3A_1891 = tpu.memref_slice %dma_wait3A_1889[%dma_wait3A_1875, %dma_wait3A_1890] : memref<4x128xf32, #tpu.memory_space<hbm>> -> memref<1x128xf32, #tpu.memory_space<hbm>>
    %dma_wait3A_1892 = tpu.memref_squeeze %dma_wait3A_1891 : memref<1x128xf32, #tpu.memory_space<hbm>> -> memref<128xf32, #tpu.memory_space<hbm>>
    %dma_wait3A_1893 = arith.constant 0 : i32
    %dma_wait3A_1894 = tpu.memref_slice %arg6[%dma_wait3A_1874, %dma_wait3A_1893] : memref<4x128xf32, #tpu.memory_space<vmem>> -> memref<1x128xf32, #tpu.memory_space<vmem>>
    %dma_wait3A_1895 = tpu.memref_squeeze %dma_wait3A_1894 : memref<1x128xf32, #tpu.memory_space<vmem>> -> memref<128xf32, #tpu.memory_space<vmem>>
    tpu.wait_dma2 semaphore(%arg11 : memref<!tpu.dma_semaphore, #tpu.memory_space<semaphore_mem>>) src(%dma_wait3A_1895 : memref<128xf32, #tpu.memory_space<vmem>>) dst(%dma_wait3A_1892 : memref<128xf32, #tpu.memory_space<hbm>>)
    %dma_wait3A_1896 = arith.constant 1 : i32
    %dma_wait3A_1897 = arith.constant 1 : i32
    %dma_wait3A_1898 = arith.constant 0 : i32
    %dma_wait3A_1899 = tpu.memref_slice %arg6[%dma_wait3A_1896, %dma_wait3A_1898] : memref<4x128xf32, #tpu.memory_space<vmem>> -> memref<1x128xf32, #tpu.memory_space<vmem>>
    %dma_wait3A_1900 = tpu.memref_squeeze %dma_wait3A_1899 : memref<1x128xf32, #tpu.memory_space<vmem>> -> memref<128xf32, #tpu.memory_space<vmem>>
    %dma_wait3A_1901 = arith.constant 0 : i32
    %dma_wait3A_1902 = arith.constant 0 : i32
    %dma_wait3A_1903 = tpu.memref_slice %arg4[%add3A, %dma_wait3A_1901, %dma_wait3A_1902] : memref<32x4x128xf32, #tpu.memory_space<hbm>> -> memref<1x4x128xf32, #tpu.memory_space<hbm>>
    %dma_wait3A_1904 = tpu.memref_squeeze %dma_wait3A_1903 : memref<1x4x128xf32, #tpu.memory_space<hbm>> -> memref<4x128xf32, #tpu.memory_space<hbm>>
    %dma_wait3A_1905 = arith.constant 0 : i32
    %dma_wait3A_1906 = tpu.memref_slice %dma_wait3A_1904[%dma_wait3A_1897, %dma_wait3A_1905] : memref<4x128xf32, #tpu.memory_space<hbm>> -> memref<1x128xf32, #tpu.memory_space<hbm>>
    %dma_wait3A_1907 = tpu.memref_squeeze %dma_wait3A_1906 : memref<1x128xf32, #tpu.memory_space<hbm>> -> memref<128xf32, #tpu.memory_space<hbm>>
    %dma_wait3A_1908 = arith.constant 0 : i32
    %dma_wait3A_1909 = arith.constant 0 : i32
    %dma_wait3A_1910 = tpu.memref_slice %arg4[%add3A, %dma_wait3A_1908, %dma_wait3A_1909] : memref<32x4x128xf32, #tpu.memory_space<hbm>> -> memref<1x4x128xf32, #tpu.memory_space<hbm>>
    %dma_wait3A_1911 = tpu.memref_squeeze %dma_wait3A_1910 : memref<1x4x128xf32, #tpu.memory_space<hbm>> -> memref<4x128xf32, #tpu.memory_space<hbm>>
    %dma_wait3A_1912 = arith.constant 0 : i32
    %dma_wait3A_1913 = tpu.memref_slice %dma_wait3A_1911[%dma_wait3A_1897, %dma_wait3A_1912] : memref<4x128xf32, #tpu.memory_space<hbm>> -> memref<1x128xf32, #tpu.memory_space<hbm>>
    %dma_wait3A_1914 = tpu.memref_squeeze %dma_wait3A_1913 : memref<1x128xf32, #tpu.memory_space<hbm>> -> memref<128xf32, #tpu.memory_space<hbm>>
    %dma_wait3A_1915 = arith.constant 0 : i32
    %dma_wait3A_1916 = tpu.memref_slice %arg6[%dma_wait3A_1896, %dma_wait3A_1915] : memref<4x128xf32, #tpu.memory_space<vmem>> -> memref<1x128xf32, #tpu.memory_space<vmem>>
    %dma_wait3A_1917 = tpu.memref_squeeze %dma_wait3A_1916 : memref<1x128xf32, #tpu.memory_space<vmem>> -> memref<128xf32, #tpu.memory_space<vmem>>
    tpu.wait_dma2 semaphore(%arg11 : memref<!tpu.dma_semaphore, #tpu.memory_space<semaphore_mem>>) src(%dma_wait3A_1917 : memref<128xf32, #tpu.memory_space<vmem>>) dst(%dma_wait3A_1914 : memref<128xf32, #tpu.memory_space<hbm>>)
    %dma_wait3A_1918 = arith.constant 2 : i32
    %dma_wait3A_1919 = arith.constant 2 : i32
    %dma_wait3A_1920 = arith.constant 0 : i32
    %dma_wait3A_1921 = tpu.memref_slice %arg6[%dma_wait3A_1918, %dma_wait3A_1920] : memref<4x128xf32, #tpu.memory_space<vmem>> -> memref<1x128xf32, #tpu.memory_space<vmem>>
    %dma_wait3A_1922 = tpu.memref_squeeze %dma_wait3A_1921 : memref<1x128xf32, #tpu.memory_space<vmem>> -> memref<128xf32, #tpu.memory_space<vmem>>
    %dma_wait3A_1923 = arith.constant 0 : i32
    %dma_wait3A_1924 = arith.constant 0 : i32
    %dma_wait3A_1925 = tpu.memref_slice %arg4[%add3A, %dma_wait3A_1923, %dma_wait3A_1924] : memref<32x4x128xf32, #tpu.memory_space<hbm>> -> memref<1x4x128xf32, #tpu.memory_space<hbm>>
    %dma_wait3A_1926 = tpu.memref_squeeze %dma_wait3A_1925 : memref<1x4x128xf32, #tpu.memory_space<hbm>> -> memref<4x128xf32, #tpu.memory_space<hbm>>
    %dma_wait3A_1927 = arith.constant 0 : i32
    %dma_wait3A_1928 = tpu.memref_slice %dma_wait3A_1926[%dma_wait3A_1919, %dma_wait3A_1927] : memref<4x128xf32, #tpu.memory_space<hbm>> -> memref<1x128xf32, #tpu.memory_space<hbm>>
    %dma_wait3A_1929 = tpu.memref_squeeze %dma_wait3A_1928 : memref<1x128xf32, #tpu.memory_space<hbm>> -> memref<128xf32, #tpu.memory_space<hbm>>
    %dma_wait3A_1930 = arith.constant 0 : i32
    %dma_wait3A_1931 = arith.constant 0 : i32
    %dma_wait3A_1932 = tpu.memref_slice %arg4[%add3A, %dma_wait3A_1930, %dma_wait3A_1931] : memref<32x4x128xf32, #tpu.memory_space<hbm>> -> memref<1x4x128xf32, #tpu.memory_space<hbm>>
    %dma_wait3A_1933 = tpu.memref_squeeze %dma_wait3A_1932 : memref<1x4x128xf32, #tpu.memory_space<hbm>> -> memref<4x128xf32, #tpu.memory_space<hbm>>
    %dma_wait3A_1934 = arith.constant 0 : i32
    %dma_wait3A_1935 = tpu.memref_slice %dma_wait3A_1933[%dma_wait3A_1919, %dma_wait3A_1934] : memref<4x128xf32, #tpu.memory_space<hbm>> -> memref<1x128xf32, #tpu.memory_space<hbm>>
    %dma_wait3A_1936 = tpu.memref_squeeze %dma_wait3A_1935 : memref<1x128xf32, #tpu.memory_space<hbm>> -> memref<128xf32, #tpu.memory_space<hbm>>
    %dma_wait3A_1937 = arith.constant 0 : i32
    %dma_wait3A_1938 = tpu.memref_slice %arg6[%dma_wait3A_1918, %dma_wait3A_1937] : memref<4x128xf32, #tpu.memory_space<vmem>> -> memref<1x128xf32, #tpu.memory_space<vmem>>
    %dma_wait3A_1939 = tpu.memref_squeeze %dma_wait3A_1938 : memref<1x128xf32, #tpu.memory_space<vmem>> -> memref<128xf32, #tpu.memory_space<vmem>>
    tpu.wait_dma2 semaphore(%arg11 : memref<!tpu.dma_semaphore, #tpu.memory_space<semaphore_mem>>) src(%dma_wait3A_1939 : memref<128xf32, #tpu.memory_space<vmem>>) dst(%dma_wait3A_1936 : memref<128xf32, #tpu.memory_space<hbm>>)
    %dma_wait3A_1940 = arith.constant 3 : i32
    %dma_wait3A_1941 = arith.constant 3 : i32
    %dma_wait3A_1942 = arith.constant 0 : i32
    %dma_wait3A_1943 = tpu.memref_slice %arg6[%dma_wait3A_1940, %dma_wait3A_1942] : memref<4x128xf32, #tpu.memory_space<vmem>> -> memref<1x128xf32, #tpu.memory_space<vmem>>
    %dma_wait3A_1944 = tpu.memref_squeeze %dma_wait3A_1943 : memref<1x128xf32, #tpu.memory_space<vmem>> -> memref<128xf32, #tpu.memory_space<vmem>>
    %dma_wait3A_1945 = arith.constant 0 : i32
    %dma_wait3A_1946 = arith.constant 0 : i32
    %dma_wait3A_1947 = tpu.memref_slice %arg4[%add3A, %dma_wait3A_1945, %dma_wait3A_1946] : memref<32x4x128xf32, #tpu.memory_space<hbm>> -> memref<1x4x128xf32, #tpu.memory_space<hbm>>
    %dma_wait3A_1948 = tpu.memref_squeeze %dma_wait3A_1947 : memref<1x4x128xf32, #tpu.memory_space<hbm>> -> memref<4x128xf32, #tpu.memory_space<hbm>>
    %dma_wait3A_1949 = arith.constant 0 : i32
    %dma_wait3A_1950 = tpu.memref_slice %dma_wait3A_1948[%dma_wait3A_1941, %dma_wait3A_1949] : memref<4x128xf32, #tpu.memory_space<hbm>> -> memref<1x128xf32, #tpu.memory_space<hbm>>
    %dma_wait3A_1951 = tpu.memref_squeeze %dma_wait3A_1950 : memref<1x128xf32, #tpu.memory_space<hbm>> -> memref<128xf32, #tpu.memory_space<hbm>>
    %dma_wait3A_1952 = arith.constant 0 : i32
    %dma_wait3A_1953 = arith.constant 0 : i32
    %dma_wait3A_1954 = tpu.memref_slice %arg4[%add3A, %dma_wait3A_1952, %dma_wait3A_1953] : memref<32x4x128xf32, #tpu.memory_space<hbm>> -> memref<1x4x128xf32, #tpu.memory_space<hbm>>
    %dma_wait3A_1955 = tpu.memref_squeeze %dma_wait3A_1954 : memref<1x4x128xf32, #tpu.memory_space<hbm>> -> memref<4x128xf32, #tpu.memory_space<hbm>>
    %dma_wait3A_1956 = arith.constant 0 : i32
    %dma_wait3A_1957 = tpu.memref_slice %dma_wait3A_1955[%dma_wait3A_1941, %dma_wait3A_1956] : memref<4x128xf32, #tpu.memory_space<hbm>> -> memref<1x128xf32, #tpu.memory_space<hbm>>
    %dma_wait3A_1958 = tpu.memref_squeeze %dma_wait3A_1957 : memref<1x128xf32, #tpu.memory_space<hbm>> -> memref<128xf32, #tpu.memory_space<hbm>>
    %dma_wait3A_1959 = arith.constant 0 : i32
    %dma_wait3A_1960 = tpu.memref_slice %arg6[%dma_wait3A_1940, %dma_wait3A_1959] : memref<4x128xf32, #tpu.memory_space<vmem>> -> memref<1x128xf32, #tpu.memory_space<vmem>>
    %dma_wait3A_1961 = tpu.memref_squeeze %dma_wait3A_1960 : memref<1x128xf32, #tpu.memory_space<vmem>> -> memref<128xf32, #tpu.memory_space<vmem>>
    tpu.wait_dma2 semaphore(%arg11 : memref<!tpu.dma_semaphore, #tpu.memory_space<semaphore_mem>>) src(%dma_wait3A_1961 : memref<128xf32, #tpu.memory_space<vmem>>) dst(%dma_wait3A_1958 : memref<128xf32, #tpu.memory_space<hbm>>)
    return
  }
}

</mosaic_0001>

<sc_bundles>
// kernel: kernel.3.cloned.1.call-start
scs
__scs_entry_jumppad:
0x0: {  	(pc) =	sbr.rel $0x88, $3  }
0x1: {  	(tag) =	ssettag $0x0;
	lr =	simm.s32 $0x1  }
0x2: {  	[smem:$0x3F9F] =	sst lr;
	_ =	strace $0xD0000000  }
0x3: {  	_ = 	snop  }
0x4: {  	_ = 	snop  }
0x5: {  	_ = 	snop  }
0x6: {  	_ = 	snop  }
0x7: {  	_ = 	snop  }
__scs_overlays_trampoline_lowered:
0x8: {  	[smem:$0x3FAE] =	sst s0  }
0x9: {  	[smem:$0x3FAF] =	sst s1  }
0xa: {  	[smem:$0x3FB0] =	sst s2  }
0xb: {  	[smem:$0x3FB1] =	sst s3  }
0xc: {  	[smem:$0x3FB2] =	sst s4  }
0xd: {  	[smem:$0x3FB3] =	sst s5  }
0xe: {  	[smem:$0x3FB4] =	sst s6  }
0xf: {  	[smem:$0x3FB5] =	sst s7  }
0x10: {  	[smem:$0x3FB6] =	sst s8  }
0x11: {  	[smem:$0x3FB7] =	sst s9;
	s0 =	simm.s32 @!p0 $0x0  }
0x12: {  	s1 =	sld [smem:$0x3F9D];
	s0 =	simm.s32 @p0 $0x1  }
0x13: {  	[smem:$0x3FB8] =	sst s0;
	s0 =	simm.s32 @!p1 $0x0  }
0x14: {  	s2 =	sld [smem:$0x3F9C];
	s0 =	simm.s32 @p1 $0x1  }
0x15: {  	[smem:$0x3FB9] =	sst s0;
	s0 =	simm.s32 @!p2 $0x0  }
0x16: {  	s3 =	sld [smem:$0x3FDB];
	s0 =	simm.s32 @p2 $0x1  }
0x17: {  	s4 =	simm.s32 $0x1BF5;
	[smem:$0x3FBB] =	sst s0  }
0x18: {  	s0 =	sld [smem:$0x3F9E];
	_ =	swait.ge [sflag:s4], $0x0  }
0x19: {  	s7 =	sld [smem:$0x3F9F]  }
0x1a: {  	s8 =	sadd.s32 $0xFFFFE003, lr  }
0x1b: {  	s9 =	sadd.s32 $0xFFFFFEF7, lr;
	s5 =	simm.s32 $0xFFFFFFFF;
	p2 =	slt.u32 s8, $0xFFFFF086  }
0x1c: {  	p1 =	slt.u32 s9, $0xF7A;
	s5 =	simm.s32 @!p2 $0x0  }
0x1d: {  	s5 =	simm.s32 @p1 $0x1;
	p0 =	seq.s32 s7, s2  }
0x1e: {  	s7 =	smul.u32 @!p0 $0xF7A, s2;
	p2 =	seq.s32 @!p0 s5, $0x0  }
0x1f: {  	s9 =	smul.u32 $0xF7A, s1;
	s8 =	simm.s32 @!p0 $0x1BF5;
	p2 =	por !p2, p0  }
0x20: {  	[sflag:s8] =	ssyncset.s32 @!p0 $0xFFFFF086;
	s6 =	sadd.s32 @!p0 s3, s7;
	s7 =	simm.s32 @!p0 $0x108  }
0x21: {  	s3 =	sadd.s32 s3, s9;
	s6 =	sadd.s32 @!p0 $0x88, s6;
	s7 =	simm.s32 @p2 $0x1082  }
0x22: {  	[simem:s7], [sflag:s8] =	dma.local @!p0 [hbm:s6], $0xF7A  }
0x23: {  	s9 =	sor.u32 $0xD0000000, s2;
	s6 =	simm.s32 $0x108;
	_ =	swait.ge @!p0 [sflag:s8], $0x0  }
0x24: {  	s3 =	sadd.s32 $0x88, s3;
	s6 =	simm.s32 @!p1 $0x1082;
	[sflag:s4] =	ssyncset.s32 $0xFFFFF086  }
0x25: {  	[simem:s6], [sflag:s4] =	dma.local [hbm:s3], $0xF7A  }
0x26: {  	[smem:$0x3F9F] =	sst s1;
	(tag) =	ssettag s2;
	_ =	strace s9  }
0x27: {  	s1 =	sld [smem:$0x3FAF]  }
0x28: {  	s2 =	sld [smem:$0x3FB0]  }
0x29: {  	s4 =	sld [smem:$0x3FB2]  }
0x2a: {  	p0 =	seq.s32 s5, $0x0;
	s5 =	sld [smem:$0x3FB3]  }
0x2b: {  	s6 =	sld [smem:$0x3FB4]  }
0x2c: {  	s7 =	sld [smem:$0x3FB5]  }
0x2d: {  	s3 =	simm.s32 $0x108;
	s8 =	sld [smem:$0x3FB6]  }
0x2e: {  	s3 =	simm.s32 @!p0 $0x1082;
	s9 =	sld [smem:$0x3FB7]  }
0x2f: {  	lr =	sadd.s32 s0, s3;
	s0 =	sld [smem:$0x3FAE]  }
0x30: {  	s3 =	sld [smem:$0x3FB1]  }
0x31: {  	[smem:$0x3FBA] =	sst s10  }
0x32: {  	s10 =	sld [smem:$0x3FB8];
	_ =	sdelay $0x3  }
0x33: {  	p0 =	seq.s32 s10, $0x1;
	s10 =	sld [smem:$0x3FBA];
	_ =	sdelay $0x3  }
0x34: {  	[smem:$0x3FBA] =	sst s10  }
0x35: {  	s10 =	sld [smem:$0x3FB9];
	_ =	sdelay $0x3  }
0x36: {  	p1 =	seq.s32 s10, $0x1;
	s10 =	sld [smem:$0x3FBA];
	_ =	sdelay $0x3  }
0x37: {  	[smem:$0x3FBA] =	sst s10  }
0x38: {  	s10 =	sld [smem:$0x3FBB]  }
0x39: {  	_ = 	snop;
	(pc) =	sbr.ind lr, $3  }
0x3a: {  	_ = 	snop  }
0x3b: {  	_ = 	snop  }
0x3c: {  	p2 =	seq.s32 s10, $0x1;
	s10 =	sld [smem:$0x3FBA]  }
0x3d: {  	_ =	shalt  }
0x3e: {  	_ =	shalt  }
0x3f: {  	_ =	shalt  }
0x40: {  	_ =	shalt  }
0x41: {  	_ =	shalt  }
0x42: {  	_ =	shalt  }
0x43: {  	_ =	shalt  }
0x44: {  	_ =	shalt  }
0x45: {  	_ =	shalt  }
0x46: {  	_ =	shalt  }
0x47: {  	_ =	shalt  }
0x48: {  	_ =	shalt  }
0x49: {  	_ =	shalt  }
0x4a: {  	_ =	shalt  }
0x4b: {  	_ =	shalt  }
0x4c: {  	_ =	shalt  }
0x4d: {  	_ =	shalt  }
0x4e: {  	_ =	shalt  }
0x4f: {  	_ =	shalt  }
0x50: {  	_ =	shalt  }
0x51: {  	_ =	shalt  }
0x52: {  	_ =	shalt  }
0x53: {  	_ =	shalt  }
0x54: {  	_ =	shalt  }
0x55: {  	_ =	shalt  }
0x56: {  	_ =	shalt  }
0x57: {  	_ =	shalt  }
0x58: {  	_ =	shalt  }
0x59: {  	_ =	shalt  }
0x5a: {  	_ =	shalt  }
0x5b: {  	_ =	shalt  }
0x5c: {  	_ =	shalt  }
0x5d: {  	_ =	shalt  }
0x5e: {  	_ =	shalt  }
0x5f: {  	_ =	shalt  }
0x60: {  	_ =	shalt  }
0x61: {  	_ =	shalt  }
0x62: {  	_ =	shalt  }
0x63: {  	_ =	shalt  }
0x64: {  	_ =	shalt  }
0x65: {  	_ =	shalt  }
0x66: {  	_ =	shalt  }
0x67: {  	_ =	shalt  }
0x68: {  	_ =	shalt  }
0x69: {  	_ =	shalt  }
0x6a: {  	_ =	shalt  }
0x6b: {  	_ =	shalt  }
0x6c: {  	_ =	shalt  }
0x6d: {  	_ =	shalt  }
0x6e: {  	_ =	shalt  }
0x6f: {  	_ =	shalt  }
0x70: {  	_ =	shalt  }
0x71: {  	_ =	shalt  }
0x72: {  	_ =	shalt  }
0x73: {  	_ =	shalt  }
0x74: {  	_ =	shalt  }
0x75: {  	_ =	shalt  }
0x76: {  	_ =	shalt  }
0x77: {  	_ =	shalt  }
0x78: {  	_ =	shalt  }
0x79: {  	_ =	shalt  }
0x7a: {  	_ =	shalt  }
0x7b: {  	_ =	shalt  }
0x7c: {  	_ =	shalt  }
0x7d: {  	_ =	shalt  }
0x7e: {  	_ =	shalt  }
0x7f: {  	_ =	shalt  }
0x80: {  	_ =	shalt  }
0x81: {  	_ =	shalt  }
0x82: {  	_ =	shalt  }
0x83: {  	_ =	shalt  }
0x84: {  	_ =	shalt  }
0x85: {  	_ =	shalt  }
0x86: {  	_ =	shalt  }
0x87: {  	_ =	shalt  }
.Lfunc_end0:
.L_simem_size_0:
called_computation_lowered:
.L_overlay_start_0:
0x88: {  	s2 =	sld [smem:$0x3FD9]  }
0x89: {  	s3 =	sld [smem:$0x3FFE];
	_ =	sdelay $0x1  }
0x8a: {  	s1 =	srdreg.scid  }
0x8b: {  	s0 =	sand.u32 $0x1, s1  }
0x8c: {  	s18 =	sshll.u32 s0, $0xA;
	s2 =	sadd.s32 s3, s2  }
0x8d: {  	s2 =	sadd.s32 s2, s18  }
0x8e: {  	[smem:$0x3FC6] =	sst s2  }
0x8f: {  	_ = 	snop  }
0x90: {  	s2 =	sld [smem:$0x3FC9]  }
0x91: {  	s19 =	sld [smem:$0x3FC8]  }
0x92: {  	s4 =	sld [smem:$0x3FD0];
	(tm) =	ssettm $0x1  }
0x93: {  	s5 =	sld [smem:$0x3FFB];
	_ =	sdelay $0x3  }
0x94: {  	_ =	strace s5  }
0x95: {  	s5 =	sld [smem:$0x3FFC];
	_ =	sdelay $0x3  }
0x96: {  	_ =	strace s5  }
0x97: {  	s5 =	sld [smem:$0x3FFD];
	_ =	sdelay $0x3  }
0x98: {  	_ =	strace s5  }
0x99: {  	_ =	strace $0x8FFFFFFF  }
0x9a: {  	s20 =	sld [smem:$0x3FDB];
	_ =	sdelay $0x1  }
0x9b: {  	s6 =	simm.s32 $_scs_section_size  }
0x9c: {  	s7 =	simm.s32 $_size__tile_overlayer_lowered;
	s8 =	simm.s32 $_tile_overlayer_lowered  }
0x9d: {  	s23 =	simm.s32 $0x1BFF;
	s22 =	sshll.u32 s8, $0x1;
	s5 =	sadd.s32 s6, s20  }
0x9e: {  	s9 =	simm.s32 $0x0;
	s21 =	sshll.u32 s7, $0x1;
	s7 =	sadd.s32 s22, s5  }
0x9f: {  	[timem:s9], [sflag:s23] =	dma.local [hbm:s7], s21  }
0xa0: {  	_ =	swait.ge [sflag:s23], s21  }
0xa1: {  	s6 =	ssub.s32 $0x0, s21;
	[sflag:s23] =	ssyncset.done $0x0  }
0xa2: {  	[sflag:s23] =	ssyncadd.s32 s6;
	_ =	sdelay $0x1  }
0xa3: {  	s24 =	simm.s32 $0x1B8B  }
0xa4: {  	_ =	swait.ge [sflag:s24], $0x1  }
0xa5: {  	[sflag:s24] =	ssyncset.done $0x0  }
0xa6: {  	s25 =	simm.s32 $0x1B8E;
	[sflag:s24] =	ssyncadd.s32 $0xFFFFFFFF  }
0xa7: {  	s26 =	simm.s32 $execute0_lowered;
	[smem:$0x3FD2] =	sst s25  }
0xa8: {  	s6 =	sshll.u32 s26, $0x1;
	_ =	strace $0x80000046;
	[dreg:$0x1] =	wrdreg $0xFFFFFFFF  }
0xa9: {  	s28 =	simm.s32 $_size_execute0_lowered;
	s5 =	sadd.s32 s5, s6;
	[dreg:$0x0] =	wrdreg $0x0  }
0xaa: {  	s6 =	sshll.u32 s28, $0x1;
	[dreg:$0x2] =	wrdreg s5  }
0xab: {  	[dreg:$0x3] =	wrdreg s6  }
0xac: {  	[dreg:$0x4] =	wrdreg $0xC0  }
0xad: {  	_ =	task [dreg:s9], $0x5FFFF  }
0xae: {  	[dreg:$0x1] =	wrdreg $0xFFFFFFFF  }
0xaf: {  	[dreg:$0x0] =	wrdreg $0x60  }
0xb0: {  	[dreg:$0x2] =	wrdreg s2  }
0xb1: {  	[dreg:$0x3] =	wrdreg s19  }
0xb2: {  	[dreg:$0x4] =	wrdreg s4  }
0xb3: {  	[dreg:$0x5] =	wrdreg $0x9  }
0xb4: {  	_ =	task.clear_ibuf [dreg:s9], $0x6FFFF;
	_ =	strace $0x90000046  }
0xb5: {  	s29 =	simm.s32 $0x9;
	_ =	strace $0x80000048  }
0xb6: {  	_ =	swait.ge [sflag:s29], $0x1  }
0xb7: {  	[sflag:s29] =	ssyncadd.s32 $0xFFFFFFFF  }
0xb8: {  	_ =	strace $0x90000048  }
0xb9: {  	_ =	sfence  }
0xba: {  	s30 =	sld [smem:$0x0];
	_ =	sdelay $0x2  }
0xbb: {  	s31 =	sshll.u32 s1, $0xD;
	s1 =	sshrl.u32 s1, $0x2  }
0xbc: {  	s3 =	sand.u32 $0x4000, s31;
	s1 =	sadd.s32 s1, s30  }
0xbd: {  	s0 =	sor.u32 s3, s0;
	s1 =	sshll.u32 s1, $0x11  }
0xbe: {  	s0 =	sor.u32 s1, s0  }
0xbf: {  	s0 =	sadd.s32 $0x8F2B, s0  }
0xc0: {  	[sflag:s0] =	ssyncadd.remote.s32 $0x1  }
0xc1: {  	_ =	sfence.sel $0xFFFF  }
0xc2: {  	[dreg:$0x0] =	wrdreg $0xFFFFFFFF;
	(pc) =	sbr.abs _section_cstart, $3  }
0xc3: {  	[dreg:$0x1] =	wrdreg $0xFFFFFFFF  }
0xc4: {  	_ =	task.clear_ibuf [dreg:s9], $0x2FFFF;
	_ =	strace $0x9FFFFFFF  }
0xc5: {  	(tm) =	ssettm $0x7FFFFFFF  }
tec
execute0_lowered:
.L_overlay_start_1:
0x0: {  	(tag) =	ssettag $0x1  }
0x1: {  	s4 =	rddreg [dreg:$0x0]  }
0x2: {  	s2 =	rddreg [dreg:$0x1];
	s3 =	srdreg.scid  }
0x3: {  	s7 =	rddreg [dreg:$0x2];
	s5 =	sand.u32 $0x1, s3;
	s3 =	simm.s32 $0x0  }
0x4: {  	s18 =	simm.s32 $0x210;
	[smem:$0x7FF] =	sst s3  }
0x5: {  	s19 =	simm.s32 $0x220;
	_ =	strace $0x80000047;
	[dreg:$0x5] =	wrdreg s18  }
0x6: {  	s20 =	simm.s32 $0x230;
	[dreg:$0x6] =	wrdreg s19  }
0x7: {  	s21 =	simm.s32 $0x240;
	[dreg:$0x7] =	wrdreg s20  }
0x8: {  	s22 =	simm.s32 $0x250;
	[dreg:$0x8] =	wrdreg s21  }
0x9: {  	s23 =	simm.s32 $0x260;
	[dreg:$0x9] =	wrdreg s22  }
0xa: {  	s24 =	simm.s32 $0x270;
	[dreg:$0xa] =	wrdreg s23  }
0xb: {  	s25 =	simm.s32 $0x290;
	[dreg:$0xb] =	wrdreg s24  }
0xc: {  	s0 =	stileid.u32;
	s26 =	simm.s32 $0x2A0;
	[dreg:$0xc] =	wrdreg s25  }
0xd: {  	s30 =	simm.s32 $0x2B0;
	s31 =	simm.s32 $0x2C0;
	[dreg:$0xd] =	wrdreg s26  }
0xe: {  	s1 =	simm.s32 $0x2E0;
	s6 =	sshll.u32 s0, $0xA;
	[dreg:$0xe] =	wrdreg s30  }
0xf: {  	s0 =	simm.s32 $0x2D0;
	s8 =	sshll.u32 s5, $0x9;
	[dreg:$0xf] =	wrdreg s31  }
0x10: {  	s5 =	ssub.s32 $0x2, s5;
	s6 =	sor.u32 s8, s6;
	[dreg:$0x10] =	wrdreg s0  }
0x11: {  	s16 =	sshrl.u32 s5, $0x1;
	[dreg:$0x11] =	wrdreg s1;
	s26 =	simm.s32 $0x2F0  }
0x12: {  	s9 =	sshrl.u32 s6, $0x3;
	s17 =	ssub.s32 s5, s16;
	[dreg:$0x12] =	wrdreg s26  }
0x13: {  	s6 =	sshll.u32 s6, $0x3;
	[dreg:$0x14] =	wrdreg s17;
	s4 =	sadd.s32 s4, s9  }
0x14: {  	s8 =	sor.u32 $0x10, s6;
	s10 =	sor.u32 $0x20, s6;
	s11 =	sor.u32 $0x30, s6  }
0x15: {  	s12 =	sor.u32 $0x40, s6;
	s13 =	sor.u32 $0x50, s6;
	s14 =	sor.u32 $0x60, s6  }
0x16: {  	s15 =	sor.u32 $0x70, s6;
	s16 =	sor.u32 $0x400, s6;
	s5 =	sor.u32 $0x410, s6  }
0x17: {  	s18 =	sor.u32 $0x420, s6;
	s19 =	sor.u32 $0x430, s6;
	s20 =	sor.u32 $0x440, s6  }
0x18: {  	s21 =	sor.u32 $0x450, s6;
	s22 =	sor.u32 $0x460, s6;
	s23 =	sor.u32 $0x470, s6  }
0x19: {  	s24 =	sor.u32 $0x800, s6;
	s25 =	sor.u32 $0x810, s6;
	s17 =	simm.s32 $0x310  }
0x1a: {  	s26 =	sor.u32 $0x820, s6;
	s28 =	sor.u32 $0x830, s6;
	s29 =	sor.u32 $0x840, s6  }
0x1b: {  	s30 =	sor.u32 $0x850, s6;
	s31 =	sor.u32 $0x860, s6;
	s0 =	sor.u32 $0x870, s6  }
0x1c: {  	v31 =	vlaneseq.u32;
	s1 =	sor.u32 $0xC00, s6;
	[dreg:$0x4] =	wrdreg s4;
	s4 =	sadd.s32 s7, s9  }
0x1d: {  	vm0 =	vmmov $0xffff;
	[dreg:$0x13] =	wrdreg s17;
	v1 =	vor.u32 s10, v31;
	v2 =	vor.u32 s11, v31;
	s10 =	sor.u32 $0xC10, s6;
	s11 =	sor.u32 $0xC20, s6  }
0x1e: {  	v3 =	vor.u32 s12, v31;
	v4 =	vor.u32 s13, v31;
	v5 =	vor.u32 s14, v31;
	s12 =	sor.u32 $0xC30, s6;
	s13 =	sor.u32 $0xC40, s6;
	s14 =	sor.u32 $0xC50, s6  }
0x1f: {  	v8 =	vor.u32 s6, v31;
	v6 =	vor.u32 s15, v31;
	s15 =	sor.u32 $0xC60, s6;
	s17 =	sor.u32 $0xC70, s6;
	v11 =	vor.u32 s19, v31;
	s19 =	rddreg [dreg:$0x14]  }
0x20: {  	v0 =	vor.u32 s8, v31;
	v7 =	vor.u32 s16, v31;
	v9 =	vor.u32 s5, v31;
	s6 =	simm.s32 $0x6;
	s7 =	simm.s32 $0x200;
	s8 =	simm.s32 $0x280  }
0x21: {  	v10 =	vor.u32 s18, v31;
	v12 =	vor.u32 s20, v31;
	s9 =	simm.s32 $0x300;
	s16 =	simm.s32 $0x380;
	v23 =	vor.u32 s0, v31;
	s0 =	simm.s32 $0x390  }
0x22: {  	v13 =	vor.u32 s21, v31;
	v14 =	vor.u32 s22, v31;
	v15 =	vor.u32 s23, v31;
	s18 =	simm.s32 $0x3A0;
	s20 =	simm.s32 $0x3C0;
	s21 =	simm.s32 $0x3D0  }
0x23: {  	v16 =	vor.u32 s24, v31;
	v17 =	vor.u32 s25, v31;
	v18 =	vor.u32 s26, v31;
	s22 =	simm.s32 $0x3E0;
	s23 =	simm.s32 $0x3F0;
	s24 =	simm.s32 $0x1  }
0x24: {  	v19 =	vor.u32 s28, v31;
	v20 =	vor.u32 s29, v31;
	v21 =	vor.u32 s30, v31;
	s25 =	simm.s32 $0x2;
	s26 =	simm.s32 $0x3;
	s28 =	simm.s32 $0x4  }
0x25: {  	v22 =	vor.u32 s31, v31;
	v24 =	vor.u32 s1, v31;
	s29 =	simm.s32 $0x5;
	s5 =	smax.u32 s19, $0x1;
	s19 =	simm.s32 $0x3B0;
	v25 =	vor.u32 s10, v31  }
0x26: {  	s10 =	simm.s32 $0x320;
	v26 =	vor.u32 s11, v31;
	s11 =	simm.s32 $0x330;
	v27 =	vor.u32 s12, v31;
	s12 =	simm.s32 $0x340;
	v28 =	vor.u32 s13, v31  }
0x27: {  	s13 =	simm.s32 $0x350;
	v29 =	vor.u32 s14, v31;
	s14 =	simm.s32 $0x360;
	v30 =	vor.u32 s15, v31;
	s15 =	simm.s32 $0x370;
	v31 =	vor.u32 s17, v31  }
.LBB2_1:
0x28: {  	s1 =	rddreg [dreg:$0x4]  }
0x29: {  	[tilespmem:s3], [sflag:$0x6] =	stream.linear.gather [hbm4b:s1+s3], $0x200, $0x38;
	[tilespmem:$0x400] =	vst v63  }
0x2a: {  	_ =	swait.ge [sflag:s6], $0x200  }
0x2b: {  	[sflag:s6] =	ssyncset.done $0x0  }
0x2c: {  	[sflag:s6] =	ssyncadd.s32 $0xFFFFFE00  }
0x2d: {  	v32 =	vld [tilespmem:$0x0];
	_ =	sdelay $0x4  }
0x2e: {  	v32 =	vmul.f32 $9.990000000e+02, v32;
	_ =	sdelay $0x1  }
0x2f: {  	v32 =	vadd.f32 $8.388608000e+06, v32;
	_ =	sdelay $0x1  }
0x30: {  	v32 =	vadd.f32 $-8.388608000e+06, v32;
	_ =	sdelay $0x1  }
0x31: {  	v32 =	vtrunc.f32 v32  }
0x32: {  	v32 =	vcvt.f32.s32 v32;
	_ =	sdelay $0x1  }
0x33: {  	v33 =	vshll.u32 v32, $0x7  }
0x34: {  	v32 =	vshll.u32 v32, $0xE;
	v33 =	vand.u32 $0x380, v33  }
0x35: {  	v32 =	vand.u32 $0xFFFE0000, v32;
	v33 =	vor.u32 v33, v8  }
0x36: {  	v32 =	vor.u32 v32, v33;
	_ =	sdelay $0x4  }
0x37: {  	[tilespmem:s7], [sflag:$0x1] =	stream.indirect_vreg.gather [hbm4b:s2+s3], $0x1, v32, vm0, $0xb8;
	[tilespmem:$0x400] =	vst v63  }
0x38: {  	v32 =	vld [tilespmem:$0x10];
	_ =	sdelay $0x4  }
0x39: {  	v32 =	vmul.f32 $9.990000000e+02, v32;
	_ =	sdelay $0x1  }
0x3a: {  	v32 =	vadd.f32 $8.388608000e+06, v32;
	_ =	sdelay $0x1  }
0x3b: {  	v32 =	vadd.f32 $-8.388608000e+06, v32;
	_ =	sdelay $0x1  }
0x3c: {  	v32 =	vtrunc.f32 v32  }
0x3d: {  	v32 =	vcvt.f32.s32 v32;
	_ =	sdelay $0x1  }
0x3e: {  	v61 =	vshll.u32 v32, $0x7  }
0x3f: {  	v32 =	vshll.u32 v32, $0xE;
	v33 =	vand.u32 $0x380, v61  }
0x40: {  	v32 =	vand.u32 $0xFFFE0000, v32;
	v33 =	vor.u32 v33, v0  }
0x41: {  	v32 =	vadd.s32 v32, v33;
	_ =	sdelay $0x3  }
0x42: {  	s17 =	rddreg [dreg:$0x5]  }
0x43: {  	[tilespmem:s17], [sflag:$0x1] =	stream.indirect_vreg.gather [hbm4b:s2+s3], $0x1, v32, vm0, $0xb8;
	[tilespmem:$0x400] =	vst v63  }
0x44: {  	v32 =	vld [tilespmem:$0x20];
	_ =	sdelay $0x4  }
0x45: {  	v32 =	vmul.f32 $9.990000000e+02, v32;
	_ =	sdelay $0x1  }
0x46: {  	v32 =	vadd.f32 $8.388608000e+06, v32;
	_ =	sdelay $0x1  }
0x47: {  	v32 =	vadd.f32 $-8.388608000e+06, v32;
	_ =	sdelay $0x1  }
0x48: {  	v32 =	vtrunc.f32 v32  }
0x49: {  	v32 =	vcvt.f32.s32 v32;
	_ =	sdelay $0x1  }
0x4a: {  	v62 =	vshll.u32 v32, $0x7  }
0x4b: {  	v32 =	vshll.u32 v32, $0xE;
	v33 =	vand.u32 $0x380, v62  }
0x4c: {  	v32 =	vand.u32 $0xFFFE0000, v32;
	v33 =	vor.u32 v33, v1  }
0x4d: {  	v32 =	vadd.s32 v32, v33;
	_ =	sdelay $0x3  }
0x4e: {  	s30 =	rddreg [dreg:$0x6]  }
0x4f: {  	[tilespmem:s30], [sflag:$0x1] =	stream.indirect_vreg.gather [hbm4b:s2+s3], $0x1, v32, vm0, $0xb8;
	[tilespmem:$0x400] =	vst v63  }
0x50: {  	v32 =	vld [tilespmem:$0x30];
	_ =	sdelay $0x4  }
0x51: {  	v32 =	vmul.f32 $9.990000000e+02, v32;
	_ =	sdelay $0x1  }
0x52: {  	v32 =	vadd.f32 $8.388608000e+06, v32;
	_ =	sdelay $0x1  }
0x53: {  	v32 =	vadd.f32 $-8.388608000e+06, v32;
	_ =	sdelay $0x1  }
0x54: {  	v32 =	vtrunc.f32 v32  }
0x55: {  	v32 =	vcvt.f32.s32 v32;
	_ =	sdelay $0x1  }
0x56: {  	v63 =	vshll.u32 v32, $0x7  }
0x57: {  	v32 =	vshll.u32 v32, $0xE;
	v33 =	vand.u32 $0x380, v63  }
0x58: {  	v32 =	vand.u32 $0xFFFE0000, v32;
	v33 =	vor.u32 v33, v2  }
0x59: {  	v32 =	vadd.s32 v32, v33;
	_ =	sdelay $0x3  }
0x5a: {  	s31 =	rddreg [dreg:$0x7]  }
0x5b: {  	[tilespmem:s31], [sflag:$0x1] =	stream.indirect_vreg.gather [hbm4b:s2+s3], $0x1, v32, vm0, $0xb8;
	[tilespmem:$0x400] =	vst v63  }
0x5c: {  	v32 =	vld [tilespmem:$0x40];
	_ =	sdelay $0x4  }
0x5d: {  	v32 =	vmul.f32 $9.990000000e+02, v32;
	_ =	sdelay $0x1  }
0x5e: {  	v32 =	vadd.f32 $8.388608000e+06, v32;
	_ =	sdelay $0x1  }
0x5f: {  	v32 =	vadd.f32 $-8.388608000e+06, v32;
	_ =	sdelay $0x1  }
0x60: {  	v32 =	vtrunc.f32 v32  }
0x61: {  	v32 =	vcvt.f32.s32 v32;
	_ =	sdelay $0x1  }
0x62: {  	v36 =	vshll.u32 v32, $0x7  }
0x63: {  	v32 =	vshll.u32 v32, $0xE;
	v33 =	vand.u32 $0x380, v36  }
0x64: {  	v32 =	vand.u32 $0xFFFE0000, v32;
	v33 =	vor.u32 v33, v3  }
0x65: {  	v32 =	vadd.s32 v32, v33;
	_ =	sdelay $0x3  }
0x66: {  	s17 =	rddreg [dreg:$0x8]  }
0x67: {  	[tilespmem:s17], [sflag:$0x1] =	stream.indirect_vreg.gather [hbm4b:s2+s3], $0x1, v32, vm0, $0xb8;
	[tilespmem:$0x400] =	vst v63  }
0x68: {  	v32 =	vld [tilespmem:$0x50];
	_ =	sdelay $0x4  }
0x69: {  	v32 =	vmul.f32 $9.990000000e+02, v32;
	_ =	sdelay $0x1  }
0x6a: {  	v32 =	vadd.f32 $8.388608000e+06, v32;
	_ =	sdelay $0x1  }
0x6b: {  	v32 =	vadd.f32 $-8.388608000e+06, v32;
	_ =	sdelay $0x1  }
0x6c: {  	v32 =	vtrunc.f32 v32  }
0x6d: {  	v32 =	vcvt.f32.s32 v32;
	_ =	sdelay $0x1  }
0x6e: {  	v37 =	vshll.u32 v32, $0x7  }
0x6f: {  	v32 =	vshll.u32 v32, $0xE;
	v33 =	vand.u32 $0x380, v37  }
0x70: {  	v32 =	vand.u32 $0xFFFE0000, v32;
	v33 =	vor.u32 v33, v4  }
0x71: {  	v32 =	vadd.s32 v32, v33;
	_ =	sdelay $0x3  }
0x72: {  	s30 =	rddreg [dreg:$0x9]  }
0x73: {  	[tilespmem:s30], [sflag:$0x1] =	stream.indirect_vreg.gather [hbm4b:s2+s3], $0x1, v32, vm0, $0xb8;
	[tilespmem:$0x400] =	vst v63  }
0x74: {  	v32 =	vld [tilespmem:$0x60];
	_ =	sdelay $0x4  }
0x75: {  	v32 =	vmul.f32 $9.990000000e+02, v32;
	_ =	sdelay $0x1  }
0x76: {  	v32 =	vadd.f32 $8.388608000e+06, v32;
	_ =	sdelay $0x1  }
0x77: {  	v32 =	vadd.f32 $-8.388608000e+06, v32;
	_ =	sdelay $0x1  }
0x78: {  	v32 =	vtrunc.f32 v32  }
0x79: {  	v32 =	vcvt.f32.s32 v32;
	_ =	sdelay $0x1  }
0x7a: {  	v38 =	vshll.u32 v32, $0x7  }
0x7b: {  	v32 =	vshll.u32 v32, $0xE;
	v33 =	vand.u32 $0x380, v38  }
0x7c: {  	v32 =	vand.u32 $0xFFFE0000, v32;
	v33 =	vor.u32 v33, v5  }
0x7d: {  	v32 =	vadd.s32 v32, v33;
	_ =	sdelay $0x3  }
0x7e: {  	s31 =	rddreg [dreg:$0xa]  }
0x7f: {  	[tilespmem:s31], [sflag:$0x1] =	stream.indirect_vreg.gather [hbm4b:s2+s3], $0x1, v32, vm0, $0xb8;
	[tilespmem:$0x400] =	vst v63  }
0x80: {  	v32 =	vld [tilespmem:$0x70];
	_ =	sdelay $0x4  }
0x81: {  	v32 =	vmul.f32 $9.990000000e+02, v32;
	_ =	sdelay $0x1  }
0x82: {  	v32 =	vadd.f32 $8.388608000e+06, v32;
	_ =	sdelay $0x1  }
0x83: {  	v32 =	vadd.f32 $-8.388608000e+06, v32;
	_ =	sdelay $0x1  }
0x84: {  	v32 =	vtrunc.f32 v32  }
0x85: {  	v32 =	vcvt.f32.s32 v32;
	_ =	sdelay $0x1  }
0x86: {  	v39 =	vshll.u32 v32, $0x7  }
0x87: {  	v32 =	vshll.u32 v32, $0xE;
	v33 =	vand.u32 $0x380, v39  }
0x88: {  	v32 =	vand.u32 $0xFFFE0000, v32;
	v33 =	vor.u32 v33, v6  }
0x89: {  	v32 =	vadd.s32 v32, v33;
	_ =	sdelay $0x3  }
0x8a: {  	s17 =	rddreg [dreg:$0xb]  }
0x8b: {  	[tilespmem:s17], [sflag:$0x1] =	stream.indirect_vreg.gather [hbm4b:s2+s3], $0x1, v32, vm0, $0xb8;
	[tilespmem:$0x400] =	vst v63  }
0x8c: {  	v32 =	vld [tilespmem:$0x80];
	_ =	sdelay $0x4  }
0x8d: {  	v32 =	vmul.f32 $9.990000000e+02, v32;
	_ =	sdelay $0x1  }
0x8e: {  	v32 =	vadd.f32 $8.388608000e+06, v32;
	_ =	sdelay $0x1  }
0x8f: {  	v32 =	vadd.f32 $-8.388608000e+06, v32;
	_ =	sdelay $0x1  }
0x90: {  	v32 =	vtrunc.f32 v32  }
0x91: {  	v32 =	vcvt.f32.s32 v32;
	_ =	sdelay $0x1  }
0x92: {  	v40 =	vshll.u32 v32, $0x7  }
0x93: {  	v32 =	vshll.u32 v32, $0xE;
	v33 =	vand.u32 $0x380, v40  }
0x94: {  	v32 =	vand.u32 $0xFFFE0000, v32;
	v33 =	vor.u32 v33, v7  }
0x95: {  	v32 =	vadd.s32 v32, v33;
	_ =	sdelay $0x4  }
0x96: {  	[tilespmem:s8], [sflag:$0x2] =	stream.indirect_vreg.gather [hbm4b:s2+s3], $0x1, v32, vm0, $0xb8;
	[tilespmem:$0x400] =	vst v63  }
0x97: {  	v32 =	vld [tilespmem:$0x90];
	_ =	sdelay $0x4  }
0x98: {  	v32 =	vmul.f32 $9.990000000e+02, v32;
	_ =	sdelay $0x1  }
0x99: {  	v32 =	vadd.f32 $8.388608000e+06, v32;
	_ =	sdelay $0x1  }
0x9a: {  	v32 =	vadd.f32 $-8.388608000e+06, v32;
	_ =	sdelay $0x1  }
0x9b: {  	v32 =	vtrunc.f32 v32  }
0x9c: {  	v32 =	vcvt.f32.s32 v32;
	_ =	sdelay $0x1  }
0x9d: {  	v41 =	vshll.u32 v32, $0x7  }
0x9e: {  	v32 =	vshll.u32 v32, $0xE;
	v33 =	vand.u32 $0x380, v41  }
0x9f: {  	v32 =	vand.u32 $0xFFFE0000, v32;
	v33 =	vor.u32 v33, v9  }
0xa0: {  	v32 =	vadd.s32 v32, v33;
	_ =	sdelay $0x3  }
0xa1: {  	s30 =	rddreg [dreg:$0xc]  }
0xa2: {  	[tilespmem:s30], [sflag:$0x2] =	stream.indirect_vreg.gather [hbm4b:s2+s3], $0x1, v32, vm0, $0xb8;
	[tilespmem:$0x400] =	vst v63  }
0xa3: {  	v32 =	vld [tilespmem:$0xA0];
	_ =	sdelay $0x4  }
0xa4: {  	v32 =	vmul.f32 $9.990000000e+02, v32;
	_ =	sdelay $0x1  }
0xa5: {  	v32 =	vadd.f32 $8.388608000e+06, v32;
	_ =	sdelay $0x1  }
0xa6: {  	v32 =	vadd.f32 $-8.388608000e+06, v32;
	_ =	sdelay $0x1  }
0xa7: {  	v32 =	vtrunc.f32 v32  }
0xa8: {  	v32 =	vcvt.f32.s32 v32;
	_ =	sdelay $0x1  }
0xa9: {  	v42 =	vshll.u32 v32, $0x7  }
0xaa: {  	v32 =	vshll.u32 v32, $0xE;
	v33 =	vand.u32 $0x380, v42  }
0xab: {  	v32 =	vand.u32 $0xFFFE0000, v32;
	v33 =	vor.u32 v33, v10  }
0xac: {  	v32 =	vadd.s32 v32, v33;
	_ =	sdelay $0x3  }
0xad: {  	s31 =	rddreg [dreg:$0xd]  }
0xae: {  	[tilespmem:s31], [sflag:$0x2] =	stream.indirect_vreg.gather [hbm4b:s2+s3], $0x1, v32, vm0, $0xb8;
	[tilespmem:$0x400] =	vst v63  }
0xaf: {  	v32 =	vld [tilespmem:$0xB0];
	_ =	sdelay $0x4  }
0xb0: {  	v32 =	vmul.f32 $9.990000000e+02, v32;
	_ =	sdelay $0x1  }
0xb1: {  	v32 =	vadd.f32 $8.388608000e+06, v32;
	_ =	sdelay $0x1  }
0xb2: {  	v32 =	vadd.f32 $-8.388608000e+06, v32;
	_ =	sdelay $0x1  }
0xb3: {  	v32 =	vtrunc.f32 v32  }
0xb4: {  	v32 =	vcvt.f32.s32 v32;
	_ =	sdelay $0x1  }
0xb5: {  	v43 =	vshll.u32 v32, $0x7  }
0xb6: {  	v32 =	vshll.u32 v32, $0xE;
	v33 =	vand.u32 $0x380, v43  }
0xb7: {  	v32 =	vand.u32 $0xFFFE0000, v32;
	v33 =	vor.u32 v33, v11  }
0xb8: {  	v32 =	vadd.s32 v32, v33;
	_ =	sdelay $0x3  }
0xb9: {  	s17 =	rddreg [dreg:$0xe]  }
0xba: {  	[tilespmem:s17], [sflag:$0x2] =	stream.indirect_vreg.gather [hbm4b:s2+s3], $0x1, v32, vm0, $0xb8;
	[tilespmem:$0x400] =	vst v63  }
0xbb: {  	v32 =	vld [tilespmem:$0xC0];
	_ =	sdelay $0x4  }
0xbc: {  	v32 =	vmul.f32 $9.990000000e+02, v32;
	_ =	sdelay $0x1  }
0xbd: {  	v32 =	vadd.f32 $8.388608000e+06, v32;
	_ =	sdelay $0x1  }
0xbe: {  	v32 =	vadd.f32 $-8.388608000e+06, v32;
	_ =	sdelay $0x1  }
0xbf: {  	v32 =	vtrunc.f32 v32  }
0xc0: {  	v32 =	vcvt.f32.s32 v32;
	_ =	sdelay $0x1  }
0xc1: {  	v44 =	vshll.u32 v32, $0x7  }
0xc2: {  	v32 =	vshll.u32 v32, $0xE;
	v33 =	vand.u32 $0x380, v44  }
0xc3: {  	v32 =	vand.u32 $0xFFFE0000, v32;
	v33 =	vor.u32 v33, v12  }
0xc4: {  	v32 =	vadd.s32 v32, v33;
	_ =	sdelay $0x3  }
0xc5: {  	s30 =	rddreg [dreg:$0xf]  }
0xc6: {  	[tilespmem:s30], [sflag:$0x2] =	stream.indirect_vreg.gather [hbm4b:s2+s3], $0x1, v32, vm0, $0xb8;
	[tilespmem:$0x400] =	vst v63  }
0xc7: {  	v32 =	vld [tilespmem:$0xD0];
	_ =	sdelay $0x4  }
0xc8: {  	v32 =	vmul.f32 $9.990000000e+02, v32;
	_ =	sdelay $0x1  }
0xc9: {  	v32 =	vadd.f32 $8.388608000e+06, v32;
	_ =	sdelay $0x1  }
0xca: {  	v32 =	vadd.f32 $-8.388608000e+06, v32;
	_ =	sdelay $0x1  }
0xcb: {  	v32 =	vtrunc.f32 v32  }
0xcc: {  	v32 =	vcvt.f32.s32 v32;
	_ =	sdelay $0x1  }
0xcd: {  	v45 =	vshll.u32 v32, $0x7  }
0xce: {  	v32 =	vshll.u32 v32, $0xE;
	v33 =	vand.u32 $0x380, v45  }
0xcf: {  	v32 =	vand.u32 $0xFFFE0000, v32;
	v33 =	vor.u32 v33, v13  }
0xd0: {  	v32 =	vadd.s32 v32, v33;
	_ =	sdelay $0x3  }
0xd1: {  	s31 =	rddreg [dreg:$0x10]  }
0xd2: {  	[tilespmem:s31], [sflag:$0x2] =	stream.indirect_vreg.gather [hbm4b:s2+s3], $0x1, v32, vm0, $0xb8;
	[tilespmem:$0x400] =	vst v63  }
0xd3: {  	v32 =	vld [tilespmem:$0xE0];
	_ =	sdelay $0x4  }
0xd4: {  	v32 =	vmul.f32 $9.990000000e+02, v32;
	_ =	sdelay $0x1  }
0xd5: {  	v32 =	vadd.f32 $8.388608000e+06, v32;
	_ =	sdelay $0x1  }
0xd6: {  	v32 =	vadd.f32 $-8.388608000e+06, v32;
	_ =	sdelay $0x1  }
0xd7: {  	v32 =	vtrunc.f32 v32  }
0xd8: {  	v32 =	vcvt.f32.s32 v32;
	_ =	sdelay $0x1  }
0xd9: {  	v46 =	vshll.u32 v32, $0x7  }
0xda: {  	v32 =	vshll.u32 v32, $0xE;
	v33 =	vand.u32 $0x380, v46  }
0xdb: {  	v32 =	vand.u32 $0xFFFE0000, v32;
	v33 =	vor.u32 v33, v14  }
0xdc: {  	v32 =	vadd.s32 v32, v33;
	_ =	sdelay $0x3  }
0xdd: {  	s17 =	rddreg [dreg:$0x11]  }
0xde: {  	[tilespmem:s17], [sflag:$0x2] =	stream.indirect_vreg.gather [hbm4b:s2+s3], $0x1, v32, vm0, $0xb8;
	[tilespmem:$0x400] =	vst v63  }
0xdf: {  	v32 =	vld [tilespmem:$0xF0];
	_ =	sdelay $0x4  }
0xe0: {  	v32 =	vmul.f32 $9.990000000e+02, v32;
	_ =	sdelay $0x1  }
0xe1: {  	v32 =	vadd.f32 $8.388608000e+06, v32;
	_ =	sdelay $0x1  }
0xe2: {  	v32 =	vadd.f32 $-8.388608000e+06, v32;
	_ =	sdelay $0x1  }
0xe3: {  	v32 =	vtrunc.f32 v32  }
0xe4: {  	v32 =	vcvt.f32.s32 v32;
	_ =	sdelay $0x1  }
0xe5: {  	v47 =	vshll.u32 v32, $0x7  }
0xe6: {  	v32 =	vshll.u32 v32, $0xE;
	v33 =	vand.u32 $0x380, v47  }
0xe7: {  	v32 =	vand.u32 $0xFFFE0000, v32;
	v33 =	vor.u32 v33, v15  }
0xe8: {  	v32 =	vadd.s32 v32, v33;
	_ =	sdelay $0x3  }
0xe9: {  	s30 =	rddreg [dreg:$0x12]  }
0xea: {  	[tilespmem:s30], [sflag:$0x2] =	stream.indirect_vreg.gather [hbm4b:s2+s3], $0x1, v32, vm0, $0xb8;
	[tilespmem:$0x400] =	vst v63  }
0xeb: {  	v32 =	vld [tilespmem:$0x100];
	_ =	sdelay $0x4  }
0xec: {  	v32 =	vmul.f32 $9.990000000e+02, v32;
	_ =	sdelay $0x1  }
0xed: {  	v32 =	vadd.f32 $8.388608000e+06, v32;
	_ =	sdelay $0x1  }
0xee: {  	v32 =	vadd.f32 $-8.388608000e+06, v32;
	_ =	sdelay $0x1  }
0xef: {  	v32 =	vtrunc.f32 v32  }
0xf0: {  	v32 =	vcvt.f32.s32 v32;
	_ =	sdelay $0x1  }
0xf1: {  	v48 =	vshll.u32 v32, $0x7  }
0xf2: {  	v32 =	vshll.u32 v32, $0xE;
	v33 =	vand.u32 $0x380, v48  }
0xf3: {  	v32 =	vand.u32 $0xFFFE0000, v32;
	v33 =	vor.u32 v33, v16  }
0xf4: {  	v32 =	vadd.s32 v32, v33;
	_ =	sdelay $0x4  }
0xf5: {  	[tilespmem:s9], [sflag:$0x3] =	stream.indirect_vreg.gather [hbm4b:s2+s3], $0x1, v32, vm0, $0xb8;
	[tilespmem:$0x400] =	vst v63  }
0xf6: {  	v32 =	vld [tilespmem:$0x110];
	_ =	sdelay $0x4  }
0xf7: {  	v32 =	vmul.f32 $9.990000000e+02, v32;
	_ =	sdelay $0x1  }
0xf8: {  	v32 =	vadd.f32 $8.388608000e+06, v32;
	_ =	sdelay $0x1  }
0xf9: {  	v32 =	vadd.f32 $-8.388608000e+06, v32;
	_ =	sdelay $0x1  }
0xfa: {  	v32 =	vtrunc.f32 v32  }
0xfb: {  	v32 =	vcvt.f32.s32 v32;
	_ =	sdelay $0x1  }
0xfc: {  	v49 =	vshll.u32 v32, $0x7  }
0xfd: {  	v32 =	vshll.u32 v32, $0xE;
	v33 =	vand.u32 $0x380, v49  }
0xfe: {  	v32 =	vand.u32 $0xFFFE0000, v32;
	v33 =	vor.u32 v33, v17  }
0xff: {  	v32 =	vadd.s32 v32, v33;
	_ =	sdelay $0x3  }
0x100: {  	s31 =	rddreg [dreg:$0x13]  }
0x101: {  	[tilespmem:s31], [sflag:$0x3] =	stream.indirect_vreg.gather [hbm4b:s2+s3], $0x1, v32, vm0, $0xb8;
	[tilespmem:$0x400] =	vst v63  }
0x102: {  	v32 =	vld [tilespmem:$0x120];
	_ =	sdelay $0x4  }
0x103: {  	v32 =	vmul.f32 $9.990000000e+02, v32;
	_ =	sdelay $0x1  }
0x104: {  	v32 =	vadd.f32 $8.388608000e+06, v32;
	_ =	sdelay $0x1  }
0x105: {  	v32 =	vadd.f32 $-8.388608000e+06, v32;
	_ =	sdelay $0x1  }
0x106: {  	v32 =	vtrunc.f32 v32  }
0x107: {  	v32 =	vcvt.f32.s32 v32;
	_ =	sdelay $0x1  }
0x108: {  	v50 =	vshll.u32 v32, $0x7  }
0x109: {  	v32 =	vshll.u32 v32, $0xE;
	v33 =	vand.u32 $0x380, v50  }
0x10a: {  	v32 =	vand.u32 $0xFFFE0000, v32;
	v33 =	vor.u32 v33, v18  }
0x10b: {  	v32 =	vadd.s32 v32, v33;
	_ =	sdelay $0x4  }
0x10c: {  	[tilespmem:s10], [sflag:$0x3] =	stream.indirect_vreg.gather [hbm4b:s2+s3], $0x1, v32, vm0, $0xb8;
	[tilespmem:$0x400] =	vst v63  }
0x10d: {  	v32 =	vld [tilespmem:$0x130];
	_ =	sdelay $0x4  }
0x10e: {  	v32 =	vmul.f32 $9.990000000e+02, v32;
	_ =	sdelay $0x1  }
0x10f: {  	v32 =	vadd.f32 $8.388608000e+06, v32;
	_ =	sdelay $0x1  }
0x110: {  	v32 =	vadd.f32 $-8.388608000e+06, v32;
	_ =	sdelay $0x1  }
0x111: {  	v32 =	vtrunc.f32 v32  }
0x112: {  	v32 =	vcvt.f32.s32 v32;
	_ =	sdelay $0x1  }
0x113: {  	v51 =	vshll.u32 v32, $0x7  }
0x114: {  	v32 =	vshll.u32 v32, $0xE;
	v33 =	vand.u32 $0x380, v51  }
0x115: {  	v32 =	vand.u32 $0xFFFE0000, v32;
	v33 =	vor.u32 v33, v19  }
0x116: {  	v32 =	vadd.s32 v32, v33;
	_ =	sdelay $0x4  }
0x117: {  	[tilespmem:s11], [sflag:$0x3] =	stream.indirect_vreg.gather [hbm4b:s2+s3], $0x1, v32, vm0, $0xb8;
	[tilespmem:$0x400] =	vst v63  }
0x118: {  	v32 =	vld [tilespmem:$0x140];
	_ =	sdelay $0x4  }
0x119: {  	v32 =	vmul.f32 $9.990000000e+02, v32;
	_ =	sdelay $0x1  }
0x11a: {  	v32 =	vadd.f32 $8.388608000e+06, v32;
	_ =	sdelay $0x1  }
0x11b: {  	v32 =	vadd.f32 $-8.388608000e+06, v32;
	_ =	sdelay $0x1  }
0x11c: {  	v32 =	vtrunc.f32 v32  }
0x11d: {  	v32 =	vcvt.f32.s32 v32;
	_ =	sdelay $0x1  }
0x11e: {  	v52 =	vshll.u32 v32, $0x7  }
0x11f: {  	v32 =	vshll.u32 v32, $0xE;
	v33 =	vand.u32 $0x380, v52  }
0x120: {  	v32 =	vand.u32 $0xFFFE0000, v32;
	v33 =	vor.u32 v33, v20  }
0x121: {  	v32 =	vadd.s32 v32, v33;
	_ =	sdelay $0x4  }
0x122: {  	[tilespmem:s12], [sflag:$0x3] =	stream.indirect_vreg.gather [hbm4b:s2+s3], $0x1, v32, vm0, $0xb8;
	[tilespmem:$0x400] =	vst v63  }
0x123: {  	v32 =	vld [tilespmem:$0x150];
	_ =	sdelay $0x4  }
0x124: {  	v32 =	vmul.f32 $9.990000000e+02, v32;
	_ =	sdelay $0x1  }
0x125: {  	v32 =	vadd.f32 $8.388608000e+06, v32;
	_ =	sdelay $0x1  }
0x126: {  	v32 =	vadd.f32 $-8.388608000e+06, v32;
	_ =	sdelay $0x1  }
0x127: {  	v32 =	vtrunc.f32 v32  }
0x128: {  	v32 =	vcvt.f32.s32 v32;
	_ =	sdelay $0x1  }
0x129: {  	v53 =	vshll.u32 v32, $0x7  }
0x12a: {  	v32 =	vshll.u32 v32, $0xE;
	v33 =	vand.u32 $0x380, v53  }
0x12b: {  	v32 =	vand.u32 $0xFFFE0000, v32;
	v33 =	vor.u32 v33, v21  }
0x12c: {  	v32 =	vadd.s32 v32, v33;
	_ =	sdelay $0x4  }
0x12d: {  	[tilespmem:s13], [sflag:$0x3] =	stream.indirect_vreg.gather [hbm4b:s2+s3], $0x1, v32, vm0, $0xb8;
	[tilespmem:$0x400] =	vst v63  }
0x12e: {  	v32 =	vld [tilespmem:$0x160];
	_ =	sdelay $0x4  }
0x12f: {  	v32 =	vmul.f32 $9.990000000e+02, v32;
	_ =	sdelay $0x1  }
0x130: {  	v32 =	vadd.f32 $8.388608000e+06, v32;
	_ =	sdelay $0x1  }
0x131: {  	v32 =	vadd.f32 $-8.388608000e+06, v32;
	_ =	sdelay $0x1  }
0x132: {  	v32 =	vtrunc.f32 v32  }
0x133: {  	v32 =	vcvt.f32.s32 v32;
	_ =	sdelay $0x1  }
0x134: {  	v54 =	vshll.u32 v32, $0x7  }
0x135: {  	v32 =	vshll.u32 v32, $0xE;
	v33 =	vand.u32 $0x380, v54  }
0x136: {  	v32 =	vand.u32 $0xFFFE0000, v32;
	v33 =	vor.u32 v33, v22  }
0x137: {  	v32 =	vadd.s32 v32, v33;
	_ =	sdelay $0x4  }
0x138: {  	[tilespmem:s14], [sflag:$0x3] =	stream.indirect_vreg.gather [hbm4b:s2+s3], $0x1, v32, vm0, $0xb8;
	[tilespmem:$0x400] =	vst v63  }
0x139: {  	v32 =	vld [tilespmem:$0x170];
	_ =	sdelay $0x4  }
0x13a: {  	v32 =	vmul.f32 $9.990000000e+02, v32;
	_ =	sdelay $0x1  }
0x13b: {  	v32 =	vadd.f32 $8.388608000e+06, v32;
	_ =	sdelay $0x1  }
0x13c: {  	v32 =	vadd.f32 $-8.388608000e+06, v32;
	_ =	sdelay $0x1  }
0x13d: {  	v32 =	vtrunc.f32 v32  }
0x13e: {  	v32 =	vcvt.f32.s32 v32;
	_ =	sdelay $0x1  }
0x13f: {  	v55 =	vshll.u32 v32, $0x7  }
0x140: {  	v32 =	vshll.u32 v32, $0xE;
	v33 =	vand.u32 $0x380, v55  }
0x141: {  	v32 =	vand.u32 $0xFFFE0000, v32;
	v33 =	vor.u32 v33, v23  }
0x142: {  	v32 =	vadd.s32 v32, v33;
	_ =	sdelay $0x4  }
0x143: {  	[tilespmem:s15], [sflag:$0x3] =	stream.indirect_vreg.gather [hbm4b:s2+s3], $0x1, v32, vm0, $0xb8;
	[tilespmem:$0x400] =	vst v63  }
0x144: {  	v32 =	vld [tilespmem:$0x180];
	_ =	sdelay $0x4  }
0x145: {  	v32 =	vmul.f32 $9.990000000e+02, v32;
	_ =	sdelay $0x1  }
0x146: {  	v32 =	vadd.f32 $8.388608000e+06, v32;
	_ =	sdelay $0x1  }
0x147: {  	v32 =	vadd.f32 $-8.388608000e+06, v32;
	_ =	sdelay $0x1  }
0x148: {  	v32 =	vtrunc.f32 v32  }
0x149: {  	v32 =	vcvt.f32.s32 v32;
	_ =	sdelay $0x1  }
0x14a: {  	v56 =	vshll.u32 v32, $0x7  }
0x14b: {  	v32 =	vshll.u32 v32, $0xE;
	v33 =	vand.u32 $0x380, v56  }
0x14c: {  	v32 =	vand.u32 $0xFFFE0000, v32;
	v33 =	vor.u32 v33, v24  }
0x14d: {  	v32 =	vadd.s32 v32, v33;
	_ =	sdelay $0x4  }
0x14e: {  	[tilespmem:s16], [sflag:$0x4] =	stream.indirect_vreg.gather [hbm4b:s2+s3], $0x1, v32, vm0, $0xb8;
	[tilespmem:$0x400] =	vst v63  }
0x14f: {  	v32 =	vld [tilespmem:$0x190];
	_ =	sdelay $0x4  }
0x150: {  	v32 =	vmul.f32 $9.990000000e+02, v32;
	_ =	sdelay $0x1  }
0x151: {  	v32 =	vadd.f32 $8.388608000e+06, v32;
	_ =	sdelay $0x1  }
0x152: {  	v32 =	vadd.f32 $-8.388608000e+06, v32;
	_ =	sdelay $0x1  }
0x153: {  	v32 =	vtrunc.f32 v32  }
0x154: {  	v32 =	vcvt.f32.s32 v32;
	_ =	sdelay $0x1  }
0x155: {  	v57 =	vshll.u32 v32, $0x7  }
0x156: {  	v32 =	vshll.u32 v32, $0xE;
	v33 =	vand.u32 $0x380, v57  }
0x157: {  	v32 =	vand.u32 $0xFFFE0000, v32;
	v33 =	vor.u32 v33, v25  }
0x158: {  	v32 =	vadd.s32 v32, v33;
	_ =	sdelay $0x4  }
0x159: {  	[tilespmem:s0], [sflag:$0x4] =	stream.indirect_vreg.gather [hbm4b:s2+s3], $0x1, v32, vm0, $0xb8;
	[tilespmem:$0x400] =	vst v63  }
0x15a: {  	v32 =	vld [tilespmem:$0x1A0];
	_ =	sdelay $0x4  }
0x15b: {  	v32 =	vmul.f32 $9.990000000e+02, v32;
	_ =	sdelay $0x1  }
0x15c: {  	v32 =	vadd.f32 $8.388608000e+06, v32;
	_ =	sdelay $0x1  }
0x15d: {  	v32 =	vadd.f32 $-8.388608000e+06, v32;
	_ =	sdelay $0x1  }
0x15e: {  	v32 =	vtrunc.f32 v32  }
0x15f: {  	v32 =	vcvt.f32.s32 v32;
	_ =	sdelay $0x1  }
0x160: {  	v58 =	vshll.u32 v32, $0x7  }
0x161: {  	v32 =	vshll.u32 v32, $0xE;
	v33 =	vand.u32 $0x380, v58  }
0x162: {  	v32 =	vand.u32 $0xFFFE0000, v32;
	v33 =	vor.u32 v33, v26  }
0x163: {  	v32 =	vadd.s32 v32, v33;
	_ =	sdelay $0x4  }
0x164: {  	[tilespmem:s18], [sflag:$0x4] =	stream.indirect_vreg.gather [hbm4b:s2+s3], $0x1, v32, vm0, $0xb8;
	[tilespmem:$0x400] =	vst v63  }
0x165: {  	v32 =	vld [tilespmem:$0x1B0];
	_ =	sdelay $0x4  }
0x166: {  	v32 =	vmul.f32 $9.990000000e+02, v32;
	_ =	sdelay $0x1  }
0x167: {  	v32 =	vadd.f32 $8.388608000e+06, v32;
	_ =	sdelay $0x1  }
0x168: {  	v32 =	vadd.f32 $-8.388608000e+06, v32;
	_ =	sdelay $0x1  }
0x169: {  	v32 =	vtrunc.f32 v32  }
0x16a: {  	v32 =	vcvt.f32.s32 v32;
	_ =	sdelay $0x1  }
0x16b: {  	v59 =	vshll.u32 v32, $0x7  }
0x16c: {  	v32 =	vshll.u32 v32, $0xE;
	v33 =	vand.u32 $0x380, v59  }
0x16d: {  	v32 =	vand.u32 $0xFFFE0000, v32;
	v33 =	vor.u32 v33, v27  }
0x16e: {  	v32 =	vadd.s32 v32, v33;
	_ =	sdelay $0x4  }
0x16f: {  	[tilespmem:s19], [sflag:$0x4] =	stream.indirect_vreg.gather [hbm4b:s2+s3], $0x1, v32, vm0, $0xb8;
	[tilespmem:$0x400] =	vst v63  }
0x170: {  	v32 =	vld [tilespmem:$0x1C0];
	_ =	sdelay $0x4  }
0x171: {  	v32 =	vmul.f32 $9.990000000e+02, v32;
	_ =	sdelay $0x1  }
0x172: {  	v32 =	vadd.f32 $8.388608000e+06, v32;
	_ =	sdelay $0x1  }
0x173: {  	v32 =	vadd.f32 $-8.388608000e+06, v32;
	_ =	sdelay $0x1  }
0x174: {  	v32 =	vtrunc.f32 v32  }
0x175: {  	v32 =	vcvt.f32.s32 v32;
	_ =	sdelay $0x1  }
0x176: {  	v60 =	vshll.u32 v32, $0x7  }
0x177: {  	v32 =	vshll.u32 v32, $0xE;
	v33 =	vand.u32 $0x380, v60  }
0x178: {  	v32 =	vand.u32 $0xFFFE0000, v32;
	v33 =	vor.u32 v33, v28  }
0x179: {  	v32 =	vadd.s32 v32, v33;
	_ =	sdelay $0x4  }
0x17a: {  	[tilespmem:s20], [sflag:$0x4] =	stream.indirect_vreg.gather [hbm4b:s2+s3], $0x1, v32, vm0, $0xb8;
	[tilespmem:$0x400] =	vst v63  }
0x17b: {  	v32 =	vld [tilespmem:$0x1D0];
	_ =	sdelay $0x4  }
0x17c: {  	v32 =	vmul.f32 $9.990000000e+02, v32;
	_ =	sdelay $0x1  }
0x17d: {  	v32 =	vadd.f32 $8.388608000e+06, v32;
	_ =	sdelay $0x1  }
0x17e: {  	v32 =	vadd.f32 $-8.388608000e+06, v32;
	_ =	sdelay $0x1  }
0x17f: {  	v32 =	vtrunc.f32 v32  }
0x180: {  	v32 =	vcvt.f32.s32 v32;
	_ =	sdelay $0x1  }
0x181: {  	v61 =	vshll.u32 v32, $0x7  }
0x182: {  	v32 =	vshll.u32 v32, $0xE;
	v33 =	vand.u32 $0x380, v61  }
0x183: {  	v32 =	vand.u32 $0xFFFE0000, v32;
	v33 =	vor.u32 v33, v29  }
0x184: {  	v32 =	vadd.s32 v32, v33;
	_ =	sdelay $0x4  }
0x185: {  	[tilespmem:s21], [sflag:$0x4] =	stream.indirect_vreg.gather [hbm4b:s2+s3], $0x1, v32, vm0, $0xb8;
	[tilespmem:$0x400] =	vst v63  }
0x186: {  	v32 =	vld [tilespmem:$0x1E0];
	_ =	sdelay $0x4  }
0x187: {  	v32 =	vmul.f32 $9.990000000e+02, v32;
	_ =	sdelay $0x1  }
0x188: {  	v32 =	vadd.f32 $8.388608000e+06, v32;
	_ =	sdelay $0x1  }
0x189: {  	v32 =	vadd.f32 $-8.388608000e+06, v32;
	_ =	sdelay $0x1  }
0x18a: {  	v32 =	vtrunc.f32 v32  }
0x18b: {  	v32 =	vcvt.f32.s32 v32;
	_ =	sdelay $0x1  }
0x18c: {  	v62 =	vshll.u32 v32, $0x7  }
0x18d: {  	v32 =	vshll.u32 v32, $0xE;
	v33 =	vand.u32 $0x380, v62  }
0x18e: {  	v32 =	vand.u32 $0xFFFE0000, v32;
	v33 =	vor.u32 v33, v30  }
0x18f: {  	v32 =	vadd.s32 v32, v33;
	_ =	sdelay $0x4  }
0x190: {  	[tilespmem:s22], [sflag:$0x4] =	stream.indirect_vreg.gather [hbm4b:s2+s3], $0x1, v32, vm0, $0xb8;
	[tilespmem:$0x400] =	vst v63  }
0x191: {  	v32 =	vld [tilespmem:$0x1F0];
	_ =	sdelay $0x4  }
0x192: {  	v32 =	vmul.f32 $9.990000000e+02, v32;
	_ =	sdelay $0x1  }
0x193: {  	v32 =	vadd.f32 $8.388608000e+06, v32;
	_ =	sdelay $0x1  }
0x194: {  	v32 =	vadd.f32 $-8.388608000e+06, v32;
	_ =	sdelay $0x1  }
0x195: {  	v32 =	vtrunc.f32 v32  }
0x196: {  	v32 =	vcvt.f32.s32 v32;
	_ =	sdelay $0x1  }
0x197: {  	v63 =	vshll.u32 v32, $0x7  }
0x198: {  	v32 =	vshll.u32 v32, $0xE;
	v33 =	vand.u32 $0x380, v63  }
0x199: {  	v32 =	vand.u32 $0xFFFE0000, v32;
	v33 =	vor.u32 v33, v31  }
0x19a: {  	v32 =	vadd.s32 v32, v33;
	_ =	sdelay $0x4  }
0x19b: {  	[tilespmem:s23], [sflag:$0x4] =	stream.indirect_vreg.gather [hbm4b:s2+s3], $0x1, v32, vm0, $0xb8;
	[tilespmem:$0x400] =	vst v63  }
0x19c: {  	_ =	swait.ge [sflag:s24], $0x10  }
0x19d: {  	[sflag:s24] =	ssyncset.done $0x0  }
0x19e: {  	[sflag:s24] =	ssyncadd.s32 $0xFFFFFFF0  }
0x19f: {  	_ =	swait.ge [sflag:s24], $0x10  }
0x1a0: {  	[sflag:s24] =	ssyncset.done $0x0  }
0x1a1: {  	[sflag:s24] =	ssyncadd.s32 $0xFFFFFFF0  }
0x1a2: {  	_ =	swait.ge [sflag:s24], $0x10  }
0x1a3: {  	[sflag:s24] =	ssyncset.done $0x0  }
0x1a4: {  	[sflag:s24] =	ssyncadd.s32 $0xFFFFFFF0  }
0x1a5: {  	_ =	swait.ge [sflag:s24], $0x10  }
0x1a6: {  	[sflag:s24] =	ssyncset.done $0x0  }
0x1a7: {  	[sflag:s24] =	ssyncadd.s32 $0xFFFFFFF0  }
0x1a8: {  	_ =	swait.ge [sflag:s24], $0x10  }
0x1a9: {  	[sflag:s24] =	ssyncset.done $0x0  }
0x1aa: {  	[sflag:s24] =	ssyncadd.s32 $0xFFFFFFF0  }
0x1ab: {  	_ =	swait.ge [sflag:s24], $0x10  }
0x1ac: {  	[sflag:s24] =	ssyncset.done $0x0  }
0x1ad: {  	[sflag:s24] =	ssyncadd.s32 $0xFFFFFFF0  }
0x1ae: {  	_ =	swait.ge [sflag:s24], $0x10  }
0x1af: {  	[sflag:s24] =	ssyncset.done $0x0  }
0x1b0: {  	[sflag:s24] =	ssyncadd.s32 $0xFFFFFFF0  }
0x1b1: {  	_ =	swait.ge [sflag:s24], $0x10  }
0x1b2: {  	[sflag:s24] =	ssyncset.done $0x0  }
0x1b3: {  	[sflag:s24] =	ssyncadd.s32 $0xFFFFFFF0  }
0x1b4: {  	[hbm4b:s4+s3] =	stream.linear.scatter [tilespmem:s7], [sflag:$0x5], $0x80, $0x38;
	[tilespmem:$0x400] =	vst v63  }
0x1b5: {  	_ =	swait.ge [sflag:s25], $0x10  }
0x1b6: {  	[sflag:s25] =	ssyncset.done $0x0  }
0x1b7: {  	[sflag:s25] =	ssyncadd.s32 $0xFFFFFFF0  }
0x1b8: {  	_ =	swait.ge [sflag:s25], $0x10  }
0x1b9: {  	[sflag:s25] =	ssyncset.done $0x0  }
0x1ba: {  	[sflag:s25] =	ssyncadd.s32 $0xFFFFFFF0  }
0x1bb: {  	_ =	swait.ge [sflag:s25], $0x10  }
0x1bc: {  	[sflag:s25] =	ssyncset.done $0x0  }
0x1bd: {  	[sflag:s25] =	ssyncadd.s32 $0xFFFFFFF0  }
0x1be: {  	_ =	swait.ge [sflag:s25], $0x10  }
0x1bf: {  	[sflag:s25] =	ssyncset.done $0x0  }
0x1c0: {  	[sflag:s25] =	ssyncadd.s32 $0xFFFFFFF0  }
0x1c1: {  	_ =	swait.ge [sflag:s25], $0x10  }
0x1c2: {  	[sflag:s25] =	ssyncset.done $0x0  }
0x1c3: {  	[sflag:s25] =	ssyncadd.s32 $0xFFFFFFF0  }
0x1c4: {  	_ =	swait.ge [sflag:s25], $0x10  }
0x1c5: {  	[sflag:s25] =	ssyncset.done $0x0  }
0x1c6: {  	[sflag:s25] =	ssyncadd.s32 $0xFFFFFFF0  }
0x1c7: {  	_ =	swait.ge [sflag:s25], $0x10  }
0x1c8: {  	[sflag:s25] =	ssyncset.done $0x0  }
0x1c9: {  	[sflag:s25] =	ssyncadd.s32 $0xFFFFFFF0  }
0x1ca: {  	_ =	swait.ge [sflag:s25], $0x10  }
0x1cb: {  	[sflag:s25] =	ssyncset.done $0x0  }
0x1cc: {  	s17 =	sadd.s32 $0x10, s4;
	[sflag:s25] =	ssyncadd.s32 $0xFFFFFFF0  }
0x1cd: {  	[hbm4b:s17+s3] =	stream.linear.scatter [tilespmem:s8], [sflag:$0x5], $0x80, $0x38;
	[tilespmem:$0x400] =	vst v63  }
0x1ce: {  	_ =	swait.ge [sflag:s26], $0x10  }
0x1cf: {  	[sflag:s26] =	ssyncset.done $0x0  }
0x1d0: {  	[sflag:s26] =	ssyncadd.s32 $0xFFFFFFF0  }
0x1d1: {  	_ =	swait.ge [sflag:s26], $0x10  }
0x1d2: {  	[sflag:s26] =	ssyncset.done $0x0  }
0x1d3: {  	[sflag:s26] =	ssyncadd.s32 $0xFFFFFFF0  }
0x1d4: {  	_ =	swait.ge [sflag:s26], $0x10  }
0x1d5: {  	[sflag:s26] =	ssyncset.done $0x0  }
0x1d6: {  	[sflag:s26] =	ssyncadd.s32 $0xFFFFFFF0  }
0x1d7: {  	_ =	swait.ge [sflag:s26], $0x10  }
0x1d8: {  	[sflag:s26] =	ssyncset.done $0x0  }
0x1d9: {  	[sflag:s26] =	ssyncadd.s32 $0xFFFFFFF0  }
0x1da: {  	_ =	swait.ge [sflag:s26], $0x10  }
0x1db: {  	[sflag:s26] =	ssyncset.done $0x0  }
0x1dc: {  	[sflag:s26] =	ssyncadd.s32 $0xFFFFFFF0  }
0x1dd: {  	_ =	swait.ge [sflag:s26], $0x10  }
0x1de: {  	[sflag:s26] =	ssyncset.done $0x0  }
0x1df: {  	[sflag:s26] =	ssyncadd.s32 $0xFFFFFFF0  }
0x1e0: {  	_ =	swait.ge [sflag:s26], $0x10  }
0x1e1: {  	[sflag:s26] =	ssyncset.done $0x0  }
0x1e2: {  	[sflag:s26] =	ssyncadd.s32 $0xFFFFFFF0  }
0x1e3: {  	_ =	swait.ge [sflag:s26], $0x10  }
0x1e4: {  	[sflag:s26] =	ssyncset.done $0x0  }
0x1e5: {  	s30 =	sadd.s32 $0x20, s4;
	[sflag:s26] =	ssyncadd.s32 $0xFFFFFFF0  }
0x1e6: {  	[hbm4b:s30+s3] =	stream.linear.scatter [tilespmem:s9], [sflag:$0x5], $0x80, $0x38;
	[tilespmem:$0x400] =	vst v63  }
0x1e7: {  	_ =	swait.ge [sflag:s28], $0x10  }
0x1e8: {  	[sflag:s28] =	ssyncset.done $0x0  }
0x1e9: {  	[sflag:s28] =	ssyncadd.s32 $0xFFFFFFF0  }
0x1ea: {  	_ =	swait.ge [sflag:s28], $0x10  }
0x1eb: {  	[sflag:s28] =	ssyncset.done $0x0  }
0x1ec: {  	[sflag:s28] =	ssyncadd.s32 $0xFFFFFFF0  }
0x1ed: {  	_ =	swait.ge [sflag:s28], $0x10  }
0x1ee: {  	[sflag:s28] =	ssyncset.done $0x0  }
0x1ef: {  	[sflag:s28] =	ssyncadd.s32 $0xFFFFFFF0  }
0x1f0: {  	_ =	swait.ge [sflag:s28], $0x10  }
0x1f1: {  	[sflag:s28] =	ssyncset.done $0x0  }
0x1f2: {  	[sflag:s28] =	ssyncadd.s32 $0xFFFFFFF0  }
0x1f3: {  	_ =	swait.ge [sflag:s28], $0x10  }
0x1f4: {  	[sflag:s28] =	ssyncset.done $0x0  }
0x1f5: {  	[sflag:s28] =	ssyncadd.s32 $0xFFFFFFF0  }
0x1f6: {  	_ =	swait.ge [sflag:s28], $0x10  }
0x1f7: {  	[sflag:s28] =	ssyncset.done $0x0  }
0x1f8: {  	[sflag:s28] =	ssyncadd.s32 $0xFFFFFFF0  }
0x1f9: {  	_ =	swait.ge [sflag:s28], $0x10  }
0x1fa: {  	[sflag:s28] =	ssyncset.done $0x0  }
0x1fb: {  	[sflag:s28] =	ssyncadd.s32 $0xFFFFFFF0  }
0x1fc: {  	_ =	swait.ge [sflag:s28], $0x10  }
0x1fd: {  	[sflag:s28] =	ssyncset.done $0x0  }
0x1fe: {  	s31 =	sadd.s32 $0x30, s4;
	[sflag:s28] =	ssyncadd.s32 $0xFFFFFFF0  }
0x1ff: {  	[hbm4b:s31+s3] =	stream.linear.scatter [tilespmem:s16], [sflag:$0x5], $0x80, $0x38;
	[tilespmem:$0x400] =	vst v63  }
0x200: {  	_ =	swait.ge [sflag:s29], $0x80  }
0x201: {  	[sflag:s29] =	ssyncset.done $0x0  }
0x202: {  	[sflag:s29] =	ssyncadd.s32 $0xFFFFFF80  }
0x203: {  	_ =	swait.ge [sflag:s29], $0x80  }
0x204: {  	[sflag:s29] =	ssyncset.done $0x0  }
0x205: {  	[sflag:s29] =	ssyncadd.s32 $0xFFFFFF80  }
0x206: {  	p0 =	sne.s32 s5, $0x1;
	_ =	swait.ge [sflag:s29], $0x80  }
.Ltmp0:
0x207: {  	[sflag:s29] =	ssyncset.done $0x0;
	(pc) =	sbr.rel @p0 .LBB2_1-.Ltmp0, $4  }
0x208: {  	[sflag:s29] =	ssyncadd.s32 $0xFFFFFF80  }
0x209: {  	_ =	swait.ge [sflag:s29], $0x80  }
0x20a: {  	[sflag:s29] =	ssyncset.done $0x0  }
0x20b: {  	s5 =	sadd.s32 $0xFFFFFFFF, s5;
	[sflag:s29] =	ssyncadd.s32 $0xFFFFFF80  }
0x20c: {  	_ =	sfence.sel $0x180000  }
0x20d: {  	[bflag:$0x0] =	sbarrier.arrive $0xFFFF  }
0x20e: {  	_ =	strace $0x90000047  }
0x20f: {  	s0 =	stileid.u32;
	[bflag:$0x2] =	sbarrier.arrive $0xFFFF  }
0x210: {  	p0 =	sne.s32 s0, $0x0;
	s0 =	rddreg [dreg:$0x3]  }
0x211: {  	s0 =	sadd.s32 @!p0 $0x100000, s0  }
0x212: {  	[sflag:s0] =	ssyncadd.tile.s32 @!p0 $0x1;
	_ =	shalt  }
.Lfunc_end2:
_tile_overlayer_lowered:
.L_overlay_start_2:
0x213: {  	(tag) =	ssettag $0x2  }
0x214: {  	s0 =	rddreg [dreg:$0x0];
	s2 =	stileid.u32  }
0x215: {  	s1 =	rddreg [dreg:$0x1];
	p0 =	sne.s32 s2, $0x0  }
0x216: {  	s3 =	rddreg [dreg:$0x2];
	[bflag:$0x3] =	sbarrier.arrive $0xFFFF;
	s2 =	simm.s32 @!p0 $0x1C06  }
0x217: {  	[timem:s3], [sflag:s2] =	dma.local @!p0 [hbm:s0], s1  }
0x218: {  	s0 =	simm.s32 @!p0 $0x6  }
0x219: {  	_ =	swait.ge @!p0 [sflag:s0], s1  }
0x21a: {  	s1 =	ssub.s32 @!p0 $0x0, s1;
	[sflag:s0] =	ssyncset.done @!p0 $0x0  }
0x21b: {  	[sflag:s0] =	ssyncadd.s32 @!p0 s1  }
0x21c: {  	[bflag:$0x3] =	sbarrier.arrive $0xFFFF  }
0x21d: {  	_ =	shalt  }

</sc_bundles>
